<compile_context>
chip_gen: v7x
topology: tpu7x:2x2x1
jax: 0.10.2.dev20260603
libtpu: 0.0.44.dev20260713+nightly
codegen_flags: <defaults>
</compile_context>

<pallas_src>
import functools

import jax
import jax.numpy as jnp
import numpy as np
from jax import lax
from jax.experimental import pallas as pl
from jax.experimental.pallas import tpu as pltpu
from jax.experimental.pallas import tpu_sc as plsc

_N = 10000
_D = 128
_HID = 64
_LAT = 64
_NPRED = 5
_NCLASS = 40
_E = 320000
_NODE2 = _N * (1 + _NPRED)


def _mm_kern(x_ref, w_ref, b_ref, o_ref, *, act):
    r = jnp.dot(x_ref[...], w_ref[...],
                preferred_element_type=jnp.float32) + b_ref[...]
    if act == "relu":
        r = jnp.maximum(r, 0.0)
    elif act == "tanh":
        r = jnp.tanh(r)
    o_ref[...] = r


def _matmul(x, w, b=None, act=None, bm=500):
    m, k = x.shape
    _, n = w.shape
    assert m % bm == 0, (m, bm)
    if b is None:
        b = jnp.zeros((n,), jnp.float32)
    return pl.pallas_call(
        functools.partial(_mm_kern, act=act),
        grid=(m // bm,),
        in_specs=[
            pl.BlockSpec((bm, k), lambda i: (i, 0)),
            pl.BlockSpec((k, n), lambda i: (0, 0)),
            pl.BlockSpec((1, n), lambda i: (0, 0)),
        ],
        out_specs=pl.BlockSpec((bm, n), lambda i: (i, 0)),
        out_shape=jax.ShapeDtypeStruct((m, n), jnp.float32),
        compiler_params=pltpu.CompilerParams(
            dimension_semantics=("parallel",)),
    )(x, w, b.reshape(1, n))


def _gen_kern(z_ref, nz_ref, w1_ref, b1_ref, w2_ref, b2_ref, w3_ref, b3_ref,
              rw_ref, rb_ref, gen_ref, deg_ref, g1_ref, g2_ref):
    z = z_ref[...]
    deg_ref[...] = jnp.maximum(
        jnp.dot(z, rw_ref[...], preferred_element_type=jnp.float32)
        + rb_ref[0, 0], 0.0)
    zn = z + nz_ref[...]
    g1_ref[...] = jnp.maximum(
        jnp.dot(zn, w1_ref[...], preferred_element_type=jnp.float32)
        + b1_ref[...], 0.0)
    g2_ref[...] = jnp.maximum(
        jnp.dot(g1_ref[...], w2_ref[...], preferred_element_type=jnp.float32)
        + b2_ref[...], 0.0)
    gen_ref[...] = jnp.tanh(
        jnp.dot(g2_ref[...], w3_ref[...], preferred_element_type=jnp.float32)
        + b3_ref[...])


def _generator(z, noise, g_w1, g_b1, g_w2, g_b2, g_w3, g_b3, reg_w, reg_b):
    bm = 400
    nout = _NPRED * _D
    return pl.pallas_call(
        _gen_kern,
        grid=(_N // bm,),
        in_specs=[
            pl.BlockSpec((bm, _LAT), lambda i: (i, 0)),
            pl.BlockSpec((bm, _LAT), lambda i: (i, 0)),
            pl.BlockSpec((_LAT, 256), lambda i: (0, 0)),
            pl.BlockSpec((1, 256), lambda i: (0, 0)),
            pl.BlockSpec((256, 2048), lambda i: (0, 0)),
            pl.BlockSpec((1, 2048), lambda i: (0, 0)),
            pl.BlockSpec((2048, nout), lambda i: (0, 0)),
            pl.BlockSpec((1, nout), lambda i: (0, 0)),
            pl.BlockSpec((_LAT, 1), lambda i: (0, 0)),
            pl.BlockSpec((1, 1), lambda i: (0, 0)),
        ],
        out_specs=[
            pl.BlockSpec((bm, nout), lambda i: (i, 0)),
            pl.BlockSpec((bm, 1), lambda i: (i, 0)),
        ],
        out_shape=[
            jax.ShapeDtypeStruct((_N, nout), jnp.float32),
            jax.ShapeDtypeStruct((_N, 1), jnp.float32),
        ],
        scratch_shapes=[pltpu.VMEM((bm, 256), jnp.float32),
                        pltpu.VMEM((bm, 2048), jnp.float32)],
        compiler_params=pltpu.CompilerParams(
            dimension_semantics=("parallel",)),
    )(z, noise, g_w1, g_b1.reshape(1, 256), g_w2, g_b2.reshape(1, 2048),
      g_w3, g_b3.reshape(1, nout), reg_w, reg_b.reshape(1, 1))


_NCHUNK = 128
_CPW = 160
_PAD_E2 = 32 * _CPW * _NCHUNK
_NRACC = 10112


def _sc_spmm(rc_packed, w_vals, flags, xg):
    width = xg.shape[1]
    nc, ns = 2, 16
    rpt = _NRACC // ns

    def body(rc_hbm, w_hbm, fl_hbm, xg_hbm, zer_hbm, out_hbm,
             acc_sh, rc8_v, ri0_v, ri1_v, ci0_v, ci1_v, w_v, fl_v,
             g0_v, g1_v, semg0, semg1, sems0, sems1):
        cid = lax.axis_index("c")
        sid = lax.axis_index("s")
        wid = sid * nc + cid
        stripe = pl.ds(sid * rpt, rpt)
        pltpu.sync_copy(zer_hbm, acc_sh.at[stripe])
        pltpu.sync_copy(fl_hbm.at[pl.ds(wid * 176, 176)], fl_v)
        plsc.subcore_barrier()
        base = wid * _CPW
        gbuf = (g0_v, g1_v)
        ribuf = (ri0_v, ri1_v)
        cibuf = (ci0_v, ci1_v)
        semg = (semg0, semg1)
        sems = (sems0, sems1)

        def unpack(g, ri_v, ci_v):
            r8 = lax.rem(g, 8)
            for j in range(_NCHUNK // 16):
                v = rc8_v[r8, pl.ds(j * 16, 16)]
                ri_v[pl.ds(j * 16, 16)] = lax.shift_right_logical(v, 14)
                ci_v[pl.ds(j * 16, 16)] = lax.bitwise_and(v, 16383)

        def scale(g, g_v):
            flag = fl_v[pl.ds(g, 16)][0]

            @pl.when(flag != 0)
            def _():
                pltpu.sync_copy(
                    w_hbm.at[pl.ds((base + g) * _NCHUNK, _NCHUNK)],
                    w_v.at[pl.ds(0, _NCHUNK)])

                def rowbody(k, c2):
                    wk = w_v[pl.ds(k, 16)][0]
                    for j in range(width // 16):
                        sl = g_v[k, pl.ds(j * 16, 16)]
                        g_v[k, pl.ds(j * 16, 16)] = sl * wk
                    return c2

                lax.fori_loop(0, _NCHUNK, rowbody, 0)

        def stage(g, p):
            q = 1 - p
            gn = lax.rem(g + 1, _CPW)

            @pl.when(lax.rem(gn, 8) == 0)
            def _():
                off = pl.multiple_of(base + gn, 8)
                pltpu.sync_copy(rc_hbm.at[pl.ds(off, 8)], rc8_v)

            @pl.when(g >= 1)
            def _():
                pltpu.make_async_copy(gbuf[q], acc_sh.at[ribuf[q]],
                                      sems[q]).wait()

            unpack(gn, ribuf[q], cibuf[q])
            pltpu.make_async_copy(xg_hbm.at[cibuf[q]], gbuf[q],
                                  semg[q]).start()
            pltpu.make_async_copy(xg_hbm.at[cibuf[p]], gbuf[p],
                                  semg[p]).wait()
            scale(g, gbuf[p])
            pltpu.async_copy(gbuf[p], acc_sh.at[ribuf[p]], sems[p], add=True)

        pltpu.sync_copy(rc_hbm.at[pl.ds(base, 8)], rc8_v)
        unpack(0, ri0_v, ci0_v)
        pltpu.make_async_copy(xg_hbm.at[ci0_v], g0_v, semg0).start()

        def it(i, carry):
            stage(2 * i, 0)
            stage(2 * i + 1, 1)
            return carry

        lax.fori_loop(0, _CPW // 2, it, 0)
        pltpu.make_async_copy(xg_hbm.at[ci0_v], g0_v, semg0).wait()
        pltpu.make_async_copy(g1_v, acc_sh.at[ri1_v], sems1).wait()
        plsc.subcore_barrier()
        pltpu.sync_copy(acc_sh.at[stripe], out_hbm.at[cid, stripe])

    f = pl.kernel(
        body,
        out_type=jax.ShapeDtypeStruct((nc, _NRACC, width), jnp.float32),
        mesh=plsc.VectorSubcoreMesh(core_axis_name="c", subcore_axis_name="s",
                                    num_cores=nc, num_subcores=ns),
        scratch_types=[
            pltpu.VMEM_SHARED((_NRACC, width), jnp.float32),
            pltpu.VMEM((8, _NCHUNK), jnp.int32),
            pltpu.VMEM((_NCHUNK,), jnp.int32),
            pltpu.VMEM((_NCHUNK,), jnp.int32),
            pltpu.VMEM((_NCHUNK,), jnp.int32),
            pltpu.VMEM((_NCHUNK,), jnp.int32),
            pltpu.VMEM((_NCHUNK + 16,), jnp.float32),
            pltpu.VMEM((176,), jnp.int32),
            pltpu.VMEM((_NCHUNK, width), jnp.float32),
            pltpu.VMEM((_NCHUNK, width), jnp.float32),
            pltpu.SemaphoreType.DMA,
            pltpu.SemaphoreType.DMA,
            pltpu.SemaphoreType.DMA,
            pltpu.SemaphoreType.DMA,
        ],
    )
    zer = jnp.zeros((rpt, width), jnp.float32)
    out = f(rc_packed, w_vals, flags, xg, zer)
    return out[0] + out[1]


def _edge_entries(a, bcol):
    kf = (a * _N + bcol) * 2 + 1
    kb = (bcol * _N + a) * 2
    sk = jnp.sort(jnp.concatenate([kf, kb]))
    q = sk >> 1
    tag = (sk & 1).astype(jnp.int32)
    one = jnp.ones_like(tag)
    segf = jnp.concatenate([jnp.ones((1,), jnp.int32),
                            (q[1:] != q[:-1]).astype(jnp.int32)])
    segb = jnp.concatenate([(q[:-1] != q[1:]).astype(jnp.int32),
                            jnp.ones((1,), jnp.int32)])

    def segop(x, y):
        fx, tx, nx = x
        fy, ty, ny = y
        keep = fy == 1
        return (jnp.bitwise_or(fx, fy),
                jnp.where(keep, ty, tx + ty),
                jnp.where(keep, ny, nx + ny))

    _, tf, nf = lax.associative_scan(segop, (segf, tag, one))
    _, tb, nb = lax.associative_scan(segop,
                                     (segb[::-1], tag[::-1], one[::-1]))
    tb = tb[::-1]
    nb = nb[::-1]
    fcnt = tf + tb - tag
    tot = nf + nb - 1
    bcnt = tot - fcnt
    w = jnp.maximum(fcnt, bcnt).astype(jnp.float32) / tot.astype(jnp.float32)
    r = q // _N
    c = q % _N
    pad = _PAD_E2 - 2 * _E
    rc = r * 16384 + c
    rc = jnp.concatenate([rc, jnp.full((pad,), _N * 16384 + _N, jnp.int32)])
    w = jnp.concatenate([w, jnp.ones((pad,), jnp.float32)])
    flags = (w.reshape(-1, _NCHUNK) != 1.0).any(axis=1).astype(jnp.int32)
    flags = flags.reshape(32, _CPW)
    flags = jnp.concatenate(
        [flags, jnp.zeros((32, 176 - _CPW), jnp.int32)], axis=1).reshape(-1)
    return (rc.reshape(-1, _NCHUNK), w, flags)


def kernel(feat, adj, edges, enc_w1, enc_b1, enc_w2, enc_b2, reg_w, reg_b,
           g_w1, g_b1, g_w2, g_b2, g_w3, g_b3, cls_w1, cls_b1, cls_w2,
           cls_b2):
    t1 = _matmul(feat, enc_w1, bm=1000)
    h = _matmul(adj, t1, enc_b1, act="relu", bm=200)
    t2 = _matmul(h, enc_w2, bm=1000)
    z = _matmul(adj, t2, enc_b2, act="relu", bm=200)

    noise = jax.random.normal(jax.random.key(42), z.shape, dtype=jnp.float32)
    gen_feat, degree = _generator(z, noise, g_w1, g_b1, g_w2, g_b2, g_w3,
                                  g_b3, reg_w, reg_b)

    a = edges[:, 0].astype(jnp.int32)
    bcol = edges[:, 1].astype(jnp.int32)
    rc_list, w_list, e_flags = _edge_entries(a, bcol)

    deg_i = jnp.clip(degree.astype(jnp.int32).reshape(-1), 0, _NPRED)
    jj = jnp.arange(_NPRED, dtype=jnp.int32)
    mask = (jj[None, :] < deg_i[:, None]).astype(jnp.float32)

    w1p = jnp.zeros((_D, 128), jnp.float32).at[:, :_HID].set(cls_w1)
    b1p = jnp.zeros((128,), jnp.float32).at[_HID].set(1.0)
    xg1 = _matmul(feat, w1p, b1p, bm=1000)
    xg1p = jnp.concatenate([xg1, jnp.zeros((_NRACC - _N, 128), jnp.float32)])
    x1a = xg1[:, :_HID]
    x1b = _matmul(gen_feat.reshape(-1, _D), cls_w1, bm=1000)

    acc1full = _sc_spmm(rc_list, w_list, e_flags, xg1p)
    acc1 = acc1full[:_N, :_HID]
    rowsum = acc1full[:_N, _HID] + deg_i.astype(jnp.float32) + 1.0
    rinv = 1.0 / rowsum

    m1 = jnp.sum(mask[:, :, None] * x1b.reshape(_N, _NPRED, _HID), axis=1)
    h2a = jnp.maximum((acc1 + m1 + x1a) * rinv[:, None] + cls_b1, 0.0)
    minv = 1.0 / (1.0 + mask)
    h2b = jnp.maximum(
        (x1b.reshape(_N, _NPRED, _HID)
         + mask[:, :, None] * x1a[:, None, :]) * minv[:, :, None]
        + cls_b1, 0.0)

    w2p = jnp.zeros((_HID, 128), jnp.float32).at[:, :_NCLASS].set(cls_w2)
    xg2 = _matmul(h2a, w2p, bm=1000)
    xg2p = jnp.concatenate([xg2, jnp.zeros((_NRACC - _N, 128), jnp.float32)])
    y2a = xg2[:, :_NCLASS]
    y2b = _matmul(h2b.reshape(-1, _HID), cls_w2, bm=1000)

    acc2 = _sc_spmm(rc_list, w_list, e_flags, xg2p)[:_N, :_NCLASS]
    m2 = jnp.sum(mask[:, :, None] * y2b.reshape(_N, _NPRED, _NCLASS), axis=1)
    outa = jnp.maximum((acc2 + m2 + y2a) * rinv[:, None] + cls_b2, 0.0)
    outb = jnp.maximum(
        (y2b.reshape(_N, _NPRED, _NCLASS)
         + mask[:, :, None] * y2a[:, None, :]) * minv[:, :, None]
        + cls_b2, 0.0)
    nc_pred = jnp.concatenate([outa, outb.reshape(-1, _NCLASS)], axis=0)

    return (degree, gen_feat, nc_pred)

# --- scband reference (transcript-rebuilt; emitter-appended) ---
"""Pipeline reference for scband-local-sage-plus-72438918414810 (READ-ONLY COPY).

The authoritative reference and input builder live on the scoring server;
editing this copy changes nothing except your own understanding.
"""

import jax, jax.numpy as jnp
import numpy as np

N = 10000
D = 128
HID = 64
LAT = 64
NUM_PRED = 5
NCLASS = 40
E = 320000
NODE2 = N * (1 + NUM_PRED)

def _w(key, fan_in, shape):
    return (jax.random.normal(key, shape, dtype=jnp.float32) / np.sqrt(fan_in)).astype(jnp.float32)

def setup_inputs(seed: int = 0):
    key = jax.random.key(seed)
    ks = jax.random.split(key, 24)
    rng = np.random.default_rng(0)
    feat = jax.random.normal(ks[0], (N, D), dtype=jnp.float32)
    edges = jnp.asarray(rng.integers(0, N, size=(E, 2)), dtype=jnp.int32)
    # adj plays the role of a row-normalized dense adjacency; scale by 1/N to keep activations sane
    adj = jax.random.uniform(ks[1], (N, N), dtype=jnp.float32) / N
    inp = {
        'feat': feat,
        'adj': adj,
        'edges': edges,
        'enc_w1': _w(ks[2], D, (D, HID)), 'enc_b1': jnp.zeros((HID,), jnp.float32),
        'enc_w2': _w(ks[3], HID, (HID, LAT)), 'enc_b2': jnp.zeros((LAT,), jnp.float32),
        'reg_w': _w(ks[4], LAT, (LAT, 1)), 'reg_b': jnp.full((1,), 3.0, jnp.float32),
        'g_w1': _w(ks[5], LAT, (LAT, 256)), 'g_b1': jnp.zeros((256,), jnp.float32),
        'g_w2': _w(ks[6], 256, (256, 2048)), 'g_b2': jnp.zeros((2048,), jnp.float32),
        'g_w3': _w(ks[7], 2048, (2048, NUM_PRED * D)), 'g_b3': jnp.zeros((NUM_PRED * D,), jnp.float32),
        'cls_w1': _w(ks[8], D, (D, HID)), 'cls_b1': jnp.zeros((HID,), jnp.float32),
        'cls_w2': _w(ks[9], HID, (HID, NCLASS)), 'cls_b2': jnp.zeros((NCLASS,), jnp.float32),
    }
    return inp

def _build_mend_adj(edges, degree):
    # MendGraph: add edge (i, N + i*num_pred + j) for j < clip(int(degree_i), 0, num_pred)
    n2 = jnp.uint32(NODE2)
    deg = jnp.clip(degree.astype(jnp.int32).reshape(-1), 0, NUM_PRED)
    jj = jnp.arange(NUM_PRED, dtype=jnp.int32)
    mask = (jj[None, :] < deg[:, None]).reshape(-1)
    ii = jnp.broadcast_to(jnp.arange(N, dtype=jnp.int32)[:, None], (N, NUM_PRED)).reshape(-1)
    jjf = jnp.broadcast_to(jj[None, :], (N, NUM_PRED)).reshape(-1)
    dst = N + ii * NUM_PRED + jjf
    rows = jnp.concatenate([edges[:, 0].astype(jnp.uint32), ii.astype(jnp.uint32)])
    cols = jnp.concatenate([edges[:, 1].astype(jnp.uint32), dst.astype(jnp.uint32)])
    valid = jnp.concatenate([jnp.ones((E,), dtype=bool), mask])
    sentinel = jnp.uint32(0xFFFFFFFF)
    kf = jnp.where(valid, rows * n2 + cols, sentinel)
    kb = jnp.where(valid, cols * n2 + rows, sentinel)
    sf = jnp.sort(kf)
    sb = jnp.sort(kb)
    sk = jnp.sort(jnp.concatenate([kf, kb]))
    first = jnp.concatenate([jnp.ones((1,), dtype=bool), sk[1:] != sk[:-1]])
    cf = jnp.searchsorted(sf, sk, side='right') - jnp.searchsorted(sf, sk, side='left')
    cb = jnp.searchsorted(sb, sk, side='right') - jnp.searchsorted(sb, sk, side='left')
    # adj + adj.T*(adj.T>adj) - adj*(adj.T>adj) == elementwise max(adj, adj.T)
    sym = jnp.maximum(cf, cb).astype(jnp.float32)
    keep = first & (sk != sentinel)
    v = jnp.where(keep, sym, jnp.float32(0.0))
    r = jnp.where(keep, (sk // n2).astype(jnp.int32), 0)
    c = jnp.where(keep, (sk % n2).astype(jnp.int32), 0)
    # + eye (duplicate COO entries are summed by spmm / rowsum, matching scipy)
    eye = jnp.arange(NODE2, dtype=jnp.int32)
    r = jnp.concatenate([r, eye])
    c = jnp.concatenate([c, eye])
    v = jnp.concatenate([v, jnp.ones((NODE2,), jnp.float32)])
    rowsum = jax.ops.segment_sum(v, r, num_segments=NODE2)
    rinv = jnp.where(rowsum > 0, 1.0 / jnp.where(rowsum > 0, rowsum, 1.0), 0.0)
    v = v * rinv[r]
    return r, c, v

def _spmm(r, c, v, x):
    return jax.ops.segment_sum(v[:, None] * x[c], r, num_segments=NODE2)

def reference(feat, adj, edges, enc_w1, enc_b1, enc_w2, enc_b2, reg_w, reg_b, g_w1, g_b1, g_w2, g_b2, g_w3, g_b3, cls_w1, cls_b1, cls_w2, cls_b2):
    # encoder GNN (eval mode: dropout is identity)
    h = jax.nn.relu(adj @ (feat @ enc_w1) + enc_b1)
    z = jax.nn.relu(adj @ (h @ enc_w2) + enc_b2)
    # degree regression
    degree = jax.nn.relu(z @ reg_w + reg_b)
    # generator with Sampling (fixed-key gaussian noise for determinism)
    noise = jax.random.normal(jax.random.key(42), z.shape, dtype=jnp.float32)
    g = jax.nn.relu((z + noise) @ g_w1 + g_b1)
    g = jax.nn.relu(g @ g_w2 + g_b2)
    gen_feat = jnp.tanh(g @ g_w3 + g_b3)
    # mend graph (integer / structural part, detached in original)
    r, c, v = _build_mend_adj(edges, degree)
    fill_feats = jnp.vstack([jax.lax.stop_gradient(feat), gen_feat.reshape(-1, D)])
    # classifier GNN on mended sparse graph
    h2 = jax.nn.relu(_spmm(r, c, v, fill_feats @ cls_w1) + cls_b1)
    nc_pred = jax.nn.relu(_spmm(r, c, v, h2 @ cls_w2) + cls_b2)
    return (degree, gen_feat, nc_pred)

if __name__ == "__main__":
    import jax
    _d = setup_inputs()
    print(jax.jit(kernel)(*tuple(_d.values())))

</pallas_src>

<mosaic_0001>
#map = affine_map<(d0, d1) -> (0, 0)>
#map1 = affine_map<(d0, d1) -> (0)>
#map2 = affine_map<(d0, d1) -> (0, 0, 0)>
module attributes {stable_mosaic.version = 14 : i64} {
  func.func @body(%arg0: i32, %arg1: i32, %arg2: memref<5120x128xi32, #tpu.memory_space<hbm>>, %arg3: memref<655360xf32, #tpu.memory_space<hbm>>, %arg4: memref<5632xi32, #tpu.memory_space<hbm>>, %arg5: memref<10112x128xf32, #tpu.memory_space<hbm>>, %arg6: memref<632x128xf32, #tpu.memory_space<hbm>>, %arg7: memref<2x10112x128xf32, #tpu.memory_space<hbm>>, %arg8: memref<10112x128xf32, #tpu.memory_space<vmem_shared>>, %arg9: memref<8x128xi32, #tpu.memory_space<vmem>>, %arg10: memref<128xi32, #tpu.memory_space<vmem>>, %arg11: memref<128xi32, #tpu.memory_space<vmem>>, %arg12: memref<128xi32, #tpu.memory_space<vmem>>, %arg13: memref<128xi32, #tpu.memory_space<vmem>>, %arg14: memref<144xf32, #tpu.memory_space<vmem>>, %arg15: memref<176xi32, #tpu.memory_space<vmem>>, %arg16: memref<128x128xf32, #tpu.memory_space<vmem>>, %arg17: memref<128x128xf32, #tpu.memory_space<vmem>>, %arg18: memref<!tpu.dma_semaphore, #tpu.memory_space<semaphore_mem>>, %arg19: memref<!tpu.dma_semaphore, #tpu.memory_space<semaphore_mem>>, %arg20: memref<!tpu.dma_semaphore, #tpu.memory_space<semaphore_mem>>, %arg21: memref<!tpu.dma_semaphore, #tpu.memory_space<semaphore_mem>>) attributes {dimension_semantics = [#tpu.dimension_semantics<core_parallel>, #tpu.dimension_semantics<subcore_parallel>], iteration_bounds = array<i64: 2, 16>, scalar_prefetch = 0 : i64, scratch_operands = 14 : i64, tpu.core_type = #tpu.core_type<sc_vector_subcore>, window_params = [{transform_indices = #map}, {transform_indices = #map1}, {transform_indices = #map1}, {transform_indices = #map}, {transform_indices = #map}, {transform_indices = #map2}]} {
    %mul3A = arith.constant 2 : i32
    %mul3A_0 = arith.muli %arg1, %mul3A : i32
    %add3A = arith.addi %mul3A_0, %arg0 : i32
    %mul3A_1 = arith.constant 632 : i32
    %mul3A_2 = arith.muli %arg1, %mul3A_1 : i32
    "tpu.region"() ({
      %run_scoped3A = tpu.sem_alloc : memref<!tpu.dma_semaphore, #tpu.memory_space<semaphore_mem>>
      %dma_start3A_162 = arith.constant 0 : i32
      %dma_start3A_163 = tpu.memref_slice %arg8[%mul3A_2, %dma_start3A_162] : memref<10112x128xf32, #tpu.memory_space<vmem_shared>> -> memref<632x128xf32, #tpu.memory_space<vmem_shared>>
      tpu.enqueue_dma source(%arg6 : memref<632x128xf32, #tpu.memory_space<hbm>>) target(%dma_start3A_163 : memref<632x128xf32, #tpu.memory_space<vmem_shared>>) target_semaphore(%run_scoped3A : memref<!tpu.dma_semaphore, #tpu.memory_space<semaphore_mem>>)
      %dma_wait3A_164 = arith.constant 0 : i32
      %dma_wait3A_165 = tpu.memref_slice %arg8[%mul3A_2, %dma_wait3A_164] : memref<10112x128xf32, #tpu.memory_space<vmem_shared>> -> memref<632x128xf32, #tpu.memory_space<vmem_shared>>
      tpu.wait_dma2 semaphore(%run_scoped3A : memref<!tpu.dma_semaphore, #tpu.memory_space<semaphore_mem>>) src(%arg6 : memref<632x128xf32, #tpu.memory_space<hbm>>) dst(%dma_wait3A_165 : memref<632x128xf32, #tpu.memory_space<vmem_shared>>)
      tpu.yield
    }) : () -> ()
    %mul3A_3 = arith.constant 176 : i32
    %mul3A_4 = arith.muli %add3A, %mul3A_3 : i32
    "tpu.region"() ({
      %run_scoped3A = tpu.sem_alloc : memref<!tpu.dma_semaphore, #tpu.memory_space<semaphore_mem>>
      %dma_start3A_162 = tpu.memref_slice %arg4[%mul3A_4] : memref<5632xi32, #tpu.memory_space<hbm>> -> memref<176xi32, #tpu.memory_space<hbm>>
      %dma_start3A_163 = tpu.memref_slice %arg4[%mul3A_4] : memref<5632xi32, #tpu.memory_space<hbm>> -> memref<176xi32, #tpu.memory_space<hbm>>
      tpu.enqueue_dma source(%dma_start3A_163 : memref<176xi32, #tpu.memory_space<hbm>>) target(%arg15 : memref<176xi32, #tpu.memory_space<vmem>>) target_semaphore(%run_scoped3A : memref<!tpu.dma_semaphore, #tpu.memory_space<semaphore_mem>>)
      %dma_wait3A_164 = tpu.memref_slice %arg4[%mul3A_4] : memref<5632xi32, #tpu.memory_space<hbm>> -> memref<176xi32, #tpu.memory_space<hbm>>
      %dma_wait3A_165 = tpu.memref_slice %arg4[%mul3A_4] : memref<5632xi32, #tpu.memory_space<hbm>> -> memref<176xi32, #tpu.memory_space<hbm>>
      tpu.wait_dma2 semaphore(%run_scoped3A : memref<!tpu.dma_semaphore, #tpu.memory_space<semaphore_mem>>) src(%dma_wait3A_165 : memref<176xi32, #tpu.memory_space<hbm>>) dst(%arg15 : memref<176xi32, #tpu.memory_space<vmem>>)
      tpu.yield
    }) : () -> ()
    %barrier3A = arith.constant 0 : index
    tpu.barrier barrier_id(%barrier3A)
    %mul3A_5 = arith.constant 160 : i32
    %mul3A_6 = arith.muli %add3A, %mul3A_5 : i32
    "tpu.region"() ({
      %run_scoped3A = tpu.sem_alloc : memref<!tpu.dma_semaphore, #tpu.memory_space<semaphore_mem>>
      %dma_start3A_162 = arith.constant 0 : i32
      %dma_start3A_163 = tpu.memref_slice %arg2[%mul3A_6, %dma_start3A_162] : memref<5120x128xi32, #tpu.memory_space<hbm>> -> memref<8x128xi32, #tpu.memory_space<hbm>>
      %dma_start3A_164 = arith.constant 0 : i32
      %dma_start3A_165 = tpu.memref_slice %arg2[%mul3A_6, %dma_start3A_164] : memref<5120x128xi32, #tpu.memory_space<hbm>> -> memref<8x128xi32, #tpu.memory_space<hbm>>
      tpu.enqueue_dma source(%dma_start3A_165 : memref<8x128xi32, #tpu.memory_space<hbm>>) target(%arg9 : memref<8x128xi32, #tpu.memory_space<vmem>>) target_semaphore(%run_scoped3A : memref<!tpu.dma_semaphore, #tpu.memory_space<semaphore_mem>>)
      %dma_wait3A_166 = arith.constant 0 : i32
      %dma_wait3A_167 = tpu.memref_slice %arg2[%mul3A_6, %dma_wait3A_166] : memref<5120x128xi32, #tpu.memory_space<hbm>> -> memref<8x128xi32, #tpu.memory_space<hbm>>
      %dma_wait3A_168 = arith.constant 0 : i32
      %dma_wait3A_169 = tpu.memref_slice %arg2[%mul3A_6, %dma_wait3A_168] : memref<5120x128xi32, #tpu.memory_space<hbm>> -> memref<8x128xi32, #tpu.memory_space<hbm>>
      tpu.wait_dma2 semaphore(%run_scoped3A : memref<!tpu.dma_semaphore, #tpu.memory_space<semaphore_mem>>) src(%dma_wait3A_169 : memref<8x128xi32, #tpu.memory_space<hbm>>) dst(%arg9 : memref<8x128xi32, #tpu.memory_space<vmem>>)
      tpu.yield
    }) : () -> ()
    %rem3A = arith.constant 0 : i32
    %rem3A_7 = arith.constant 8 : i32
    %rem3A_8 = arith.remsi %rem3A, %rem3A_7 : i32
    %get3A = arith.index_cast %rem3A_8 : i32 to index
    %get3A_9 = arith.constant 0 : index
    %get3A_10 = tpu.vector_load %arg9[%get3A, %get3A_9] {strides = array<i32>} : memref<8x128xi32, #tpu.memory_space<vmem>>, vector<1x16xi32>,
    %get3A_11 = vector.shape_cast %get3A_10 : vector<1x16xi32> to vector<16xi32>
    %shift_right_logical3A = arith.constant 14 : i32
    %shift_right_logical3A_12 = vector.broadcast %shift_right_logical3A : i32 to vector<16xi32>
    %shift_right_logical3A_13 = arith.shrui %get3A_11, %shift_right_logical3A_12 : vector<16xi32>
    %swap3A = arith.constant 0 : index
    %swap3A_14 = tpu.vector_load %arg10[%swap3A] {strides = array<i32>} : memref<128xi32, #tpu.memory_space<vmem>>, vector<16xi32>,
    %swap3A_15 = vector.shape_cast %swap3A_14 : vector<16xi32> to vector<16xi32>
    %swap3A_16 = vector.shape_cast %shift_right_logical3A_13 : vector<16xi32> to vector<16xi32>
    tpu.vector_store %arg10[%swap3A], %swap3A_16 {strides = array<i32>} : memref<128xi32, #tpu.memory_space<vmem>>, vector<16xi32>,
    %and3A = arith.constant 16383 : i32
    %and3A_17 = vector.broadcast %and3A : i32 to vector<16xi32>
    %and3A_18 = arith.andi %get3A_11, %and3A_17 : vector<16xi32>
    %swap3A_19 = arith.constant 0 : index
    %swap3A_20 = tpu.vector_load %arg12[%swap3A_19] {strides = array<i32>} : memref<128xi32, #tpu.memory_space<vmem>>, vector<16xi32>,
    %swap3A_21 = vector.shape_cast %swap3A_20 : vector<16xi32> to vector<16xi32>
    %swap3A_22 = vector.shape_cast %and3A_18 : vector<16xi32> to vector<16xi32>
    tpu.vector_store %arg12[%swap3A_19], %swap3A_22 {strides = array<i32>} : memref<128xi32, #tpu.memory_space<vmem>>, vector<16xi32>,
    %get3A_23 = arith.index_cast %rem3A_8 : i32 to index
    %get3A_24 = arith.constant 16 : index
    %get3A_25 = tpu.vector_load %arg9[%get3A_23, %get3A_24] {strides = array<i32>} : memref<8x128xi32, #tpu.memory_space<vmem>>, vector<1x16xi32>,
    %get3A_26 = vector.shape_cast %get3A_25 : vector<1x16xi32> to vector<16xi32>
    %shift_right_logical3A_27 = arith.constant 14 : i32
    %shift_right_logical3A_28 = vector.broadcast %shift_right_logical3A_27 : i32 to vector<16xi32>
    %shift_right_logical3A_29 = arith.shrui %get3A_26, %shift_right_logical3A_28 : vector<16xi32>
    %swap3A_30 = arith.constant 16 : index
    %swap3A_31 = tpu.vector_load %arg10[%swap3A_30] {strides = array<i32>} : memref<128xi32, #tpu.memory_space<vmem>>, vector<16xi32>,
    %swap3A_32 = vector.shape_cast %swap3A_31 : vector<16xi32> to vector<16xi32>
    %swap3A_33 = vector.shape_cast %shift_right_logical3A_29 : vector<16xi32> to vector<16xi32>
    tpu.vector_store %arg10[%swap3A_30], %swap3A_33 {strides = array<i32>} : memref<128xi32, #tpu.memory_space<vmem>>, vector<16xi32>,
    %and3A_34 = arith.constant 16383 : i32
    %and3A_35 = vector.broadcast %and3A_34 : i32 to vector<16xi32>
    %and3A_36 = arith.andi %get3A_26, %and3A_35 : vector<16xi32>
    %swap3A_37 = arith.constant 16 : index
    %swap3A_38 = tpu.vector_load %arg12[%swap3A_37] {strides = array<i32>} : memref<128xi32, #tpu.memory_space<vmem>>, vector<16xi32>,
    %swap3A_39 = vector.shape_cast %swap3A_38 : vector<16xi32> to vector<16xi32>
    %swap3A_40 = vector.shape_cast %and3A_36 : vector<16xi32> to vector<16xi32>
    tpu.vector_store %arg12[%swap3A_37], %swap3A_40 {strides = array<i32>} : memref<128xi32, #tpu.memory_space<vmem>>, vector<16xi32>,
    %get3A_41 = arith.index_cast %rem3A_8 : i32 to index
    %get3A_42 = arith.constant 32 : index
    %get3A_43 = tpu.vector_load %arg9[%get3A_41, %get3A_42] {strides = array<i32>} : memref<8x128xi32, #tpu.memory_space<vmem>>, vector<1x16xi32>,
    %get3A_44 = vector.shape_cast %get3A_43 : vector<1x16xi32> to vector<16xi32>
    %shift_right_logical3A_45 = arith.constant 14 : i32
    %shift_right_logical3A_46 = vector.broadcast %shift_right_logical3A_45 : i32 to vector<16xi32>
    %shift_right_logical3A_47 = arith.shrui %get3A_44, %shift_right_logical3A_46 : vector<16xi32>
    %swap3A_48 = arith.constant 32 : index
    %swap3A_49 = tpu.vector_load %arg10[%swap3A_48] {strides = array<i32>} : memref<128xi32, #tpu.memory_space<vmem>>, vector<16xi32>,
    %swap3A_50 = vector.shape_cast %swap3A_49 : vector<16xi32> to vector<16xi32>
    %swap3A_51 = vector.shape_cast %shift_right_logical3A_47 : vector<16xi32> to vector<16xi32>
    tpu.vector_store %arg10[%swap3A_48], %swap3A_51 {strides = array<i32>} : memref<128xi32, #tpu.memory_space<vmem>>, vector<16xi32>,
    %and3A_52 = arith.constant 16383 : i32
    %and3A_53 = vector.broadcast %and3A_52 : i32 to vector<16xi32>
    %and3A_54 = arith.andi %get3A_44, %and3A_53 : vector<16xi32>
    %swap3A_55 = arith.constant 32 : index
    %swap3A_56 = tpu.vector_load %arg12[%swap3A_55] {strides = array<i32>} : memref<128xi32, #tpu.memory_space<vmem>>, vector<16xi32>,
    %swap3A_57 = vector.shape_cast %swap3A_56 : vector<16xi32> to vector<16xi32>
    %swap3A_58 = vector.shape_cast %and3A_54 : vector<16xi32> to vector<16xi32>
    tpu.vector_store %arg12[%swap3A_55], %swap3A_58 {strides = array<i32>} : memref<128xi32, #tpu.memory_space<vmem>>, vector<16xi32>,
    %get3A_59 = arith.index_cast %rem3A_8 : i32 to index
    %get3A_60 = arith.constant 48 : index
    %get3A_61 = tpu.vector_load %arg9[%get3A_59, %get3A_60] {strides = array<i32>} : memref<8x128xi32, #tpu.memory_space<vmem>>, vector<1x16xi32>,
    %get3A_62 = vector.shape_cast %get3A_61 : vector<1x16xi32> to vector<16xi32>
    %shift_right_logical3A_63 = arith.constant 14 : i32
    %shift_right_logical3A_64 = vector.broadcast %shift_right_logical3A_63 : i32 to vector<16xi32>
    %shift_right_logical3A_65 = arith.shrui %get3A_62, %shift_right_logical3A_64 : vector<16xi32>
    %swap3A_66 = arith.constant 48 : index
    %swap3A_67 = tpu.vector_load %arg10[%swap3A_66] {strides = array<i32>} : memref<128xi32, #tpu.memory_space<vmem>>, vector<16xi32>,
    %swap3A_68 = vector.shape_cast %swap3A_67 : vector<16xi32> to vector<16xi32>
    %swap3A_69 = vector.shape_cast %shift_right_logical3A_65 : vector<16xi32> to vector<16xi32>
    tpu.vector_store %arg10[%swap3A_66], %swap3A_69 {strides = array<i32>} : memref<128xi32, #tpu.memory_space<vmem>>, vector<16xi32>,
    %and3A_70 = arith.constant 16383 : i32
    %and3A_71 = vector.broadcast %and3A_70 : i32 to vector<16xi32>
    %and3A_72 = arith.andi %get3A_62, %and3A_71 : vector<16xi32>
    %swap3A_73 = arith.constant 48 : index
    %swap3A_74 = tpu.vector_load %arg12[%swap3A_73] {strides = array<i32>} : memref<128xi32, #tpu.memory_space<vmem>>, vector<16xi32>,
    %swap3A_75 = vector.shape_cast %swap3A_74 : vector<16xi32> to vector<16xi32>
    %swap3A_76 = vector.shape_cast %and3A_72 : vector<16xi32> to vector<16xi32>
    tpu.vector_store %arg12[%swap3A_73], %swap3A_76 {strides = array<i32>} : memref<128xi32, #tpu.memory_space<vmem>>, vector<16xi32>,
    %get3A_77 = arith.index_cast %rem3A_8 : i32 to index
    %get3A_78 = arith.constant 64 : index
    %get3A_79 = tpu.vector_load %arg9[%get3A_77, %get3A_78] {strides = array<i32>} : memref<8x128xi32, #tpu.memory_space<vmem>>, vector<1x16xi32>,
    %get3A_80 = vector.shape_cast %get3A_79 : vector<1x16xi32> to vector<16xi32>
    %shift_right_logical3A_81 = arith.constant 14 : i32
    %shift_right_logical3A_82 = vector.broadcast %shift_right_logical3A_81 : i32 to vector<16xi32>
    %shift_right_logical3A_83 = arith.shrui %get3A_80, %shift_right_logical3A_82 : vector<16xi32>
    %swap3A_84 = arith.constant 64 : index
    %swap3A_85 = tpu.vector_load %arg10[%swap3A_84] {strides = array<i32>} : memref<128xi32, #tpu.memory_space<vmem>>, vector<16xi32>,
    %swap3A_86 = vector.shape_cast %swap3A_85 : vector<16xi32> to vector<16xi32>
    %swap3A_87 = vector.shape_cast %shift_right_logical3A_83 : vector<16xi32> to vector<16xi32>
    tpu.vector_store %arg10[%swap3A_84], %swap3A_87 {strides = array<i32>} : memref<128xi32, #tpu.memory_space<vmem>>, vector<16xi32>,
    %and3A_88 = arith.constant 16383 : i32
    %and3A_89 = vector.broadcast %and3A_88 : i32 to vector<16xi32>
    %and3A_90 = arith.andi %get3A_80, %and3A_89 : vector<16xi32>
    %swap3A_91 = arith.constant 64 : index
    %swap3A_92 = tpu.vector_load %arg12[%swap3A_91] {strides = array<i32>} : memref<128xi32, #tpu.memory_space<vmem>>, vector<16xi32>,
    %swap3A_93 = vector.shape_cast %swap3A_92 : vector<16xi32> to vector<16xi32>
    %swap3A_94 = vector.shape_cast %and3A_90 : vector<16xi32> to vector<16xi32>
    tpu.vector_store %arg12[%swap3A_91], %swap3A_94 {strides = array<i32>} : memref<128xi32, #tpu.memory_space<vmem>>, vector<16xi32>,
    %get3A_95 = arith.index_cast %rem3A_8 : i32 to index
    %get3A_96 = arith.constant 80 : index
    %get3A_97 = tpu.vector_load %arg9[%get3A_95, %get3A_96] {strides = array<i32>} : memref<8x128xi32, #tpu.memory_space<vmem>>, vector<1x16xi32>,
    %get3A_98 = vector.shape_cast %get3A_97 : vector<1x16xi32> to vector<16xi32>
    %shift_right_logical3A_99 = arith.constant 14 : i32
    %shift_right_logical3A_100 = vector.broadcast %shift_right_logical3A_99 : i32 to vector<16xi32>
    %shift_right_logical3A_101 = arith.shrui %get3A_98, %shift_right_logical3A_100 : vector<16xi32>
    %swap3A_102 = arith.constant 80 : index
    %swap3A_103 = tpu.vector_load %arg10[%swap3A_102] {strides = array<i32>} : memref<128xi32, #tpu.memory_space<vmem>>, vector<16xi32>,
    %swap3A_104 = vector.shape_cast %swap3A_103 : vector<16xi32> to vector<16xi32>
    %swap3A_105 = vector.shape_cast %shift_right_logical3A_101 : vector<16xi32> to vector<16xi32>
    tpu.vector_store %arg10[%swap3A_102], %swap3A_105 {strides = array<i32>} : memref<128xi32, #tpu.memory_space<vmem>>, vector<16xi32>,
    %and3A_106 = arith.constant 16383 : i32
    %and3A_107 = vector.broadcast %and3A_106 : i32 to vector<16xi32>
    %and3A_108 = arith.andi %get3A_98, %and3A_107 : vector<16xi32>
    %swap3A_109 = arith.constant 80 : index
    %swap3A_110 = tpu.vector_load %arg12[%swap3A_109] {strides = array<i32>} : memref<128xi32, #tpu.memory_space<vmem>>, vector<16xi32>,
    %swap3A_111 = vector.shape_cast %swap3A_110 : vector<16xi32> to vector<16xi32>
    %swap3A_112 = vector.shape_cast %and3A_108 : vector<16xi32> to vector<16xi32>
    tpu.vector_store %arg12[%swap3A_109], %swap3A_112 {strides = array<i32>} : memref<128xi32, #tpu.memory_space<vmem>>, vector<16xi32>,
    %get3A_113 = arith.index_cast %rem3A_8 : i32 to index
    %get3A_114 = arith.constant 96 : index
    %get3A_115 = tpu.vector_load %arg9[%get3A_113, %get3A_114] {strides = array<i32>} : memref<8x128xi32, #tpu.memory_space<vmem>>, vector<1x16xi32>,
    %get3A_116 = vector.shape_cast %get3A_115 : vector<1x16xi32> to vector<16xi32>
    %shift_right_logical3A_117 = arith.constant 14 : i32
    %shift_right_logical3A_118 = vector.broadcast %shift_right_logical3A_117 : i32 to vector<16xi32>
    %shift_right_logical3A_119 = arith.shrui %get3A_116, %shift_right_logical3A_118 : vector<16xi32>
    %swap3A_120 = arith.constant 96 : index
    %swap3A_121 = tpu.vector_load %arg10[%swap3A_120] {strides = array<i32>} : memref<128xi32, #tpu.memory_space<vmem>>, vector<16xi32>,
    %swap3A_122 = vector.shape_cast %swap3A_121 : vector<16xi32> to vector<16xi32>
    %swap3A_123 = vector.shape_cast %shift_right_logical3A_119 : vector<16xi32> to vector<16xi32>
    tpu.vector_store %arg10[%swap3A_120], %swap3A_123 {strides = array<i32>} : memref<128xi32, #tpu.memory_space<vmem>>, vector<16xi32>,
    %and3A_124 = arith.constant 16383 : i32
    %and3A_125 = vector.broadcast %and3A_124 : i32 to vector<16xi32>
    %and3A_126 = arith.andi %get3A_116, %and3A_125 : vector<16xi32>
    %swap3A_127 = arith.constant 96 : index
    %swap3A_128 = tpu.vector_load %arg12[%swap3A_127] {strides = array<i32>} : memref<128xi32, #tpu.memory_space<vmem>>, vector<16xi32>,
    %swap3A_129 = vector.shape_cast %swap3A_128 : vector<16xi32> to vector<16xi32>
    %swap3A_130 = vector.shape_cast %and3A_126 : vector<16xi32> to vector<16xi32>
    tpu.vector_store %arg12[%swap3A_127], %swap3A_130 {strides = array<i32>} : memref<128xi32, #tpu.memory_space<vmem>>, vector<16xi32>,
    %get3A_131 = arith.index_cast %rem3A_8 : i32 to index
    %get3A_132 = arith.constant 112 : index
    %get3A_133 = tpu.vector_load %arg9[%get3A_131, %get3A_132] {strides = array<i32>} : memref<8x128xi32, #tpu.memory_space<vmem>>, vector<1x16xi32>,
    %get3A_134 = vector.shape_cast %get3A_133 : vector<1x16xi32> to vector<16xi32>
    %shift_right_logical3A_135 = arith.constant 14 : i32
    %shift_right_logical3A_136 = vector.broadcast %shift_right_logical3A_135 : i32 to vector<16xi32>
    %shift_right_logical3A_137 = arith.shrui %get3A_134, %shift_right_logical3A_136 : vector<16xi32>
    %swap3A_138 = arith.constant 112 : index
    %swap3A_139 = tpu.vector_load %arg10[%swap3A_138] {strides = array<i32>} : memref<128xi32, #tpu.memory_space<vmem>>, vector<16xi32>,
    %swap3A_140 = vector.shape_cast %swap3A_139 : vector<16xi32> to vector<16xi32>
    %swap3A_141 = vector.shape_cast %shift_right_logical3A_137 : vector<16xi32> to vector<16xi32>
    tpu.vector_store %arg10[%swap3A_138], %swap3A_141 {strides = array<i32>} : memref<128xi32, #tpu.memory_space<vmem>>, vector<16xi32>,
    %and3A_142 = arith.constant 16383 : i32
    %and3A_143 = vector.broadcast %and3A_142 : i32 to vector<16xi32>
    %and3A_144 = arith.andi %get3A_134, %and3A_143 : vector<16xi32>
    %swap3A_145 = arith.constant 112 : index
    %swap3A_146 = tpu.vector_load %arg12[%swap3A_145] {strides = array<i32>} : memref<128xi32, #tpu.memory_space<vmem>>, vector<16xi32>,
    %swap3A_147 = vector.shape_cast %swap3A_146 : vector<16xi32> to vector<16xi32>
    %swap3A_148 = vector.shape_cast %and3A_144 : vector<16xi32> to vector<16xi32>
    tpu.vector_store %arg12[%swap3A_145], %swap3A_148 {strides = array<i32>} : memref<128xi32, #tpu.memory_space<vmem>>, vector<16xi32>,
    %dma_start3A = arith.constant 0 : i32
    %dma_start3A_149 = arith.constant 0 : i32
    %dma_start3A_150 = tpu.memref_slice %arg5[%dma_start3A, %dma_start3A_149] : memref<10112x128xf32, #tpu.memory_space<hbm>> -> memref<10112x128xf32, #tpu.memory_space<hbm>>
    tpu.enqueue_indirect_dma source(%dma_start3A_150 : memref<10112x128xf32, #tpu.memory_space<hbm>>) target(%arg16 : memref<128x128xf32, #tpu.memory_space<vmem>>) offsets(%arg12 : memref<128xi32, #tpu.memory_space<vmem>>) semaphore(%arg18 : memref<!tpu.dma_semaphore, #tpu.memory_space<semaphore_mem>>)
    %scan3A = arith.constant 0 : i32
    %scan3A_151 = arith.constant 0 : i32
    %scan3A_152 = arith.constant 80 : i32
    %scan3A_153 = arith.addi %scan3A_151, %scan3A_152 : i32
    %scan3A_154 = arith.constant 1 : i32
    scf.for %scan3A_162 = %scan3A_151 to %scan3A_153 step %scan3A_154  : i32 {
      %mul3A_163 = arith.constant 2 : i32
      %mul3A_164 = arith.muli %mul3A_163, %scan3A_162 : i32
      %add3A_165 = arith.constant 1 : i32
      %add3A_166 = arith.addi %mul3A_164, %add3A_165 : i32
      %rem3A_167 = arith.constant 160 : i32
      %rem3A_168 = arith.remsi %add3A_166, %rem3A_167 : i32
      %rem3A_169 = arith.constant 8 : i32
      %rem3A_170 = arith.remsi %rem3A_168, %rem3A_169 : i32
      %eq3A = arith.constant 0 : i32
      %eq3A_171 = arith.cmpi eq, %rem3A_170, %eq3A : i32
      %convert_element_type3A = arith.extui %eq3A_171 : i1 to i32
      %cond3A = arith.constant 0 : i32
      %cond3A_172 = arith.cmpi ne, %convert_element_type3A, %cond3A : i32
      scf.if %cond3A_172 {
        %add3A_524 = arith.addi %mul3A_6, %rem3A_168 : i32
        %multiple_of3A = tpu.assume_multiple %add3A_524, 8 : i32
        "tpu.region"() ({
          %run_scoped3A = tpu.sem_alloc : memref<!tpu.dma_semaphore, #tpu.memory_space<semaphore_mem>>
          %dma_start3A_525 = arith.constant 0 : i32
          %dma_start3A_526 = tpu.memref_slice %arg2[%multiple_of3A, %dma_start3A_525] : memref<5120x128xi32, #tpu.memory_space<hbm>> -> memref<8x128xi32, #tpu.memory_space<hbm>>
          %dma_start3A_527 = arith.constant 0 : i32
          %dma_start3A_528 = tpu.memref_slice %arg2[%multiple_of3A, %dma_start3A_527] : memref<5120x128xi32, #tpu.memory_space<hbm>> -> memref<8x128xi32, #tpu.memory_space<hbm>>
          tpu.enqueue_dma source(%dma_start3A_528 : memref<8x128xi32, #tpu.memory_space<hbm>>) target(%arg9 : memref<8x128xi32, #tpu.memory_space<vmem>>) target_semaphore(%run_scoped3A : memref<!tpu.dma_semaphore, #tpu.memory_space<semaphore_mem>>)
          %dma_wait3A_529 = arith.constant 0 : i32
          %dma_wait3A_530 = tpu.memref_slice %arg2[%multiple_of3A, %dma_wait3A_529] : memref<5120x128xi32, #tpu.memory_space<hbm>> -> memref<8x128xi32, #tpu.memory_space<hbm>>
          %dma_wait3A_531 = arith.constant 0 : i32
          %dma_wait3A_532 = tpu.memref_slice %arg2[%multiple_of3A, %dma_wait3A_531] : memref<5120x128xi32, #tpu.memory_space<hbm>> -> memref<8x128xi32, #tpu.memory_space<hbm>>
          tpu.wait_dma2 semaphore(%run_scoped3A : memref<!tpu.dma_semaphore, #tpu.memory_space<semaphore_mem>>) src(%dma_wait3A_532 : memref<8x128xi32, #tpu.memory_space<hbm>>) dst(%arg9 : memref<8x128xi32, #tpu.memory_space<vmem>>)
          tpu.yield
        }) : () -> ()
      } else {
      }
      %ge3A = arith.constant 1 : i32
      %ge3A_173 = arith.cmpi sge, %mul3A_164, %ge3A : i32
      %convert_element_type3A_174 = arith.extui %ge3A_173 : i1 to i32
      %cond3A_175 = arith.constant 0 : i32
      %cond3A_176 = arith.cmpi ne, %convert_element_type3A_174, %cond3A_175 : i32
      scf.if %cond3A_176 {
        %dma_wait3A_524 = arith.constant 0 : i32
        %dma_wait3A_525 = arith.constant 0 : i32
        %dma_wait3A_526 = tpu.memref_slice %arg8[%dma_wait3A_524, %dma_wait3A_525] : memref<10112x128xf32, #tpu.memory_space<vmem_shared>> -> memref<10112x128xf32, #tpu.memory_space<vmem_shared>>
        tpu.wait_indirect_dma semaphore(%arg21 : memref<!tpu.dma_semaphore, #tpu.memory_space<semaphore_mem>>) src(%arg17 : memref<128x128xf32, #tpu.memory_space<vmem>>) dst(%dma_wait3A_526 : memref<10112x128xf32, #tpu.memory_space<vmem_shared>>)
      } else {
      }
      %rem3A_177 = arith.constant 8 : i32
      %rem3A_178 = arith.remsi %rem3A_168, %rem3A_177 : i32
      %get3A_179 = arith.index_cast %rem3A_178 : i32 to index
      %get3A_180 = arith.constant 0 : index
      %get3A_181 = tpu.vector_load %arg9[%get3A_179, %get3A_180] {strides = array<i32>} : memref<8x128xi32, #tpu.memory_space<vmem>>, vector<1x16xi32>,
      %get3A_182 = vector.shape_cast %get3A_181 : vector<1x16xi32> to vector<16xi32>
      %shift_right_logical3A_183 = arith.constant 14 : i32
      %shift_right_logical3A_184 = vector.broadcast %shift_right_logical3A_183 : i32 to vector<16xi32>
      %shift_right_logical3A_185 = arith.shrui %get3A_182, %shift_right_logical3A_184 : vector<16xi32>
      %swap3A_186 = arith.constant 0 : index
      %swap3A_187 = tpu.vector_load %arg11[%swap3A_186] {strides = array<i32>} : memref<128xi32, #tpu.memory_space<vmem>>, vector<16xi32>,
      %swap3A_188 = vector.shape_cast %swap3A_187 : vector<16xi32> to vector<16xi32>
      %swap3A_189 = vector.shape_cast %shift_right_logical3A_185 : vector<16xi32> to vector<16xi32>
      tpu.vector_store %arg11[%swap3A_186], %swap3A_189 {strides = array<i32>} : memref<128xi32, #tpu.memory_space<vmem>>, vector<16xi32>,
      %and3A_190 = arith.constant 16383 : i32
      %and3A_191 = vector.broadcast %and3A_190 : i32 to vector<16xi32>
      %and3A_192 = arith.andi %get3A_182, %and3A_191 : vector<16xi32>
      %swap3A_193 = arith.constant 0 : index
      %swap3A_194 = tpu.vector_load %arg13[%swap3A_193] {strides = array<i32>} : memref<128xi32, #tpu.memory_space<vmem>>, vector<16xi32>,
      %swap3A_195 = vector.shape_cast %swap3A_194 : vector<16xi32> to vector<16xi32>
      %swap3A_196 = vector.shape_cast %and3A_192 : vector<16xi32> to vector<16xi32>
      tpu.vector_store %arg13[%swap3A_193], %swap3A_196 {strides = array<i32>} : memref<128xi32, #tpu.memory_space<vmem>>, vector<16xi32>,
      %get3A_197 = arith.index_cast %rem3A_178 : i32 to index
      %get3A_198 = arith.constant 16 : index
      %get3A_199 = tpu.vector_load %arg9[%get3A_197, %get3A_198] {strides = array<i32>} : memref<8x128xi32, #tpu.memory_space<vmem>>, vector<1x16xi32>,
      %get3A_200 = vector.shape_cast %get3A_199 : vector<1x16xi32> to vector<16xi32>
      %shift_right_logical3A_201 = arith.constant 14 : i32
      %shift_right_logical3A_202 = vector.broadcast %shift_right_logical3A_201 : i32 to vector<16xi32>
      %shift_right_logical3A_203 = arith.shrui %get3A_200, %shift_right_logical3A_202 : vector<16xi32>
      %swap3A_204 = arith.constant 16 : index
      %swap3A_205 = tpu.vector_load %arg11[%swap3A_204] {strides = array<i32>} : memref<128xi32, #tpu.memory_space<vmem>>, vector<16xi32>,
      %swap3A_206 = vector.shape_cast %swap3A_205 : vector<16xi32> to vector<16xi32>
      %swap3A_207 = vector.shape_cast %shift_right_logical3A_203 : vector<16xi32> to vector<16xi32>
      tpu.vector_store %arg11[%swap3A_204], %swap3A_207 {strides = array<i32>} : memref<128xi32, #tpu.memory_space<vmem>>, vector<16xi32>,
      %and3A_208 = arith.constant 16383 : i32
      %and3A_209 = vector.broadcast %and3A_208 : i32 to vector<16xi32>
      %and3A_210 = arith.andi %get3A_200, %and3A_209 : vector<16xi32>
      %swap3A_211 = arith.constant 16 : index
      %swap3A_212 = tpu.vector_load %arg13[%swap3A_211] {strides = array<i32>} : memref<128xi32, #tpu.memory_space<vmem>>, vector<16xi32>,
      %swap3A_213 = vector.shape_cast %swap3A_212 : vector<16xi32> to vector<16xi32>
      %swap3A_214 = vector.shape_cast %and3A_210 : vector<16xi32> to vector<16xi32>
      tpu.vector_store %arg13[%swap3A_211], %swap3A_214 {strides = array<i32>} : memref<128xi32, #tpu.memory_space<vmem>>, vector<16xi32>,
      %get3A_215 = arith.index_cast %rem3A_178 : i32 to index
      %get3A_216 = arith.constant 32 : index
      %get3A_217 = tpu.vector_load %arg9[%get3A_215, %get3A_216] {strides = array<i32>} : memref<8x128xi32, #tpu.memory_space<vmem>>, vector<1x16xi32>,
      %get3A_218 = vector.shape_cast %get3A_217 : vector<1x16xi32> to vector<16xi32>
      %shift_right_logical3A_219 = arith.constant 14 : i32
      %shift_right_logical3A_220 = vector.broadcast %shift_right_logical3A_219 : i32 to vector<16xi32>
      %shift_right_logical3A_221 = arith.shrui %get3A_218, %shift_right_logical3A_220 : vector<16xi32>
      %swap3A_222 = arith.constant 32 : index
      %swap3A_223 = tpu.vector_load %arg11[%swap3A_222] {strides = array<i32>} : memref<128xi32, #tpu.memory_space<vmem>>, vector<16xi32>,
      %swap3A_224 = vector.shape_cast %swap3A_223 : vector<16xi32> to vector<16xi32>
      %swap3A_225 = vector.shape_cast %shift_right_logical3A_221 : vector<16xi32> to vector<16xi32>
      tpu.vector_store %arg11[%swap3A_222], %swap3A_225 {strides = array<i32>} : memref<128xi32, #tpu.memory_space<vmem>>, vector<16xi32>,
      %and3A_226 = arith.constant 16383 : i32
      %and3A_227 = vector.broadcast %and3A_226 : i32 to vector<16xi32>
      %and3A_228 = arith.andi %get3A_218, %and3A_227 : vector<16xi32>
      %swap3A_229 = arith.constant 32 : index
      %swap3A_230 = tpu.vector_load %arg13[%swap3A_229] {strides = array<i32>} : memref<128xi32, #tpu.memory_space<vmem>>, vector<16xi32>,
      %swap3A_231 = vector.shape_cast %swap3A_230 : vector<16xi32> to vector<16xi32>
      %swap3A_232 = vector.shape_cast %and3A_228 : vector<16xi32> to vector<16xi32>
      tpu.vector_store %arg13[%swap3A_229], %swap3A_232 {strides = array<i32>} : memref<128xi32, #tpu.memory_space<vmem>>, vector<16xi32>,
      %get3A_233 = arith.index_cast %rem3A_178 : i32 to index
      %get3A_234 = arith.constant 48 : index
      %get3A_235 = tpu.vector_load %arg9[%get3A_233, %get3A_234] {strides = array<i32>} : memref<8x128xi32, #tpu.memory_space<vmem>>, vector<1x16xi32>,
      %get3A_236 = vector.shape_cast %get3A_235 : vector<1x16xi32> to vector<16xi32>
      %shift_right_logical3A_237 = arith.constant 14 : i32
      %shift_right_logical3A_238 = vector.broadcast %shift_right_logical3A_237 : i32 to vector<16xi32>
      %shift_right_logical3A_239 = arith.shrui %get3A_236, %shift_right_logical3A_238 : vector<16xi32>
      %swap3A_240 = arith.constant 48 : index
      %swap3A_241 = tpu.vector_load %arg11[%swap3A_240] {strides = array<i32>} : memref<128xi32, #tpu.memory_space<vmem>>, vector<16xi32>,
      %swap3A_242 = vector.shape_cast %swap3A_241 : vector<16xi32> to vector<16xi32>
      %swap3A_243 = vector.shape_cast %shift_right_logical3A_239 : vector<16xi32> to vector<16xi32>
      tpu.vector_store %arg11[%swap3A_240], %swap3A_243 {strides = array<i32>} : memref<128xi32, #tpu.memory_space<vmem>>, vector<16xi32>,
      %and3A_244 = arith.constant 16383 : i32
      %and3A_245 = vector.broadcast %and3A_244 : i32 to vector<16xi32>
      %and3A_246 = arith.andi %get3A_236, %and3A_245 : vector<16xi32>
      %swap3A_247 = arith.constant 48 : index
      %swap3A_248 = tpu.vector_load %arg13[%swap3A_247] {strides = array<i32>} : memref<128xi32, #tpu.memory_space<vmem>>, vector<16xi32>,
      %swap3A_249 = vector.shape_cast %swap3A_248 : vector<16xi32> to vector<16xi32>
      %swap3A_250 = vector.shape_cast %and3A_246 : vector<16xi32> to vector<16xi32>
      tpu.vector_store %arg13[%swap3A_247], %swap3A_250 {strides = array<i32>} : memref<128xi32, #tpu.memory_space<vmem>>, vector<16xi32>,
      %get3A_251 = arith.index_cast %rem3A_178 : i32 to index
      %get3A_252 = arith.constant 64 : index
      %get3A_253 = tpu.vector_load %arg9[%get3A_251, %get3A_252] {strides = array<i32>} : memref<8x128xi32, #tpu.memory_space<vmem>>, vector<1x16xi32>,
      %get3A_254 = vector.shape_cast %get3A_253 : vector<1x16xi32> to vector<16xi32>
      %shift_right_logical3A_255 = arith.constant 14 : i32
      %shift_right_logical3A_256 = vector.broadcast %shift_right_logical3A_255 : i32 to vector<16xi32>
      %shift_right_logical3A_257 = arith.shrui %get3A_254, %shift_right_logical3A_256 : vector<16xi32>
      %swap3A_258 = arith.constant 64 : index
      %swap3A_259 = tpu.vector_load %arg11[%swap3A_258] {strides = array<i32>} : memref<128xi32, #tpu.memory_space<vmem>>, vector<16xi32>,
      %swap3A_260 = vector.shape_cast %swap3A_259 : vector<16xi32> to vector<16xi32>
      %swap3A_261 = vector.shape_cast %shift_right_logical3A_257 : vector<16xi32> to vector<16xi32>
      tpu.vector_store %arg11[%swap3A_258], %swap3A_261 {strides = array<i32>} : memref<128xi32, #tpu.memory_space<vmem>>, vector<16xi32>,
      %and3A_262 = arith.constant 16383 : i32
      %and3A_263 = vector.broadcast %and3A_262 : i32 to vector<16xi32>
      %and3A_264 = arith.andi %get3A_254, %and3A_263 : vector<16xi32>
      %swap3A_265 = arith.constant 64 : index
      %swap3A_266 = tpu.vector_load %arg13[%swap3A_265] {strides = array<i32>} : memref<128xi32, #tpu.memory_space<vmem>>, vector<16xi32>,
      %swap3A_267 = vector.shape_cast %swap3A_266 : vector<16xi32> to vector<16xi32>
      %swap3A_268 = vector.shape_cast %and3A_264 : vector<16xi32> to vector<16xi32>
      tpu.vector_store %arg13[%swap3A_265], %swap3A_268 {strides = array<i32>} : memref<128xi32, #tpu.memory_space<vmem>>, vector<16xi32>,
      %get3A_269 = arith.index_cast %rem3A_178 : i32 to index
      %get3A_270 = arith.constant 80 : index
      %get3A_271 = tpu.vector_load %arg9[%get3A_269, %get3A_270] {strides = array<i32>} : memref<8x128xi32, #tpu.memory_space<vmem>>, vector<1x16xi32>,
      %get3A_272 = vector.shape_cast %get3A_271 : vector<1x16xi32> to vector<16xi32>
      %shift_right_logical3A_273 = arith.constant 14 : i32
      %shift_right_logical3A_274 = vector.broadcast %shift_right_logical3A_273 : i32 to vector<16xi32>
      %shift_right_logical3A_275 = arith.shrui %get3A_272, %shift_right_logical3A_274 : vector<16xi32>
      %swap3A_276 = arith.constant 80 : index
      %swap3A_277 = tpu.vector_load %arg11[%swap3A_276] {strides = array<i32>} : memref<128xi32, #tpu.memory_space<vmem>>, vector<16xi32>,
      %swap3A_278 = vector.shape_cast %swap3A_277 : vector<16xi32> to vector<16xi32>
      %swap3A_279 = vector.shape_cast %shift_right_logical3A_275 : vector<16xi32> to vector<16xi32>
      tpu.vector_store %arg11[%swap3A_276], %swap3A_279 {strides = array<i32>} : memref<128xi32, #tpu.memory_space<vmem>>, vector<16xi32>,
      %and3A_280 = arith.constant 16383 : i32
      %and3A_281 = vector.broadcast %and3A_280 : i32 to vector<16xi32>
      %and3A_282 = arith.andi %get3A_272, %and3A_281 : vector<16xi32>
      %swap3A_283 = arith.constant 80 : index
      %swap3A_284 = tpu.vector_load %arg13[%swap3A_283] {strides = array<i32>} : memref<128xi32, #tpu.memory_space<vmem>>, vector<16xi32>,
      %swap3A_285 = vector.shape_cast %swap3A_284 : vector<16xi32> to vector<16xi32>
      %swap3A_286 = vector.shape_cast %and3A_282 : vector<16xi32> to vector<16xi32>
      tpu.vector_store %arg13[%swap3A_283], %swap3A_286 {strides = array<i32>} : memref<128xi32, #tpu.memory_space<vmem>>, vector<16xi32>,
      %get3A_287 = arith.index_cast %rem3A_178 : i32 to index
      %get3A_288 = arith.constant 96 : index
      %get3A_289 = tpu.vector_load %arg9[%get3A_287, %get3A_288] {strides = array<i32>} : memref<8x128xi32, #tpu.memory_space<vmem>>, vector<1x16xi32>,
      %get3A_290 = vector.shape_cast %get3A_289 : vector<1x16xi32> to vector<16xi32>
      %shift_right_logical3A_291 = arith.constant 14 : i32
      %shift_right_logical3A_292 = vector.broadcast %shift_right_logical3A_291 : i32 to vector<16xi32>
      %shift_right_logical3A_293 = arith.shrui %get3A_290, %shift_right_logical3A_292 : vector<16xi32>
      %swap3A_294 = arith.constant 96 : index
      %swap3A_295 = tpu.vector_load %arg11[%swap3A_294] {strides = array<i32>} : memref<128xi32, #tpu.memory_space<vmem>>, vector<16xi32>,
      %swap3A_296 = vector.shape_cast %swap3A_295 : vector<16xi32> to vector<16xi32>
      %swap3A_297 = vector.shape_cast %shift_right_logical3A_293 : vector<16xi32> to vector<16xi32>
      tpu.vector_store %arg11[%swap3A_294], %swap3A_297 {strides = array<i32>} : memref<128xi32, #tpu.memory_space<vmem>>, vector<16xi32>,
      %and3A_298 = arith.constant 16383 : i32
      %and3A_299 = vector.broadcast %and3A_298 : i32 to vector<16xi32>
      %and3A_300 = arith.andi %get3A_290, %and3A_299 : vector<16xi32>
      %swap3A_301 = arith.constant 96 : index
      %swap3A_302 = tpu.vector_load %arg13[%swap3A_301] {strides = array<i32>} : memref<128xi32, #tpu.memory_space<vmem>>, vector<16xi32>,
      %swap3A_303 = vector.shape_cast %swap3A_302 : vector<16xi32> to vector<16xi32>
      %swap3A_304 = vector.shape_cast %and3A_300 : vector<16xi32> to vector<16xi32>
      tpu.vector_store %arg13[%swap3A_301], %swap3A_304 {strides = array<i32>} : memref<128xi32, #tpu.memory_space<vmem>>, vector<16xi32>,
      %get3A_305 = arith.index_cast %rem3A_178 : i32 to index
      %get3A_306 = arith.constant 112 : index
      %get3A_307 = tpu.vector_load %arg9[%get3A_305, %get3A_306] {strides = array<i32>} : memref<8x128xi32, #tpu.memory_space<vmem>>, vector<1x16xi32>,
      %get3A_308 = vector.shape_cast %get3A_307 : vector<1x16xi32> to vector<16xi32>
      %shift_right_logical3A_309 = arith.constant 14 : i32
      %shift_right_logical3A_310 = vector.broadcast %shift_right_logical3A_309 : i32 to vector<16xi32>
      %shift_right_logical3A_311 = arith.shrui %get3A_308, %shift_right_logical3A_310 : vector<16xi32>
      %swap3A_312 = arith.constant 112 : index
      %swap3A_313 = tpu.vector_load %arg11[%swap3A_312] {strides = array<i32>} : memref<128xi32, #tpu.memory_space<vmem>>, vector<16xi32>,
      %swap3A_314 = vector.shape_cast %swap3A_313 : vector<16xi32> to vector<16xi32>
      %swap3A_315 = vector.shape_cast %shift_right_logical3A_311 : vector<16xi32> to vector<16xi32>
      tpu.vector_store %arg11[%swap3A_312], %swap3A_315 {strides = array<i32>} : memref<128xi32, #tpu.memory_space<vmem>>, vector<16xi32>,
      %and3A_316 = arith.constant 16383 : i32
      %and3A_317 = vector.broadcast %and3A_316 : i32 to vector<16xi32>
      %and3A_318 = arith.andi %get3A_308, %and3A_317 : vector<16xi32>
      %swap3A_319 = arith.constant 112 : index
      %swap3A_320 = tpu.vector_load %arg13[%swap3A_319] {strides = array<i32>} : memref<128xi32, #tpu.memory_space<vmem>>, vector<16xi32>,
      %swap3A_321 = vector.shape_cast %swap3A_320 : vector<16xi32> to vector<16xi32>
      %swap3A_322 = vector.shape_cast %and3A_318 : vector<16xi32> to vector<16xi32>
      tpu.vector_store %arg13[%swap3A_319], %swap3A_322 {strides = array<i32>} : memref<128xi32, #tpu.memory_space<vmem>>, vector<16xi32>,
      %dma_start3A_323 = arith.constant 0 : i32
      %dma_start3A_324 = arith.constant 0 : i32
      %dma_start3A_325 = tpu.memref_slice %arg5[%dma_start3A_323, %dma_start3A_324] : memref<10112x128xf32, #tpu.memory_space<hbm>> -> memref<10112x128xf32, #tpu.memory_space<hbm>>
      tpu.enqueue_indirect_dma source(%dma_start3A_325 : memref<10112x128xf32, #tpu.memory_space<hbm>>) target(%arg17 : memref<128x128xf32, #tpu.memory_space<vmem>>) offsets(%arg13 : memref<128xi32, #tpu.memory_space<vmem>>) semaphore(%arg19 : memref<!tpu.dma_semaphore, #tpu.memory_space<semaphore_mem>>)
      %dma_wait3A_326 = arith.constant 0 : i32
      %dma_wait3A_327 = arith.constant 0 : i32
      %dma_wait3A_328 = tpu.memref_slice %arg5[%dma_wait3A_326, %dma_wait3A_327] : memref<10112x128xf32, #tpu.memory_space<hbm>> -> memref<10112x128xf32, #tpu.memory_space<hbm>>
      tpu.wait_indirect_dma semaphore(%arg18 : memref<!tpu.dma_semaphore, #tpu.memory_space<semaphore_mem>>) src(%dma_wait3A_328 : memref<10112x128xf32, #tpu.memory_space<hbm>>) dst(%arg16 : memref<128x128xf32, #tpu.memory_space<vmem>>)
      %get3A_329 = arith.index_cast %mul3A_164 : i32 to index
      %get3A_330 = tpu.vector_load %arg15[%get3A_329] {strides = array<i32>} : memref<176xi32, #tpu.memory_space<vmem>>, vector<16xi32>,
      %get3A_331 = vector.shape_cast %get3A_330 : vector<16xi32> to vector<16xi32>
      %slice3A = vector.extract_strided_slice %get3A_331 {offsets = [0], sizes = [1], strides = [1]} : vector<16xi32> to vector<1xi32>
      %squeeze3A = vector.extract %slice3A[0] : i32 from vector<1xi32>
      %ne3A = arith.constant 0 : i32
      %ne3A_332 = arith.cmpi ne, %squeeze3A, %ne3A : i32
      %convert_element_type3A_333 = arith.extui %ne3A_332 : i1 to i32
      %cond3A_334 = arith.constant 0 : i32
      %cond3A_335 = arith.cmpi ne, %convert_element_type3A_333, %cond3A_334 : i32
      scf.if %cond3A_335 {
        %add3A_524 = arith.addi %mul3A_6, %mul3A_164 : i32
        %mul3A_525 = arith.constant 128 : i32
        %mul3A_526 = arith.muli %add3A_524, %mul3A_525 : i32
        "tpu.region"() ({
          %run_scoped3A = tpu.sem_alloc : memref<!tpu.dma_semaphore, #tpu.memory_space<semaphore_mem>>
          %dma_start3A_533 = arith.constant 0 : i32
          %dma_start3A_534 = tpu.memref_slice %arg14[%dma_start3A_533] : memref<144xf32, #tpu.memory_space<vmem>> -> memref<128xf32, #tpu.memory_space<vmem>>
          %dma_start3A_535 = tpu.memref_slice %arg3[%mul3A_526] : memref<655360xf32, #tpu.memory_space<hbm>> -> memref<128xf32, #tpu.memory_space<hbm>>
          %dma_start3A_536 = arith.constant 0 : i32
          %dma_start3A_537 = tpu.memref_slice %arg14[%dma_start3A_536] : memref<144xf32, #tpu.memory_space<vmem>> -> memref<128xf32, #tpu.memory_space<vmem>>
          %dma_start3A_538 = tpu.memref_slice %arg3[%mul3A_526] : memref<655360xf32, #tpu.memory_space<hbm>> -> memref<128xf32, #tpu.memory_space<hbm>>
          tpu.enqueue_dma source(%dma_start3A_538 : memref<128xf32, #tpu.memory_space<hbm>>) target(%dma_start3A_537 : memref<128xf32, #tpu.memory_space<vmem>>) target_semaphore(%run_scoped3A : memref<!tpu.dma_semaphore, #tpu.memory_space<semaphore_mem>>)
          %dma_wait3A_539 = arith.constant 0 : i32
          %dma_wait3A_540 = tpu.memref_slice %arg14[%dma_wait3A_539] : memref<144xf32, #tpu.memory_space<vmem>> -> memref<128xf32, #tpu.memory_space<vmem>>
          %dma_wait3A_541 = tpu.memref_slice %arg3[%mul3A_526] : memref<655360xf32, #tpu.memory_space<hbm>> -> memref<128xf32, #tpu.memory_space<hbm>>
          %dma_wait3A_542 = arith.constant 0 : i32
          %dma_wait3A_543 = tpu.memref_slice %arg14[%dma_wait3A_542] : memref<144xf32, #tpu.memory_space<vmem>> -> memref<128xf32, #tpu.memory_space<vmem>>
          %dma_wait3A_544 = tpu.memref_slice %arg3[%mul3A_526] : memref<655360xf32, #tpu.memory_space<hbm>> -> memref<128xf32, #tpu.memory_space<hbm>>
          tpu.wait_dma2 semaphore(%run_scoped3A : memref<!tpu.dma_semaphore, #tpu.memory_space<semaphore_mem>>) src(%dma_wait3A_544 : memref<128xf32, #tpu.memory_space<hbm>>) dst(%dma_wait3A_543 : memref<128xf32, #tpu.memory_space<vmem>>)
          tpu.yield
        }) : () -> ()
        %scan3A_527 = arith.constant 0 : i32
        %scan3A_528 = arith.constant 0 : i32
        %scan3A_529 = arith.constant 128 : i32
        %scan3A_530 = arith.addi %scan3A_528, %scan3A_529 : i32
        %scan3A_531 = arith.constant 1 : i32
        scf.for %scan3A_533 = %scan3A_528 to %scan3A_530 step %scan3A_531  : i32 {
          %get3A_534 = arith.index_cast %scan3A_533 : i32 to index
          %get3A_535 = tpu.vector_load %arg14[%get3A_534] {strides = array<i32>} : memref<144xf32, #tpu.memory_space<vmem>>, vector<16xf32>,
          %get3A_536 = vector.shape_cast %get3A_535 : vector<16xf32> to vector<16xf32>
          %slice3A_537 = vector.extract_strided_slice %get3A_536 {offsets = [0], sizes = [1], strides = [1]} : vector<16xf32> to vector<1xf32>
          %squeeze3A_538 = vector.extract %slice3A_537[0] : f32 from vector<1xf32>
          %get3A_539 = arith.index_cast %scan3A_533 : i32 to index
          %get3A_540 = arith.constant 0 : index
          %get3A_541 = tpu.vector_load %arg16[%get3A_539, %get3A_540] {strides = array<i32>} : memref<128x128xf32, #tpu.memory_space<vmem>>, vector<1x16xf32>,
          %get3A_542 = vector.shape_cast %get3A_541 : vector<1x16xf32> to vector<16xf32>
          %mul3A_543 = vector.broadcast %squeeze3A_538 : f32 to vector<16xf32>
          %mul3A_544 = arith.mulf %get3A_542, %mul3A_543 : vector<16xf32>
          %swap3A_545 = arith.index_cast %scan3A_533 : i32 to index
          %swap3A_546 = arith.constant 0 : index
          %swap3A_547 = tpu.vector_load %arg16[%swap3A_545, %swap3A_546] {strides = array<i32>} : memref<128x128xf32, #tpu.memory_space<vmem>>, vector<1x16xf32>,
          %swap3A_548 = vector.shape_cast %swap3A_547 : vector<1x16xf32> to vector<16xf32>
          %swap3A_549 = vector.shape_cast %mul3A_544 : vector<16xf32> to vector<1x16xf32>
          tpu.vector_store %arg16[%swap3A_545, %swap3A_546], %swap3A_549 {strides = array<i32>} : memref<128x128xf32, #tpu.memory_space<vmem>>, vector<1x16xf32>,
          %get3A_550 = arith.index_cast %scan3A_533 : i32 to index
          %get3A_551 = arith.constant 16 : index
          %get3A_552 = tpu.vector_load %arg16[%get3A_550, %get3A_551] {strides = array<i32>} : memref<128x128xf32, #tpu.memory_space<vmem>>, vector<1x16xf32>,
          %get3A_553 = vector.shape_cast %get3A_552 : vector<1x16xf32> to vector<16xf32>
          %mul3A_554 = vector.broadcast %squeeze3A_538 : f32 to vector<16xf32>
          %mul3A_555 = arith.mulf %get3A_553, %mul3A_554 : vector<16xf32>
          %swap3A_556 = arith.index_cast %scan3A_533 : i32 to index
          %swap3A_557 = arith.constant 16 : index
          %swap3A_558 = tpu.vector_load %arg16[%swap3A_556, %swap3A_557] {strides = array<i32>} : memref<128x128xf32, #tpu.memory_space<vmem>>, vector<1x16xf32>,
          %swap3A_559 = vector.shape_cast %swap3A_558 : vector<1x16xf32> to vector<16xf32>
          %swap3A_560 = vector.shape_cast %mul3A_555 : vector<16xf32> to vector<1x16xf32>
          tpu.vector_store %arg16[%swap3A_556, %swap3A_557], %swap3A_560 {strides = array<i32>} : memref<128x128xf32, #tpu.memory_space<vmem>>, vector<1x16xf32>,
          %get3A_561 = arith.index_cast %scan3A_533 : i32 to index
          %get3A_562 = arith.constant 32 : index
          %get3A_563 = tpu.vector_load %arg16[%get3A_561, %get3A_562] {strides = array<i32>} : memref<128x128xf32, #tpu.memory_space<vmem>>, vector<1x16xf32>,
          %get3A_564 = vector.shape_cast %get3A_563 : vector<1x16xf32> to vector<16xf32>
          %mul3A_565 = vector.broadcast %squeeze3A_538 : f32 to vector<16xf32>
          %mul3A_566 = arith.mulf %get3A_564, %mul3A_565 : vector<16xf32>
          %swap3A_567 = arith.index_cast %scan3A_533 : i32 to index
          %swap3A_568 = arith.constant 32 : index
          %swap3A_569 = tpu.vector_load %arg16[%swap3A_567, %swap3A_568] {strides = array<i32>} : memref<128x128xf32, #tpu.memory_space<vmem>>, vector<1x16xf32>,
          %swap3A_570 = vector.shape_cast %swap3A_569 : vector<1x16xf32> to vector<16xf32>
          %swap3A_571 = vector.shape_cast %mul3A_566 : vector<16xf32> to vector<1x16xf32>
          tpu.vector_store %arg16[%swap3A_567, %swap3A_568], %swap3A_571 {strides = array<i32>} : memref<128x128xf32, #tpu.memory_space<vmem>>, vector<1x16xf32>,
          %get3A_572 = arith.index_cast %scan3A_533 : i32 to index
          %get3A_573 = arith.constant 48 : index
          %get3A_574 = tpu.vector_load %arg16[%get3A_572, %get3A_573] {strides = array<i32>} : memref<128x128xf32, #tpu.memory_space<vmem>>, vector<1x16xf32>,
          %get3A_575 = vector.shape_cast %get3A_574 : vector<1x16xf32> to vector<16xf32>
          %mul3A_576 = vector.broadcast %squeeze3A_538 : f32 to vector<16xf32>
          %mul3A_577 = arith.mulf %get3A_575, %mul3A_576 : vector<16xf32>
          %swap3A_578 = arith.index_cast %scan3A_533 : i32 to index
          %swap3A_579 = arith.constant 48 : index
          %swap3A_580 = tpu.vector_load %arg16[%swap3A_578, %swap3A_579] {strides = array<i32>} : memref<128x128xf32, #tpu.memory_space<vmem>>, vector<1x16xf32>,
          %swap3A_581 = vector.shape_cast %swap3A_580 : vector<1x16xf32> to vector<16xf32>
          %swap3A_582 = vector.shape_cast %mul3A_577 : vector<16xf32> to vector<1x16xf32>
          tpu.vector_store %arg16[%swap3A_578, %swap3A_579], %swap3A_582 {strides = array<i32>} : memref<128x128xf32, #tpu.memory_space<vmem>>, vector<1x16xf32>,
          %get3A_583 = arith.index_cast %scan3A_533 : i32 to index
          %get3A_584 = arith.constant 64 : index
          %get3A_585 = tpu.vector_load %arg16[%get3A_583, %get3A_584] {strides = array<i32>} : memref<128x128xf32, #tpu.memory_space<vmem>>, vector<1x16xf32>,
          %get3A_586 = vector.shape_cast %get3A_585 : vector<1x16xf32> to vector<16xf32>
          %mul3A_587 = vector.broadcast %squeeze3A_538 : f32 to vector<16xf32>
          %mul3A_588 = arith.mulf %get3A_586, %mul3A_587 : vector<16xf32>
          %swap3A_589 = arith.index_cast %scan3A_533 : i32 to index
          %swap3A_590 = arith.constant 64 : index
          %swap3A_591 = tpu.vector_load %arg16[%swap3A_589, %swap3A_590] {strides = array<i32>} : memref<128x128xf32, #tpu.memory_space<vmem>>, vector<1x16xf32>,
          %swap3A_592 = vector.shape_cast %swap3A_591 : vector<1x16xf32> to vector<16xf32>
          %swap3A_593 = vector.shape_cast %mul3A_588 : vector<16xf32> to vector<1x16xf32>
          tpu.vector_store %arg16[%swap3A_589, %swap3A_590], %swap3A_593 {strides = array<i32>} : memref<128x128xf32, #tpu.memory_space<vmem>>, vector<1x16xf32>,
          %get3A_594 = arith.index_cast %scan3A_533 : i32 to index
          %get3A_595 = arith.constant 80 : index
          %get3A_596 = tpu.vector_load %arg16[%get3A_594, %get3A_595] {strides = array<i32>} : memref<128x128xf32, #tpu.memory_space<vmem>>, vector<1x16xf32>,
          %get3A_597 = vector.shape_cast %get3A_596 : vector<1x16xf32> to vector<16xf32>
          %mul3A_598 = vector.broadcast %squeeze3A_538 : f32 to vector<16xf32>
          %mul3A_599 = arith.mulf %get3A_597, %mul3A_598 : vector<16xf32>
          %swap3A_600 = arith.index_cast %scan3A_533 : i32 to index
          %swap3A_601 = arith.constant 80 : index
          %swap3A_602 = tpu.vector_load %arg16[%swap3A_600, %swap3A_601] {strides = array<i32>} : memref<128x128xf32, #tpu.memory_space<vmem>>, vector<1x16xf32>,
          %swap3A_603 = vector.shape_cast %swap3A_602 : vector<1x16xf32> to vector<16xf32>
          %swap3A_604 = vector.shape_cast %mul3A_599 : vector<16xf32> to vector<1x16xf32>
          tpu.vector_store %arg16[%swap3A_600, %swap3A_601], %swap3A_604 {strides = array<i32>} : memref<128x128xf32, #tpu.memory_space<vmem>>, vector<1x16xf32>,
          %get3A_605 = arith.index_cast %scan3A_533 : i32 to index
          %get3A_606 = arith.constant 96 : index
          %get3A_607 = tpu.vector_load %arg16[%get3A_605, %get3A_606] {strides = array<i32>} : memref<128x128xf32, #tpu.memory_space<vmem>>, vector<1x16xf32>,
          %get3A_608 = vector.shape_cast %get3A_607 : vector<1x16xf32> to vector<16xf32>
          %mul3A_609 = vector.broadcast %squeeze3A_538 : f32 to vector<16xf32>
          %mul3A_610 = arith.mulf %get3A_608, %mul3A_609 : vector<16xf32>
          %swap3A_611 = arith.index_cast %scan3A_533 : i32 to index
          %swap3A_612 = arith.constant 96 : index
          %swap3A_613 = tpu.vector_load %arg16[%swap3A_611, %swap3A_612] {strides = array<i32>} : memref<128x128xf32, #tpu.memory_space<vmem>>, vector<1x16xf32>,
          %swap3A_614 = vector.shape_cast %swap3A_613 : vector<1x16xf32> to vector<16xf32>
          %swap3A_615 = vector.shape_cast %mul3A_610 : vector<16xf32> to vector<1x16xf32>
          tpu.vector_store %arg16[%swap3A_611, %swap3A_612], %swap3A_615 {strides = array<i32>} : memref<128x128xf32, #tpu.memory_space<vmem>>, vector<1x16xf32>,
          %get3A_616 = arith.index_cast %scan3A_533 : i32 to index
          %get3A_617 = arith.constant 112 : index
          %get3A_618 = tpu.vector_load %arg16[%get3A_616, %get3A_617] {strides = array<i32>} : memref<128x128xf32, #tpu.memory_space<vmem>>, vector<1x16xf32>,
          %get3A_619 = vector.shape_cast %get3A_618 : vector<1x16xf32> to vector<16xf32>
          %mul3A_620 = vector.broadcast %squeeze3A_538 : f32 to vector<16xf32>
          %mul3A_621 = arith.mulf %get3A_619, %mul3A_620 : vector<16xf32>
          %swap3A_622 = arith.index_cast %scan3A_533 : i32 to index
          %swap3A_623 = arith.constant 112 : index
          %swap3A_624 = tpu.vector_load %arg16[%swap3A_622, %swap3A_623] {strides = array<i32>} : memref<128x128xf32, #tpu.memory_space<vmem>>, vector<1x16xf32>,
          %swap3A_625 = vector.shape_cast %swap3A_624 : vector<1x16xf32> to vector<16xf32>
          %swap3A_626 = vector.shape_cast %mul3A_621 : vector<16xf32> to vector<1x16xf32>
          tpu.vector_store %arg16[%swap3A_622, %swap3A_623], %swap3A_626 {strides = array<i32>} : memref<128x128xf32, #tpu.memory_space<vmem>>, vector<1x16xf32>,
        }
        %scan3A_532 = arith.constant 128 : i32
      } else {
      }
      %dma_start3A_336 = arith.constant 0 : i32
      %dma_start3A_337 = arith.constant 0 : i32
      %dma_start3A_338 = tpu.memref_slice %arg8[%dma_start3A_336, %dma_start3A_337] : memref<10112x128xf32, #tpu.memory_space<vmem_shared>> -> memref<10112x128xf32, #tpu.memory_space<vmem_shared>>
      tpu.enqueue_indirect_dma source(%arg16 : memref<128x128xf32, #tpu.memory_space<vmem>>) target(%dma_start3A_338 : memref<10112x128xf32, #tpu.memory_space<vmem_shared>>) offsets(%arg10 : memref<128xi32, #tpu.memory_space<vmem>>) semaphore(%arg20 : memref<!tpu.dma_semaphore, #tpu.memory_space<semaphore_mem>>) {add = true}
      %mul3A_339 = arith.constant 2 : i32
      %mul3A_340 = arith.muli %mul3A_339, %scan3A_162 : i32
      %add3A_341 = arith.constant 1 : i32
      %add3A_342 = arith.addi %mul3A_340, %add3A_341 : i32
      %add3A_343 = arith.constant 1 : i32
      %add3A_344 = arith.addi %add3A_342, %add3A_343 : i32
      %rem3A_345 = arith.constant 160 : i32
      %rem3A_346 = arith.remsi %add3A_344, %rem3A_345 : i32
      %rem3A_347 = arith.constant 8 : i32
      %rem3A_348 = arith.remsi %rem3A_346, %rem3A_347 : i32
      %eq3A_349 = arith.constant 0 : i32
      %eq3A_350 = arith.cmpi eq, %rem3A_348, %eq3A_349 : i32
      %convert_element_type3A_351 = arith.extui %eq3A_350 : i1 to i32
      %cond3A_352 = arith.constant 0 : i32
      %cond3A_353 = arith.cmpi ne, %convert_element_type3A_351, %cond3A_352 : i32
      scf.if %cond3A_353 {
        %add3A_524 = arith.addi %mul3A_6, %rem3A_346 : i32
        %multiple_of3A = tpu.assume_multiple %add3A_524, 8 : i32
        "tpu.region"() ({
          %run_scoped3A = tpu.sem_alloc : memref<!tpu.dma_semaphore, #tpu.memory_space<semaphore_mem>>
          %dma_start3A_525 = arith.constant 0 : i32
          %dma_start3A_526 = tpu.memref_slice %arg2[%multiple_of3A, %dma_start3A_525] : memref<5120x128xi32, #tpu.memory_space<hbm>> -> memref<8x128xi32, #tpu.memory_space<hbm>>
          %dma_start3A_527 = arith.constant 0 : i32
          %dma_start3A_528 = tpu.memref_slice %arg2[%multiple_of3A, %dma_start3A_527] : memref<5120x128xi32, #tpu.memory_space<hbm>> -> memref<8x128xi32, #tpu.memory_space<hbm>>
          tpu.enqueue_dma source(%dma_start3A_528 : memref<8x128xi32, #tpu.memory_space<hbm>>) target(%arg9 : memref<8x128xi32, #tpu.memory_space<vmem>>) target_semaphore(%run_scoped3A : memref<!tpu.dma_semaphore, #tpu.memory_space<semaphore_mem>>)
          %dma_wait3A_529 = arith.constant 0 : i32
          %dma_wait3A_530 = tpu.memref_slice %arg2[%multiple_of3A, %dma_wait3A_529] : memref<5120x128xi32, #tpu.memory_space<hbm>> -> memref<8x128xi32, #tpu.memory_space<hbm>>
          %dma_wait3A_531 = arith.constant 0 : i32
          %dma_wait3A_532 = tpu.memref_slice %arg2[%multiple_of3A, %dma_wait3A_531] : memref<5120x128xi32, #tpu.memory_space<hbm>> -> memref<8x128xi32, #tpu.memory_space<hbm>>
          tpu.wait_dma2 semaphore(%run_scoped3A : memref<!tpu.dma_semaphore, #tpu.memory_space<semaphore_mem>>) src(%dma_wait3A_532 : memref<8x128xi32, #tpu.memory_space<hbm>>) dst(%arg9 : memref<8x128xi32, #tpu.memory_space<vmem>>)
          tpu.yield
        }) : () -> ()
      } else {
      }
      %ge3A_354 = arith.constant 1 : i32
      %ge3A_355 = arith.cmpi sge, %add3A_342, %ge3A_354 : i32
      %convert_element_type3A_356 = arith.extui %ge3A_355 : i1 to i32
      %cond3A_357 = arith.constant 0 : i32
      %cond3A_358 = arith.cmpi ne, %convert_element_type3A_356, %cond3A_357 : i32
      scf.if %cond3A_358 {
        %dma_wait3A_524 = arith.constant 0 : i32
        %dma_wait3A_525 = arith.constant 0 : i32
        %dma_wait3A_526 = tpu.memref_slice %arg8[%dma_wait3A_524, %dma_wait3A_525] : memref<10112x128xf32, #tpu.memory_space<vmem_shared>> -> memref<10112x128xf32, #tpu.memory_space<vmem_shared>>
        tpu.wait_indirect_dma semaphore(%arg20 : memref<!tpu.dma_semaphore, #tpu.memory_space<semaphore_mem>>) src(%arg16 : memref<128x128xf32, #tpu.memory_space<vmem>>) dst(%dma_wait3A_526 : memref<10112x128xf32, #tpu.memory_space<vmem_shared>>)
      } else {
      }
      %rem3A_359 = arith.constant 8 : i32
      %rem3A_360 = arith.remsi %rem3A_346, %rem3A_359 : i32
      %get3A_361 = arith.index_cast %rem3A_360 : i32 to index
      %get3A_362 = arith.constant 0 : index
      %get3A_363 = tpu.vector_load %arg9[%get3A_361, %get3A_362] {strides = array<i32>} : memref<8x128xi32, #tpu.memory_space<vmem>>, vector<1x16xi32>,
      %get3A_364 = vector.shape_cast %get3A_363 : vector<1x16xi32> to vector<16xi32>
      %shift_right_logical3A_365 = arith.constant 14 : i32
      %shift_right_logical3A_366 = vector.broadcast %shift_right_logical3A_365 : i32 to vector<16xi32>
      %shift_right_logical3A_367 = arith.shrui %get3A_364, %shift_right_logical3A_366 : vector<16xi32>
      %swap3A_368 = arith.constant 0 : index
      %swap3A_369 = tpu.vector_load %arg10[%swap3A_368] {strides = array<i32>} : memref<128xi32, #tpu.memory_space<vmem>>, vector<16xi32>,
      %swap3A_370 = vector.shape_cast %swap3A_369 : vector<16xi32> to vector<16xi32>
      %swap3A_371 = vector.shape_cast %shift_right_logical3A_367 : vector<16xi32> to vector<16xi32>
      tpu.vector_store %arg10[%swap3A_368], %swap3A_371 {strides = array<i32>} : memref<128xi32, #tpu.memory_space<vmem>>, vector<16xi32>,
      %and3A_372 = arith.constant 16383 : i32
      %and3A_373 = vector.broadcast %and3A_372 : i32 to vector<16xi32>
      %and3A_374 = arith.andi %get3A_364, %and3A_373 : vector<16xi32>
      %swap3A_375 = arith.constant 0 : index
      %swap3A_376 = tpu.vector_load %arg12[%swap3A_375] {strides = array<i32>} : memref<128xi32, #tpu.memory_space<vmem>>, vector<16xi32>,
      %swap3A_377 = vector.shape_cast %swap3A_376 : vector<16xi32> to vector<16xi32>
      %swap3A_378 = vector.shape_cast %and3A_374 : vector<16xi32> to vector<16xi32>
      tpu.vector_store %arg12[%swap3A_375], %swap3A_378 {strides = array<i32>} : memref<128xi32, #tpu.memory_space<vmem>>, vector<16xi32>,
      %get3A_379 = arith.index_cast %rem3A_360 : i32 to index
      %get3A_380 = arith.constant 16 : index
      %get3A_381 = tpu.vector_load %arg9[%get3A_379, %get3A_380] {strides = array<i32>} : memref<8x128xi32, #tpu.memory_space<vmem>>, vector<1x16xi32>,
      %get3A_382 = vector.shape_cast %get3A_381 : vector<1x16xi32> to vector<16xi32>
      %shift_right_logical3A_383 = arith.constant 14 : i32
      %shift_right_logical3A_384 = vector.broadcast %shift_right_logical3A_383 : i32 to vector<16xi32>
      %shift_right_logical3A_385 = arith.shrui %get3A_382, %shift_right_logical3A_384 : vector<16xi32>
      %swap3A_386 = arith.constant 16 : index
      %swap3A_387 = tpu.vector_load %arg10[%swap3A_386] {strides = array<i32>} : memref<128xi32, #tpu.memory_space<vmem>>, vector<16xi32>,
      %swap3A_388 = vector.shape_cast %swap3A_387 : vector<16xi32> to vector<16xi32>
      %swap3A_389 = vector.shape_cast %shift_right_logical3A_385 : vector<16xi32> to vector<16xi32>
      tpu.vector_store %arg10[%swap3A_386], %swap3A_389 {strides = array<i32>} : memref<128xi32, #tpu.memory_space<vmem>>, vector<16xi32>,
      %and3A_390 = arith.constant 16383 : i32
      %and3A_391 = vector.broadcast %and3A_390 : i32 to vector<16xi32>
      %and3A_392 = arith.andi %get3A_382, %and3A_391 : vector<16xi32>
      %swap3A_393 = arith.constant 16 : index
      %swap3A_394 = tpu.vector_load %arg12[%swap3A_393] {strides = array<i32>} : memref<128xi32, #tpu.memory_space<vmem>>, vector<16xi32>,
      %swap3A_395 = vector.shape_cast %swap3A_394 : vector<16xi32> to vector<16xi32>
      %swap3A_396 = vector.shape_cast %and3A_392 : vector<16xi32> to vector<16xi32>
      tpu.vector_store %arg12[%swap3A_393], %swap3A_396 {strides = array<i32>} : memref<128xi32, #tpu.memory_space<vmem>>, vector<16xi32>,
      %get3A_397 = arith.index_cast %rem3A_360 : i32 to index
      %get3A_398 = arith.constant 32 : index
      %get3A_399 = tpu.vector_load %arg9[%get3A_397, %get3A_398] {strides = array<i32>} : memref<8x128xi32, #tpu.memory_space<vmem>>, vector<1x16xi32>,
      %get3A_400 = vector.shape_cast %get3A_399 : vector<1x16xi32> to vector<16xi32>
      %shift_right_logical3A_401 = arith.constant 14 : i32
      %shift_right_logical3A_402 = vector.broadcast %shift_right_logical3A_401 : i32 to vector<16xi32>
      %shift_right_logical3A_403 = arith.shrui %get3A_400, %shift_right_logical3A_402 : vector<16xi32>
      %swap3A_404 = arith.constant 32 : index
      %swap3A_405 = tpu.vector_load %arg10[%swap3A_404] {strides = array<i32>} : memref<128xi32, #tpu.memory_space<vmem>>, vector<16xi32>,
      %swap3A_406 = vector.shape_cast %swap3A_405 : vector<16xi32> to vector<16xi32>
      %swap3A_407 = vector.shape_cast %shift_right_logical3A_403 : vector<16xi32> to vector<16xi32>
      tpu.vector_store %arg10[%swap3A_404], %swap3A_407 {strides = array<i32>} : memref<128xi32, #tpu.memory_space<vmem>>, vector<16xi32>,
      %and3A_408 = arith.constant 16383 : i32
      %and3A_409 = vector.broadcast %and3A_408 : i32 to vector<16xi32>
      %and3A_410 = arith.andi %get3A_400, %and3A_409 : vector<16xi32>
      %swap3A_411 = arith.constant 32 : index
      %swap3A_412 = tpu.vector_load %arg12[%swap3A_411] {strides = array<i32>} : memref<128xi32, #tpu.memory_space<vmem>>, vector<16xi32>,
      %swap3A_413 = vector.shape_cast %swap3A_412 : vector<16xi32> to vector<16xi32>
      %swap3A_414 = vector.shape_cast %and3A_410 : vector<16xi32> to vector<16xi32>
      tpu.vector_store %arg12[%swap3A_411], %swap3A_414 {strides = array<i32>} : memref<128xi32, #tpu.memory_space<vmem>>, vector<16xi32>,
      %get3A_415 = arith.index_cast %rem3A_360 : i32 to index
      %get3A_416 = arith.constant 48 : index
      %get3A_417 = tpu.vector_load %arg9[%get3A_415, %get3A_416] {strides = array<i32>} : memref<8x128xi32, #tpu.memory_space<vmem>>, vector<1x16xi32>,
      %get3A_418 = vector.shape_cast %get3A_417 : vector<1x16xi32> to vector<16xi32>
      %shift_right_logical3A_419 = arith.constant 14 : i32
      %shift_right_logical3A_420 = vector.broadcast %shift_right_logical3A_419 : i32 to vector<16xi32>
      %shift_right_logical3A_421 = arith.shrui %get3A_418, %shift_right_logical3A_420 : vector<16xi32>
      %swap3A_422 = arith.constant 48 : index
      %swap3A_423 = tpu.vector_load %arg10[%swap3A_422] {strides = array<i32>} : memref<128xi32, #tpu.memory_space<vmem>>, vector<16xi32>,
      %swap3A_424 = vector.shape_cast %swap3A_423 : vector<16xi32> to vector<16xi32>
      %swap3A_425 = vector.shape_cast %shift_right_logical3A_421 : vector<16xi32> to vector<16xi32>
      tpu.vector_store %arg10[%swap3A_422], %swap3A_425 {strides = array<i32>} : memref<128xi32, #tpu.memory_space<vmem>>, vector<16xi32>,
      %and3A_426 = arith.constant 16383 : i32
      %and3A_427 = vector.broadcast %and3A_426 : i32 to vector<16xi32>
      %and3A_428 = arith.andi %get3A_418, %and3A_427 : vector<16xi32>
      %swap3A_429 = arith.constant 48 : index
      %swap3A_430 = tpu.vector_load %arg12[%swap3A_429] {strides = array<i32>} : memref<128xi32, #tpu.memory_space<vmem>>, vector<16xi32>,
      %swap3A_431 = vector.shape_cast %swap3A_430 : vector<16xi32> to vector<16xi32>
      %swap3A_432 = vector.shape_cast %and3A_428 : vector<16xi32> to vector<16xi32>
      tpu.vector_store %arg12[%swap3A_429], %swap3A_432 {strides = array<i32>} : memref<128xi32, #tpu.memory_space<vmem>>, vector<16xi32>,
      %get3A_433 = arith.index_cast %rem3A_360 : i32 to index
      %get3A_434 = arith.constant 64 : index
      %get3A_435 = tpu.vector_load %arg9[%get3A_433, %get3A_434] {strides = array<i32>} : memref<8x128xi32, #tpu.memory_space<vmem>>, vector<1x16xi32>,
      %get3A_436 = vector.shape_cast %get3A_435 : vector<1x16xi32> to vector<16xi32>
      %shift_right_logical3A_437 = arith.constant 14 : i32
      %shift_right_logical3A_438 = vector.broadcast %shift_right_logical3A_437 : i32 to vector<16xi32>
      %shift_right_logical3A_439 = arith.shrui %get3A_436, %shift_right_logical3A_438 : vector<16xi32>
      %swap3A_440 = arith.constant 64 : index
      %swap3A_441 = tpu.vector_load %arg10[%swap3A_440] {strides = array<i32>} : memref<128xi32, #tpu.memory_space<vmem>>, vector<16xi32>,
      %swap3A_442 = vector.shape_cast %swap3A_441 : vector<16xi32> to vector<16xi32>
      %swap3A_443 = vector.shape_cast %shift_right_logical3A_439 : vector<16xi32> to vector<16xi32>
      tpu.vector_store %arg10[%swap3A_440], %swap3A_443 {strides = array<i32>} : memref<128xi32, #tpu.memory_space<vmem>>, vector<16xi32>,
      %and3A_444 = arith.constant 16383 : i32
      %and3A_445 = vector.broadcast %and3A_444 : i32 to vector<16xi32>
      %and3A_446 = arith.andi %get3A_436, %and3A_445 : vector<16xi32>
      %swap3A_447 = arith.constant 64 : index
      %swap3A_448 = tpu.vector_load %arg12[%swap3A_447] {strides = array<i32>} : memref<128xi32, #tpu.memory_space<vmem>>, vector<16xi32>,
      %swap3A_449 = vector.shape_cast %swap3A_448 : vector<16xi32> to vector<16xi32>
      %swap3A_450 = vector.shape_cast %and3A_446 : vector<16xi32> to vector<16xi32>
      tpu.vector_store %arg12[%swap3A_447], %swap3A_450 {strides = array<i32>} : memref<128xi32, #tpu.memory_space<vmem>>, vector<16xi32>,
      %get3A_451 = arith.index_cast %rem3A_360 : i32 to index
      %get3A_452 = arith.constant 80 : index
      %get3A_453 = tpu.vector_load %arg9[%get3A_451, %get3A_452] {strides = array<i32>} : memref<8x128xi32, #tpu.memory_space<vmem>>, vector<1x16xi32>,
      %get3A_454 = vector.shape_cast %get3A_453 : vector<1x16xi32> to vector<16xi32>
      %shift_right_logical3A_455 = arith.constant 14 : i32
      %shift_right_logical3A_456 = vector.broadcast %shift_right_logical3A_455 : i32 to vector<16xi32>
      %shift_right_logical3A_457 = arith.shrui %get3A_454, %shift_right_logical3A_456 : vector<16xi32>
      %swap3A_458 = arith.constant 80 : index
      %swap3A_459 = tpu.vector_load %arg10[%swap3A_458] {strides = array<i32>} : memref<128xi32, #tpu.memory_space<vmem>>, vector<16xi32>,
      %swap3A_460 = vector.shape_cast %swap3A_459 : vector<16xi32> to vector<16xi32>
      %swap3A_461 = vector.shape_cast %shift_right_logical3A_457 : vector<16xi32> to vector<16xi32>
      tpu.vector_store %arg10[%swap3A_458], %swap3A_461 {strides = array<i32>} : memref<128xi32, #tpu.memory_space<vmem>>, vector<16xi32>,
      %and3A_462 = arith.constant 16383 : i32
      %and3A_463 = vector.broadcast %and3A_462 : i32 to vector<16xi32>
      %and3A_464 = arith.andi %get3A_454, %and3A_463 : vector<16xi32>
      %swap3A_465 = arith.constant 80 : index
      %swap3A_466 = tpu.vector_load %arg12[%swap3A_465] {strides = array<i32>} : memref<128xi32, #tpu.memory_space<vmem>>, vector<16xi32>,
      %swap3A_467 = vector.shape_cast %swap3A_466 : vector<16xi32> to vector<16xi32>
      %swap3A_468 = vector.shape_cast %and3A_464 : vector<16xi32> to vector<16xi32>
      tpu.vector_store %arg12[%swap3A_465], %swap3A_468 {strides = array<i32>} : memref<128xi32, #tpu.memory_space<vmem>>, vector<16xi32>,
      %get3A_469 = arith.index_cast %rem3A_360 : i32 to index
      %get3A_470 = arith.constant 96 : index
      %get3A_471 = tpu.vector_load %arg9[%get3A_469, %get3A_470] {strides = array<i32>} : memref<8x128xi32, #tpu.memory_space<vmem>>, vector<1x16xi32>,
      %get3A_472 = vector.shape_cast %get3A_471 : vector<1x16xi32> to vector<16xi32>
      %shift_right_logical3A_473 = arith.constant 14 : i32
      %shift_right_logical3A_474 = vector.broadcast %shift_right_logical3A_473 : i32 to vector<16xi32>
      %shift_right_logical3A_475 = arith.shrui %get3A_472, %shift_right_logical3A_474 : vector<16xi32>
      %swap3A_476 = arith.constant 96 : index
      %swap3A_477 = tpu.vector_load %arg10[%swap3A_476] {strides = array<i32>} : memref<128xi32, #tpu.memory_space<vmem>>, vector<16xi32>,
      %swap3A_478 = vector.shape_cast %swap3A_477 : vector<16xi32> to vector<16xi32>
      %swap3A_479 = vector.shape_cast %shift_right_logical3A_475 : vector<16xi32> to vector<16xi32>
      tpu.vector_store %arg10[%swap3A_476], %swap3A_479 {strides = array<i32>} : memref<128xi32, #tpu.memory_space<vmem>>, vector<16xi32>,
      %and3A_480 = arith.constant 16383 : i32
      %and3A_481 = vector.broadcast %and3A_480 : i32 to vector<16xi32>
      %and3A_482 = arith.andi %get3A_472, %and3A_481 : vector<16xi32>
      %swap3A_483 = arith.constant 96 : index
      %swap3A_484 = tpu.vector_load %arg12[%swap3A_483] {strides = array<i32>} : memref<128xi32, #tpu.memory_space<vmem>>, vector<16xi32>,
      %swap3A_485 = vector.shape_cast %swap3A_484 : vector<16xi32> to vector<16xi32>
      %swap3A_486 = vector.shape_cast %and3A_482 : vector<16xi32> to vector<16xi32>
      tpu.vector_store %arg12[%swap3A_483], %swap3A_486 {strides = array<i32>} : memref<128xi32, #tpu.memory_space<vmem>>, vector<16xi32>,
      %get3A_487 = arith.index_cast %rem3A_360 : i32 to index
      %get3A_488 = arith.constant 112 : index
      %get3A_489 = tpu.vector_load %arg9[%get3A_487, %get3A_488] {strides = array<i32>} : memref<8x128xi32, #tpu.memory_space<vmem>>, vector<1x16xi32>,
      %get3A_490 = vector.shape_cast %get3A_489 : vector<1x16xi32> to vector<16xi32>
      %shift_right_logical3A_491 = arith.constant 14 : i32
      %shift_right_logical3A_492 = vector.broadcast %shift_right_logical3A_491 : i32 to vector<16xi32>
      %shift_right_logical3A_493 = arith.shrui %get3A_490, %shift_right_logical3A_492 : vector<16xi32>
      %swap3A_494 = arith.constant 112 : index
      %swap3A_495 = tpu.vector_load %arg10[%swap3A_494] {strides = array<i32>} : memref<128xi32, #tpu.memory_space<vmem>>, vector<16xi32>,
      %swap3A_496 = vector.shape_cast %swap3A_495 : vector<16xi32> to vector<16xi32>
      %swap3A_497 = vector.shape_cast %shift_right_logical3A_493 : vector<16xi32> to vector<16xi32>
      tpu.vector_store %arg10[%swap3A_494], %swap3A_497 {strides = array<i32>} : memref<128xi32, #tpu.memory_space<vmem>>, vector<16xi32>,
      %and3A_498 = arith.constant 16383 : i32
      %and3A_499 = vector.broadcast %and3A_498 : i32 to vector<16xi32>
      %and3A_500 = arith.andi %get3A_490, %and3A_499 : vector<16xi32>
      %swap3A_501 = arith.constant 112 : index
      %swap3A_502 = tpu.vector_load %arg12[%swap3A_501] {strides = array<i32>} : memref<128xi32, #tpu.memory_space<vmem>>, vector<16xi32>,
      %swap3A_503 = vector.shape_cast %swap3A_502 : vector<16xi32> to vector<16xi32>
      %swap3A_504 = vector.shape_cast %and3A_500 : vector<16xi32> to vector<16xi32>
      tpu.vector_store %arg12[%swap3A_501], %swap3A_504 {strides = array<i32>} : memref<128xi32, #tpu.memory_space<vmem>>, vector<16xi32>,
      %dma_start3A_505 = arith.constant 0 : i32
      %dma_start3A_506 = arith.constant 0 : i32
      %dma_start3A_507 = tpu.memref_slice %arg5[%dma_start3A_505, %dma_start3A_506] : memref<10112x128xf32, #tpu.memory_space<hbm>> -> memref<10112x128xf32, #tpu.memory_space<hbm>>
      tpu.enqueue_indirect_dma source(%dma_start3A_507 : memref<10112x128xf32, #tpu.memory_space<hbm>>) target(%arg16 : memref<128x128xf32, #tpu.memory_space<vmem>>) offsets(%arg12 : memref<128xi32, #tpu.memory_space<vmem>>) semaphore(%arg18 : memref<!tpu.dma_semaphore, #tpu.memory_space<semaphore_mem>>)
      %dma_wait3A_508 = arith.constant 0 : i32
      %dma_wait3A_509 = arith.constant 0 : i32
      %dma_wait3A_510 = tpu.memref_slice %arg5[%dma_wait3A_508, %dma_wait3A_509] : memref<10112x128xf32, #tpu.memory_space<hbm>> -> memref<10112x128xf32, #tpu.memory_space<hbm>>
      tpu.wait_indirect_dma semaphore(%arg19 : memref<!tpu.dma_semaphore, #tpu.memory_space<semaphore_mem>>) src(%dma_wait3A_510 : memref<10112x128xf32, #tpu.memory_space<hbm>>) dst(%arg17 : memref<128x128xf32, #tpu.memory_space<vmem>>)
      %get3A_511 = arith.index_cast %add3A_342 : i32 to index
      %get3A_512 = tpu.vector_load %arg15[%get3A_511] {strides = array<i32>} : memref<176xi32, #tpu.memory_space<vmem>>, vector<16xi32>,
      %get3A_513 = vector.shape_cast %get3A_512 : vector<16xi32> to vector<16xi32>
      %slice3A_514 = vector.extract_strided_slice %get3A_513 {offsets = [0], sizes = [1], strides = [1]} : vector<16xi32> to vector<1xi32>
      %squeeze3A_515 = vector.extract %slice3A_514[0] : i32 from vector<1xi32>
      %ne3A_516 = arith.constant 0 : i32
      %ne3A_517 = arith.cmpi ne, %squeeze3A_515, %ne3A_516 : i32
      %convert_element_type3A_518 = arith.extui %ne3A_517 : i1 to i32
      %cond3A_519 = arith.constant 0 : i32
      %cond3A_520 = arith.cmpi ne, %convert_element_type3A_518, %cond3A_519 : i32
      scf.if %cond3A_520 {
        %add3A_524 = arith.addi %mul3A_6, %add3A_342 : i32
        %mul3A_525 = arith.constant 128 : i32
        %mul3A_526 = arith.muli %add3A_524, %mul3A_525 : i32
        "tpu.region"() ({
          %run_scoped3A = tpu.sem_alloc : memref<!tpu.dma_semaphore, #tpu.memory_space<semaphore_mem>>
          %dma_start3A_533 = arith.constant 0 : i32
          %dma_start3A_534 = tpu.memref_slice %arg14[%dma_start3A_533] : memref<144xf32, #tpu.memory_space<vmem>> -> memref<128xf32, #tpu.memory_space<vmem>>
          %dma_start3A_535 = tpu.memref_slice %arg3[%mul3A_526] : memref<655360xf32, #tpu.memory_space<hbm>> -> memref<128xf32, #tpu.memory_space<hbm>>
          %dma_start3A_536 = arith.constant 0 : i32
          %dma_start3A_537 = tpu.memref_slice %arg14[%dma_start3A_536] : memref<144xf32, #tpu.memory_space<vmem>> -> memref<128xf32, #tpu.memory_space<vmem>>
          %dma_start3A_538 = tpu.memref_slice %arg3[%mul3A_526] : memref<655360xf32, #tpu.memory_space<hbm>> -> memref<128xf32, #tpu.memory_space<hbm>>
          tpu.enqueue_dma source(%dma_start3A_538 : memref<128xf32, #tpu.memory_space<hbm>>) target(%dma_start3A_537 : memref<128xf32, #tpu.memory_space<vmem>>) target_semaphore(%run_scoped3A : memref<!tpu.dma_semaphore, #tpu.memory_space<semaphore_mem>>)
          %dma_wait3A_539 = arith.constant 0 : i32
          %dma_wait3A_540 = tpu.memref_slice %arg14[%dma_wait3A_539] : memref<144xf32, #tpu.memory_space<vmem>> -> memref<128xf32, #tpu.memory_space<vmem>>
          %dma_wait3A_541 = tpu.memref_slice %arg3[%mul3A_526] : memref<655360xf32, #tpu.memory_space<hbm>> -> memref<128xf32, #tpu.memory_space<hbm>>
          %dma_wait3A_542 = arith.constant 0 : i32
          %dma_wait3A_543 = tpu.memref_slice %arg14[%dma_wait3A_542] : memref<144xf32, #tpu.memory_space<vmem>> -> memref<128xf32, #tpu.memory_space<vmem>>
          %dma_wait3A_544 = tpu.memref_slice %arg3[%mul3A_526] : memref<655360xf32, #tpu.memory_space<hbm>> -> memref<128xf32, #tpu.memory_space<hbm>>
          tpu.wait_dma2 semaphore(%run_scoped3A : memref<!tpu.dma_semaphore, #tpu.memory_space<semaphore_mem>>) src(%dma_wait3A_544 : memref<128xf32, #tpu.memory_space<hbm>>) dst(%dma_wait3A_543 : memref<128xf32, #tpu.memory_space<vmem>>)
          tpu.yield
        }) : () -> ()
        %scan3A_527 = arith.constant 0 : i32
        %scan3A_528 = arith.constant 0 : i32
        %scan3A_529 = arith.constant 128 : i32
        %scan3A_530 = arith.addi %scan3A_528, %scan3A_529 : i32
        %scan3A_531 = arith.constant 1 : i32
        scf.for %scan3A_533 = %scan3A_528 to %scan3A_530 step %scan3A_531  : i32 {
          %get3A_534 = arith.index_cast %scan3A_533 : i32 to index
          %get3A_535 = tpu.vector_load %arg14[%get3A_534] {strides = array<i32>} : memref<144xf32, #tpu.memory_space<vmem>>, vector<16xf32>,
          %get3A_536 = vector.shape_cast %get3A_535 : vector<16xf32> to vector<16xf32>
          %slice3A_537 = vector.extract_strided_slice %get3A_536 {offsets = [0], sizes = [1], strides = [1]} : vector<16xf32> to vector<1xf32>
          %squeeze3A_538 = vector.extract %slice3A_537[0] : f32 from vector<1xf32>
          %get3A_539 = arith.index_cast %scan3A_533 : i32 to index
          %get3A_540 = arith.constant 0 : index
          %get3A_541 = tpu.vector_load %arg17[%get3A_539, %get3A_540] {strides = array<i32>} : memref<128x128xf32, #tpu.memory_space<vmem>>, vector<1x16xf32>,
          %get3A_542 = vector.shape_cast %get3A_541 : vector<1x16xf32> to vector<16xf32>
          %mul3A_543 = vector.broadcast %squeeze3A_538 : f32 to vector<16xf32>
          %mul3A_544 = arith.mulf %get3A_542, %mul3A_543 : vector<16xf32>
          %swap3A_545 = arith.index_cast %scan3A_533 : i32 to index
          %swap3A_546 = arith.constant 0 : index
          %swap3A_547 = tpu.vector_load %arg17[%swap3A_545, %swap3A_546] {strides = array<i32>} : memref<128x128xf32, #tpu.memory_space<vmem>>, vector<1x16xf32>,
          %swap3A_548 = vector.shape_cast %swap3A_547 : vector<1x16xf32> to vector<16xf32>
          %swap3A_549 = vector.shape_cast %mul3A_544 : vector<16xf32> to vector<1x16xf32>
          tpu.vector_store %arg17[%swap3A_545, %swap3A_546], %swap3A_549 {strides = array<i32>} : memref<128x128xf32, #tpu.memory_space<vmem>>, vector<1x16xf32>,
          %get3A_550 = arith.index_cast %scan3A_533 : i32 to index
          %get3A_551 = arith.constant 16 : index
          %get3A_552 = tpu.vector_load %arg17[%get3A_550, %get3A_551] {strides = array<i32>} : memref<128x128xf32, #tpu.memory_space<vmem>>, vector<1x16xf32>,
          %get3A_553 = vector.shape_cast %get3A_552 : vector<1x16xf32> to vector<16xf32>
          %mul3A_554 = vector.broadcast %squeeze3A_538 : f32 to vector<16xf32>
          %mul3A_555 = arith.mulf %get3A_553, %mul3A_554 : vector<16xf32>
          %swap3A_556 = arith.index_cast %scan3A_533 : i32 to index
          %swap3A_557 = arith.constant 16 : index
          %swap3A_558 = tpu.vector_load %arg17[%swap3A_556, %swap3A_557] {strides = array<i32>} : memref<128x128xf32, #tpu.memory_space<vmem>>, vector<1x16xf32>,
          %swap3A_559 = vector.shape_cast %swap3A_558 : vector<1x16xf32> to vector<16xf32>
          %swap3A_560 = vector.shape_cast %mul3A_555 : vector<16xf32> to vector<1x16xf32>
          tpu.vector_store %arg17[%swap3A_556, %swap3A_557], %swap3A_560 {strides = array<i32>} : memref<128x128xf32, #tpu.memory_space<vmem>>, vector<1x16xf32>,
          %get3A_561 = arith.index_cast %scan3A_533 : i32 to index
          %get3A_562 = arith.constant 32 : index
          %get3A_563 = tpu.vector_load %arg17[%get3A_561, %get3A_562] {strides = array<i32>} : memref<128x128xf32, #tpu.memory_space<vmem>>, vector<1x16xf32>,
          %get3A_564 = vector.shape_cast %get3A_563 : vector<1x16xf32> to vector<16xf32>
          %mul3A_565 = vector.broadcast %squeeze3A_538 : f32 to vector<16xf32>
          %mul3A_566 = arith.mulf %get3A_564, %mul3A_565 : vector<16xf32>
          %swap3A_567 = arith.index_cast %scan3A_533 : i32 to index
          %swap3A_568 = arith.constant 32 : index
          %swap3A_569 = tpu.vector_load %arg17[%swap3A_567, %swap3A_568] {strides = array<i32>} : memref<128x128xf32, #tpu.memory_space<vmem>>, vector<1x16xf32>,
          %swap3A_570 = vector.shape_cast %swap3A_569 : vector<1x16xf32> to vector<16xf32>
          %swap3A_571 = vector.shape_cast %mul3A_566 : vector<16xf32> to vector<1x16xf32>
          tpu.vector_store %arg17[%swap3A_567, %swap3A_568], %swap3A_571 {strides = array<i32>} : memref<128x128xf32, #tpu.memory_space<vmem>>, vector<1x16xf32>,
          %get3A_572 = arith.index_cast %scan3A_533 : i32 to index
          %get3A_573 = arith.constant 48 : index
          %get3A_574 = tpu.vector_load %arg17[%get3A_572, %get3A_573] {strides = array<i32>} : memref<128x128xf32, #tpu.memory_space<vmem>>, vector<1x16xf32>,
          %get3A_575 = vector.shape_cast %get3A_574 : vector<1x16xf32> to vector<16xf32>
          %mul3A_576 = vector.broadcast %squeeze3A_538 : f32 to vector<16xf32>
          %mul3A_577 = arith.mulf %get3A_575, %mul3A_576 : vector<16xf32>
          %swap3A_578 = arith.index_cast %scan3A_533 : i32 to index
          %swap3A_579 = arith.constant 48 : index
          %swap3A_580 = tpu.vector_load %arg17[%swap3A_578, %swap3A_579] {strides = array<i32>} : memref<128x128xf32, #tpu.memory_space<vmem>>, vector<1x16xf32>,
          %swap3A_581 = vector.shape_cast %swap3A_580 : vector<1x16xf32> to vector<16xf32>
          %swap3A_582 = vector.shape_cast %mul3A_577 : vector<16xf32> to vector<1x16xf32>
          tpu.vector_store %arg17[%swap3A_578, %swap3A_579], %swap3A_582 {strides = array<i32>} : memref<128x128xf32, #tpu.memory_space<vmem>>, vector<1x16xf32>,
          %get3A_583 = arith.index_cast %scan3A_533 : i32 to index
          %get3A_584 = arith.constant 64 : index
          %get3A_585 = tpu.vector_load %arg17[%get3A_583, %get3A_584] {strides = array<i32>} : memref<128x128xf32, #tpu.memory_space<vmem>>, vector<1x16xf32>,
          %get3A_586 = vector.shape_cast %get3A_585 : vector<1x16xf32> to vector<16xf32>
          %mul3A_587 = vector.broadcast %squeeze3A_538 : f32 to vector<16xf32>
          %mul3A_588 = arith.mulf %get3A_586, %mul3A_587 : vector<16xf32>
          %swap3A_589 = arith.index_cast %scan3A_533 : i32 to index
          %swap3A_590 = arith.constant 64 : index
          %swap3A_591 = tpu.vector_load %arg17[%swap3A_589, %swap3A_590] {strides = array<i32>} : memref<128x128xf32, #tpu.memory_space<vmem>>, vector<1x16xf32>,
          %swap3A_592 = vector.shape_cast %swap3A_591 : vector<1x16xf32> to vector<16xf32>
          %swap3A_593 = vector.shape_cast %mul3A_588 : vector<16xf32> to vector<1x16xf32>
          tpu.vector_store %arg17[%swap3A_589, %swap3A_590], %swap3A_593 {strides = array<i32>} : memref<128x128xf32, #tpu.memory_space<vmem>>, vector<1x16xf32>,
          %get3A_594 = arith.index_cast %scan3A_533 : i32 to index
          %get3A_595 = arith.constant 80 : index
          %get3A_596 = tpu.vector_load %arg17[%get3A_594, %get3A_595] {strides = array<i32>} : memref<128x128xf32, #tpu.memory_space<vmem>>, vector<1x16xf32>,
          %get3A_597 = vector.shape_cast %get3A_596 : vector<1x16xf32> to vector<16xf32>
          %mul3A_598 = vector.broadcast %squeeze3A_538 : f32 to vector<16xf32>
          %mul3A_599 = arith.mulf %get3A_597, %mul3A_598 : vector<16xf32>
          %swap3A_600 = arith.index_cast %scan3A_533 : i32 to index
          %swap3A_601 = arith.constant 80 : index
          %swap3A_602 = tpu.vector_load %arg17[%swap3A_600, %swap3A_601] {strides = array<i32>} : memref<128x128xf32, #tpu.memory_space<vmem>>, vector<1x16xf32>,
          %swap3A_603 = vector.shape_cast %swap3A_602 : vector<1x16xf32> to vector<16xf32>
          %swap3A_604 = vector.shape_cast %mul3A_599 : vector<16xf32> to vector<1x16xf32>
          tpu.vector_store %arg17[%swap3A_600, %swap3A_601], %swap3A_604 {strides = array<i32>} : memref<128x128xf32, #tpu.memory_space<vmem>>, vector<1x16xf32>,
          %get3A_605 = arith.index_cast %scan3A_533 : i32 to index
          %get3A_606 = arith.constant 96 : index
          %get3A_607 = tpu.vector_load %arg17[%get3A_605, %get3A_606] {strides = array<i32>} : memref<128x128xf32, #tpu.memory_space<vmem>>, vector<1x16xf32>,
          %get3A_608 = vector.shape_cast %get3A_607 : vector<1x16xf32> to vector<16xf32>
          %mul3A_609 = vector.broadcast %squeeze3A_538 : f32 to vector<16xf32>
          %mul3A_610 = arith.mulf %get3A_608, %mul3A_609 : vector<16xf32>
          %swap3A_611 = arith.index_cast %scan3A_533 : i32 to index
          %swap3A_612 = arith.constant 96 : index
          %swap3A_613 = tpu.vector_load %arg17[%swap3A_611, %swap3A_612] {strides = array<i32>} : memref<128x128xf32, #tpu.memory_space<vmem>>, vector<1x16xf32>,
          %swap3A_614 = vector.shape_cast %swap3A_613 : vector<1x16xf32> to vector<16xf32>
          %swap3A_615 = vector.shape_cast %mul3A_610 : vector<16xf32> to vector<1x16xf32>
          tpu.vector_store %arg17[%swap3A_611, %swap3A_612], %swap3A_615 {strides = array<i32>} : memref<128x128xf32, #tpu.memory_space<vmem>>, vector<1x16xf32>,
          %get3A_616 = arith.index_cast %scan3A_533 : i32 to index
          %get3A_617 = arith.constant 112 : index
          %get3A_618 = tpu.vector_load %arg17[%get3A_616, %get3A_617] {strides = array<i32>} : memref<128x128xf32, #tpu.memory_space<vmem>>, vector<1x16xf32>,
          %get3A_619 = vector.shape_cast %get3A_618 : vector<1x16xf32> to vector<16xf32>
          %mul3A_620 = vector.broadcast %squeeze3A_538 : f32 to vector<16xf32>
          %mul3A_621 = arith.mulf %get3A_619, %mul3A_620 : vector<16xf32>
          %swap3A_622 = arith.index_cast %scan3A_533 : i32 to index
          %swap3A_623 = arith.constant 112 : index
          %swap3A_624 = tpu.vector_load %arg17[%swap3A_622, %swap3A_623] {strides = array<i32>} : memref<128x128xf32, #tpu.memory_space<vmem>>, vector<1x16xf32>,
          %swap3A_625 = vector.shape_cast %swap3A_624 : vector<1x16xf32> to vector<16xf32>
          %swap3A_626 = vector.shape_cast %mul3A_621 : vector<16xf32> to vector<1x16xf32>
          tpu.vector_store %arg17[%swap3A_622, %swap3A_623], %swap3A_626 {strides = array<i32>} : memref<128x128xf32, #tpu.memory_space<vmem>>, vector<1x16xf32>,
        }
        %scan3A_532 = arith.constant 128 : i32
      } else {
      }
      %dma_start3A_521 = arith.constant 0 : i32
      %dma_start3A_522 = arith.constant 0 : i32
      %dma_start3A_523 = tpu.memref_slice %arg8[%dma_start3A_521, %dma_start3A_522] : memref<10112x128xf32, #tpu.memory_space<vmem_shared>> -> memref<10112x128xf32, #tpu.memory_space<vmem_shared>>
      tpu.enqueue_indirect_dma source(%arg17 : memref<128x128xf32, #tpu.memory_space<vmem>>) target(%dma_start3A_523 : memref<10112x128xf32, #tpu.memory_space<vmem_shared>>) offsets(%arg11 : memref<128xi32, #tpu.memory_space<vmem>>) semaphore(%arg21 : memref<!tpu.dma_semaphore, #tpu.memory_space<semaphore_mem>>) {add = true}
    }
    %scan3A_155 = arith.constant 80 : i32
    %dma_wait3A = arith.constant 0 : i32
    %dma_wait3A_156 = arith.constant 0 : i32
    %dma_wait3A_157 = tpu.memref_slice %arg5[%dma_wait3A, %dma_wait3A_156] : memref<10112x128xf32, #tpu.memory_space<hbm>> -> memref<10112x128xf32, #tpu.memory_space<hbm>>
    tpu.wait_indirect_dma semaphore(%arg18 : memref<!tpu.dma_semaphore, #tpu.memory_space<semaphore_mem>>) src(%dma_wait3A_157 : memref<10112x128xf32, #tpu.memory_space<hbm>>) dst(%arg16 : memref<128x128xf32, #tpu.memory_space<vmem>>)
    %dma_wait3A_158 = arith.constant 0 : i32
    %dma_wait3A_159 = arith.constant 0 : i32
    %dma_wait3A_160 = tpu.memref_slice %arg8[%dma_wait3A_158, %dma_wait3A_159] : memref<10112x128xf32, #tpu.memory_space<vmem_shared>> -> memref<10112x128xf32, #tpu.memory_space<vmem_shared>>
    tpu.wait_indirect_dma semaphore(%arg21 : memref<!tpu.dma_semaphore, #tpu.memory_space<semaphore_mem>>) src(%arg17 : memref<128x128xf32, #tpu.memory_space<vmem>>) dst(%dma_wait3A_160 : memref<10112x128xf32, #tpu.memory_space<vmem_shared>>)
    %barrier3A_161 = arith.constant 0 : index
    tpu.barrier barrier_id(%barrier3A_161)
    "tpu.region"() ({
      %run_scoped3A = tpu.sem_alloc : memref<!tpu.dma_semaphore, #tpu.memory_space<semaphore_mem>>
      %dma_start3A_162 = arith.constant 0 : i32
      %dma_start3A_163 = tpu.memref_slice %arg7[%arg0, %mul3A_2, %dma_start3A_162] : memref<2x10112x128xf32, #tpu.memory_space<hbm>> -> memref<1x632x128xf32, #tpu.memory_space<hbm>>
      %dma_start3A_164 = tpu.memref_squeeze %dma_start3A_163 : memref<1x632x128xf32, #tpu.memory_space<hbm>> -> memref<632x128xf32, #tpu.memory_space<hbm>>
      %dma_start3A_165 = arith.constant 0 : i32
      %dma_start3A_166 = tpu.memref_slice %arg8[%mul3A_2, %dma_start3A_165] : memref<10112x128xf32, #tpu.memory_space<vmem_shared>> -> memref<632x128xf32, #tpu.memory_space<vmem_shared>>
      tpu.enqueue_dma source(%dma_start3A_166 : memref<632x128xf32, #tpu.memory_space<vmem_shared>>) target(%dma_start3A_164 : memref<632x128xf32, #tpu.memory_space<hbm>>) target_semaphore(%run_scoped3A : memref<!tpu.dma_semaphore, #tpu.memory_space<semaphore_mem>>)
      %dma_wait3A_167 = arith.constant 0 : i32
      %dma_wait3A_168 = tpu.memref_slice %arg7[%arg0, %mul3A_2, %dma_wait3A_167] : memref<2x10112x128xf32, #tpu.memory_space<hbm>> -> memref<1x632x128xf32, #tpu.memory_space<hbm>>
      %dma_wait3A_169 = tpu.memref_squeeze %dma_wait3A_168 : memref<1x632x128xf32, #tpu.memory_space<hbm>> -> memref<632x128xf32, #tpu.memory_space<hbm>>
      %dma_wait3A_170 = arith.constant 0 : i32
      %dma_wait3A_171 = tpu.memref_slice %arg8[%mul3A_2, %dma_wait3A_170] : memref<10112x128xf32, #tpu.memory_space<vmem_shared>> -> memref<632x128xf32, #tpu.memory_space<vmem_shared>>
      tpu.wait_dma2 semaphore(%run_scoped3A : memref<!tpu.dma_semaphore, #tpu.memory_space<semaphore_mem>>) src(%dma_wait3A_171 : memref<632x128xf32, #tpu.memory_space<vmem_shared>>) dst(%dma_wait3A_169 : memref<632x128xf32, #tpu.memory_space<hbm>>)
      tpu.yield
    }) : () -> ()
    return
  }
}

#map = affine_map<(d0, d1) -> (0, 0)>
#map1 = affine_map<(d0, d1) -> (0)>
#map2 = affine_map<(d0, d1) -> (0, 0, 0)>
module attributes {stable_mosaic.version = 14 : i64} {
  func.func @body(%arg0: i32, %arg1: i32, %arg2: memref<5120x128xi32, #tpu.memory_space<hbm>>, %arg3: memref<655360xf32, #tpu.memory_space<hbm>>, %arg4: memref<5632xi32, #tpu.memory_space<hbm>>, %arg5: memref<10112x128xf32, #tpu.memory_space<hbm>>, %arg6: memref<632x128xf32, #tpu.memory_space<hbm>>, %arg7: memref<2x10112x128xf32, #tpu.memory_space<hbm>>, %arg8: memref<10112x128xf32, #tpu.memory_space<vmem_shared>>, %arg9: memref<8x128xi32, #tpu.memory_space<vmem>>, %arg10: memref<128xi32, #tpu.memory_space<vmem>>, %arg11: memref<128xi32, #tpu.memory_space<vmem>>, %arg12: memref<128xi32, #tpu.memory_space<vmem>>, %arg13: memref<128xi32, #tpu.memory_space<vmem>>, %arg14: memref<144xf32, #tpu.memory_space<vmem>>, %arg15: memref<176xi32, #tpu.memory_space<vmem>>, %arg16: memref<128x128xf32, #tpu.memory_space<vmem>>, %arg17: memref<128x128xf32, #tpu.memory_space<vmem>>, %arg18: memref<!tpu.dma_semaphore, #tpu.memory_space<semaphore_mem>>, %arg19: memref<!tpu.dma_semaphore, #tpu.memory_space<semaphore_mem>>, %arg20: memref<!tpu.dma_semaphore, #tpu.memory_space<semaphore_mem>>, %arg21: memref<!tpu.dma_semaphore, #tpu.memory_space<semaphore_mem>>) attributes {dimension_semantics = [#tpu.dimension_semantics<core_parallel>, #tpu.dimension_semantics<subcore_parallel>], iteration_bounds = array<i64: 2, 16>, scalar_prefetch = 0 : i64, scratch_operands = 14 : i64, tpu.core_type = #tpu.core_type<sc_vector_subcore>, window_params = [{transform_indices = #map}, {transform_indices = #map1}, {transform_indices = #map1}, {transform_indices = #map}, {transform_indices = #map}, {transform_indices = #map2}]} {
    %mul3A = arith.constant 2 : i32
    %mul3A_0 = arith.muli %arg1, %mul3A : i32
    %add3A = arith.addi %mul3A_0, %arg0 : i32
    %mul3A_1 = arith.constant 632 : i32
    %mul3A_2 = arith.muli %arg1, %mul3A_1 : i32
    "tpu.region"() ({
      %run_scoped3A = tpu.sem_alloc : memref<!tpu.dma_semaphore, #tpu.memory_space<semaphore_mem>>
      %dma_start3A_162 = arith.constant 0 : i32
      %dma_start3A_163 = tpu.memref_slice %arg8[%mul3A_2, %dma_start3A_162] : memref<10112x128xf32, #tpu.memory_space<vmem_shared>> -> memref<632x128xf32, #tpu.memory_space<vmem_shared>>
      tpu.enqueue_dma source(%arg6 : memref<632x128xf32, #tpu.memory_space<hbm>>) target(%dma_start3A_163 : memref<632x128xf32, #tpu.memory_space<vmem_shared>>) target_semaphore(%run_scoped3A : memref<!tpu.dma_semaphore, #tpu.memory_space<semaphore_mem>>)
      %dma_wait3A_164 = arith.constant 0 : i32
      %dma_wait3A_165 = tpu.memref_slice %arg8[%mul3A_2, %dma_wait3A_164] : memref<10112x128xf32, #tpu.memory_space<vmem_shared>> -> memref<632x128xf32, #tpu.memory_space<vmem_shared>>
      tpu.wait_dma2 semaphore(%run_scoped3A : memref<!tpu.dma_semaphore, #tpu.memory_space<semaphore_mem>>) src(%arg6 : memref<632x128xf32, #tpu.memory_space<hbm>>) dst(%dma_wait3A_165 : memref<632x128xf32, #tpu.memory_space<vmem_shared>>)
      tpu.yield
    }) : () -> ()
    %mul3A_3 = arith.constant 176 : i32
    %mul3A_4 = arith.muli %add3A, %mul3A_3 : i32
    "tpu.region"() ({
      %run_scoped3A = tpu.sem_alloc : memref<!tpu.dma_semaphore, #tpu.memory_space<semaphore_mem>>
      %dma_start3A_162 = tpu.memref_slice %arg4[%mul3A_4] : memref<5632xi32, #tpu.memory_space<hbm>> -> memref<176xi32, #tpu.memory_space<hbm>>
      %dma_start3A_163 = tpu.memref_slice %arg4[%mul3A_4] : memref<5632xi32, #tpu.memory_space<hbm>> -> memref<176xi32, #tpu.memory_space<hbm>>
      tpu.enqueue_dma source(%dma_start3A_163 : memref<176xi32, #tpu.memory_space<hbm>>) target(%arg15 : memref<176xi32, #tpu.memory_space<vmem>>) target_semaphore(%run_scoped3A : memref<!tpu.dma_semaphore, #tpu.memory_space<semaphore_mem>>)
      %dma_wait3A_164 = tpu.memref_slice %arg4[%mul3A_4] : memref<5632xi32, #tpu.memory_space<hbm>> -> memref<176xi32, #tpu.memory_space<hbm>>
      %dma_wait3A_165 = tpu.memref_slice %arg4[%mul3A_4] : memref<5632xi32, #tpu.memory_space<hbm>> -> memref<176xi32, #tpu.memory_space<hbm>>
      tpu.wait_dma2 semaphore(%run_scoped3A : memref<!tpu.dma_semaphore, #tpu.memory_space<semaphore_mem>>) src(%dma_wait3A_165 : memref<176xi32, #tpu.memory_space<hbm>>) dst(%arg15 : memref<176xi32, #tpu.memory_space<vmem>>)
      tpu.yield
    }) : () -> ()
    %barrier3A = arith.constant 0 : index
    tpu.barrier barrier_id(%barrier3A)
    %mul3A_5 = arith.constant 160 : i32
    %mul3A_6 = arith.muli %add3A, %mul3A_5 : i32
    "tpu.region"() ({
      %run_scoped3A = tpu.sem_alloc : memref<!tpu.dma_semaphore, #tpu.memory_space<semaphore_mem>>
      %dma_start3A_162 = arith.constant 0 : i32
      %dma_start3A_163 = tpu.memref_slice %arg2[%mul3A_6, %dma_start3A_162] : memref<5120x128xi32, #tpu.memory_space<hbm>> -> memref<8x128xi32, #tpu.memory_space<hbm>>
      %dma_start3A_164 = arith.constant 0 : i32
      %dma_start3A_165 = tpu.memref_slice %arg2[%mul3A_6, %dma_start3A_164] : memref<5120x128xi32, #tpu.memory_space<hbm>> -> memref<8x128xi32, #tpu.memory_space<hbm>>
      tpu.enqueue_dma source(%dma_start3A_165 : memref<8x128xi32, #tpu.memory_space<hbm>>) target(%arg9 : memref<8x128xi32, #tpu.memory_space<vmem>>) target_semaphore(%run_scoped3A : memref<!tpu.dma_semaphore, #tpu.memory_space<semaphore_mem>>)
      %dma_wait3A_166 = arith.constant 0 : i32
      %dma_wait3A_167 = tpu.memref_slice %arg2[%mul3A_6, %dma_wait3A_166] : memref<5120x128xi32, #tpu.memory_space<hbm>> -> memref<8x128xi32, #tpu.memory_space<hbm>>
      %dma_wait3A_168 = arith.constant 0 : i32
      %dma_wait3A_169 = tpu.memref_slice %arg2[%mul3A_6, %dma_wait3A_168] : memref<5120x128xi32, #tpu.memory_space<hbm>> -> memref<8x128xi32, #tpu.memory_space<hbm>>
      tpu.wait_dma2 semaphore(%run_scoped3A : memref<!tpu.dma_semaphore, #tpu.memory_space<semaphore_mem>>) src(%dma_wait3A_169 : memref<8x128xi32, #tpu.memory_space<hbm>>) dst(%arg9 : memref<8x128xi32, #tpu.memory_space<vmem>>)
      tpu.yield
    }) : () -> ()
    %rem3A = arith.constant 0 : i32
    %rem3A_7 = arith.constant 8 : i32
    %rem3A_8 = arith.remsi %rem3A, %rem3A_7 : i32
    %get3A = arith.index_cast %rem3A_8 : i32 to index
    %get3A_9 = arith.constant 0 : index
    %get3A_10 = tpu.vector_load %arg9[%get3A, %get3A_9] {strides = array<i32>} : memref<8x128xi32, #tpu.memory_space<vmem>>, vector<1x16xi32>,
    %get3A_11 = vector.shape_cast %get3A_10 : vector<1x16xi32> to vector<16xi32>
    %shift_right_logical3A = arith.constant 14 : i32
    %shift_right_logical3A_12 = vector.broadcast %shift_right_logical3A : i32 to vector<16xi32>
    %shift_right_logical3A_13 = arith.shrui %get3A_11, %shift_right_logical3A_12 : vector<16xi32>
    %swap3A = arith.constant 0 : index
    %swap3A_14 = tpu.vector_load %arg10[%swap3A] {strides = array<i32>} : memref<128xi32, #tpu.memory_space<vmem>>, vector<16xi32>,
    %swap3A_15 = vector.shape_cast %swap3A_14 : vector<16xi32> to vector<16xi32>
    %swap3A_16 = vector.shape_cast %shift_right_logical3A_13 : vector<16xi32> to vector<16xi32>
    tpu.vector_store %arg10[%swap3A], %swap3A_16 {strides = array<i32>} : memref<128xi32, #tpu.memory_space<vmem>>, vector<16xi32>,
    %and3A = arith.constant 16383 : i32
    %and3A_17 = vector.broadcast %and3A : i32 to vector<16xi32>
    %and3A_18 = arith.andi %get3A_11, %and3A_17 : vector<16xi32>
    %swap3A_19 = arith.constant 0 : index
    %swap3A_20 = tpu.vector_load %arg12[%swap3A_19] {strides = array<i32>} : memref<128xi32, #tpu.memory_space<vmem>>, vector<16xi32>,
    %swap3A_21 = vector.shape_cast %swap3A_20 : vector<16xi32> to vector<16xi32>
    %swap3A_22 = vector.shape_cast %and3A_18 : vector<16xi32> to vector<16xi32>
    tpu.vector_store %arg12[%swap3A_19], %swap3A_22 {strides = array<i32>} : memref<128xi32, #tpu.memory_space<vmem>>, vector<16xi32>,
    %get3A_23 = arith.index_cast %rem3A_8 : i32 to index
    %get3A_24 = arith.constant 16 : index
    %get3A_25 = tpu.vector_load %arg9[%get3A_23, %get3A_24] {strides = array<i32>} : memref<8x128xi32, #tpu.memory_space<vmem>>, vector<1x16xi32>,
    %get3A_26 = vector.shape_cast %get3A_25 : vector<1x16xi32> to vector<16xi32>
    %shift_right_logical3A_27 = arith.constant 14 : i32
    %shift_right_logical3A_28 = vector.broadcast %shift_right_logical3A_27 : i32 to vector<16xi32>
    %shift_right_logical3A_29 = arith.shrui %get3A_26, %shift_right_logical3A_28 : vector<16xi32>
    %swap3A_30 = arith.constant 16 : index
    %swap3A_31 = tpu.vector_load %arg10[%swap3A_30] {strides = array<i32>} : memref<128xi32, #tpu.memory_space<vmem>>, vector<16xi32>,
    %swap3A_32 = vector.shape_cast %swap3A_31 : vector<16xi32> to vector<16xi32>
    %swap3A_33 = vector.shape_cast %shift_right_logical3A_29 : vector<16xi32> to vector<16xi32>
    tpu.vector_store %arg10[%swap3A_30], %swap3A_33 {strides = array<i32>} : memref<128xi32, #tpu.memory_space<vmem>>, vector<16xi32>,
    %and3A_34 = arith.constant 16383 : i32
    %and3A_35 = vector.broadcast %and3A_34 : i32 to vector<16xi32>
    %and3A_36 = arith.andi %get3A_26, %and3A_35 : vector<16xi32>
    %swap3A_37 = arith.constant 16 : index
    %swap3A_38 = tpu.vector_load %arg12[%swap3A_37] {strides = array<i32>} : memref<128xi32, #tpu.memory_space<vmem>>, vector<16xi32>,
    %swap3A_39 = vector.shape_cast %swap3A_38 : vector<16xi32> to vector<16xi32>
    %swap3A_40 = vector.shape_cast %and3A_36 : vector<16xi32> to vector<16xi32>
    tpu.vector_store %arg12[%swap3A_37], %swap3A_40 {strides = array<i32>} : memref<128xi32, #tpu.memory_space<vmem>>, vector<16xi32>,
    %get3A_41 = arith.index_cast %rem3A_8 : i32 to index
    %get3A_42 = arith.constant 32 : index
    %get3A_43 = tpu.vector_load %arg9[%get3A_41, %get3A_42] {strides = array<i32>} : memref<8x128xi32, #tpu.memory_space<vmem>>, vector<1x16xi32>,
    %get3A_44 = vector.shape_cast %get3A_43 : vector<1x16xi32> to vector<16xi32>
    %shift_right_logical3A_45 = arith.constant 14 : i32
    %shift_right_logical3A_46 = vector.broadcast %shift_right_logical3A_45 : i32 to vector<16xi32>
    %shift_right_logical3A_47 = arith.shrui %get3A_44, %shift_right_logical3A_46 : vector<16xi32>
    %swap3A_48 = arith.constant 32 : index
    %swap3A_49 = tpu.vector_load %arg10[%swap3A_48] {strides = array<i32>} : memref<128xi32, #tpu.memory_space<vmem>>, vector<16xi32>,
    %swap3A_50 = vector.shape_cast %swap3A_49 : vector<16xi32> to vector<16xi32>
    %swap3A_51 = vector.shape_cast %shift_right_logical3A_47 : vector<16xi32> to vector<16xi32>
    tpu.vector_store %arg10[%swap3A_48], %swap3A_51 {strides = array<i32>} : memref<128xi32, #tpu.memory_space<vmem>>, vector<16xi32>,
    %and3A_52 = arith.constant 16383 : i32
    %and3A_53 = vector.broadcast %and3A_52 : i32 to vector<16xi32>
    %and3A_54 = arith.andi %get3A_44, %and3A_53 : vector<16xi32>
    %swap3A_55 = arith.constant 32 : index
    %swap3A_56 = tpu.vector_load %arg12[%swap3A_55] {strides = array<i32>} : memref<128xi32, #tpu.memory_space<vmem>>, vector<16xi32>,
    %swap3A_57 = vector.shape_cast %swap3A_56 : vector<16xi32> to vector<16xi32>
    %swap3A_58 = vector.shape_cast %and3A_54 : vector<16xi32> to vector<16xi32>
    tpu.vector_store %arg12[%swap3A_55], %swap3A_58 {strides = array<i32>} : memref<128xi32, #tpu.memory_space<vmem>>, vector<16xi32>,
    %get3A_59 = arith.index_cast %rem3A_8 : i32 to index
    %get3A_60 = arith.constant 48 : index
    %get3A_61 = tpu.vector_load %arg9[%get3A_59, %get3A_60] {strides = array<i32>} : memref<8x128xi32, #tpu.memory_space<vmem>>, vector<1x16xi32>,
    %get3A_62 = vector.shape_cast %get3A_61 : vector<1x16xi32> to vector<16xi32>
    %shift_right_logical3A_63 = arith.constant 14 : i32
    %shift_right_logical3A_64 = vector.broadcast %shift_right_logical3A_63 : i32 to vector<16xi32>
    %shift_right_logical3A_65 = arith.shrui %get3A_62, %shift_right_logical3A_64 : vector<16xi32>
    %swap3A_66 = arith.constant 48 : index
    %swap3A_67 = tpu.vector_load %arg10[%swap3A_66] {strides = array<i32>} : memref<128xi32, #tpu.memory_space<vmem>>, vector<16xi32>,
    %swap3A_68 = vector.shape_cast %swap3A_67 : vector<16xi32> to vector<16xi32>
    %swap3A_69 = vector.shape_cast %shift_right_logical3A_65 : vector<16xi32> to vector<16xi32>
    tpu.vector_store %arg10[%swap3A_66], %swap3A_69 {strides = array<i32>} : memref<128xi32, #tpu.memory_space<vmem>>, vector<16xi32>,
    %and3A_70 = arith.constant 16383 : i32
    %and3A_71 = vector.broadcast %and3A_70 : i32 to vector<16xi32>
    %and3A_72 = arith.andi %get3A_62, %and3A_71 : vector<16xi32>
    %swap3A_73 = arith.constant 48 : index
    %swap3A_74 = tpu.vector_load %arg12[%swap3A_73] {strides = array<i32>} : memref<128xi32, #tpu.memory_space<vmem>>, vector<16xi32>,
    %swap3A_75 = vector.shape_cast %swap3A_74 : vector<16xi32> to vector<16xi32>
    %swap3A_76 = vector.shape_cast %and3A_72 : vector<16xi32> to vector<16xi32>
    tpu.vector_store %arg12[%swap3A_73], %swap3A_76 {strides = array<i32>} : memref<128xi32, #tpu.memory_space<vmem>>, vector<16xi32>,
    %get3A_77 = arith.index_cast %rem3A_8 : i32 to index
    %get3A_78 = arith.constant 64 : index
    %get3A_79 = tpu.vector_load %arg9[%get3A_77, %get3A_78] {strides = array<i32>} : memref<8x128xi32, #tpu.memory_space<vmem>>, vector<1x16xi32>,
    %get3A_80 = vector.shape_cast %get3A_79 : vector<1x16xi32> to vector<16xi32>
    %shift_right_logical3A_81 = arith.constant 14 : i32
    %shift_right_logical3A_82 = vector.broadcast %shift_right_logical3A_81 : i32 to vector<16xi32>
    %shift_right_logical3A_83 = arith.shrui %get3A_80, %shift_right_logical3A_82 : vector<16xi32>
    %swap3A_84 = arith.constant 64 : index
    %swap3A_85 = tpu.vector_load %arg10[%swap3A_84] {strides = array<i32>} : memref<128xi32, #tpu.memory_space<vmem>>, vector<16xi32>,
    %swap3A_86 = vector.shape_cast %swap3A_85 : vector<16xi32> to vector<16xi32>
    %swap3A_87 = vector.shape_cast %shift_right_logical3A_83 : vector<16xi32> to vector<16xi32>
    tpu.vector_store %arg10[%swap3A_84], %swap3A_87 {strides = array<i32>} : memref<128xi32, #tpu.memory_space<vmem>>, vector<16xi32>,
    %and3A_88 = arith.constant 16383 : i32
    %and3A_89 = vector.broadcast %and3A_88 : i32 to vector<16xi32>
    %and3A_90 = arith.andi %get3A_80, %and3A_89 : vector<16xi32>
    %swap3A_91 = arith.constant 64 : index
    %swap3A_92 = tpu.vector_load %arg12[%swap3A_91] {strides = array<i32>} : memref<128xi32, #tpu.memory_space<vmem>>, vector<16xi32>,
    %swap3A_93 = vector.shape_cast %swap3A_92 : vector<16xi32> to vector<16xi32>
    %swap3A_94 = vector.shape_cast %and3A_90 : vector<16xi32> to vector<16xi32>
    tpu.vector_store %arg12[%swap3A_91], %swap3A_94 {strides = array<i32>} : memref<128xi32, #tpu.memory_space<vmem>>, vector<16xi32>,
    %get3A_95 = arith.index_cast %rem3A_8 : i32 to index
    %get3A_96 = arith.constant 80 : index
    %get3A_97 = tpu.vector_load %arg9[%get3A_95, %get3A_96] {strides = array<i32>} : memref<8x128xi32, #tpu.memory_space<vmem>>, vector<1x16xi32>,
    %get3A_98 = vector.shape_cast %get3A_97 : vector<1x16xi32> to vector<16xi32>
    %shift_right_logical3A_99 = arith.constant 14 : i32
    %shift_right_logical3A_100 = vector.broadcast %shift_right_logical3A_99 : i32 to vector<16xi32>
    %shift_right_logical3A_101 = arith.shrui %get3A_98, %shift_right_logical3A_100 : vector<16xi32>
    %swap3A_102 = arith.constant 80 : index
    %swap3A_103 = tpu.vector_load %arg10[%swap3A_102] {strides = array<i32>} : memref<128xi32, #tpu.memory_space<vmem>>, vector<16xi32>,
    %swap3A_104 = vector.shape_cast %swap3A_103 : vector<16xi32> to vector<16xi32>
    %swap3A_105 = vector.shape_cast %shift_right_logical3A_101 : vector<16xi32> to vector<16xi32>
    tpu.vector_store %arg10[%swap3A_102], %swap3A_105 {strides = array<i32>} : memref<128xi32, #tpu.memory_space<vmem>>, vector<16xi32>,
    %and3A_106 = arith.constant 16383 : i32
    %and3A_107 = vector.broadcast %and3A_106 : i32 to vector<16xi32>
    %and3A_108 = arith.andi %get3A_98, %and3A_107 : vector<16xi32>
    %swap3A_109 = arith.constant 80 : index
    %swap3A_110 = tpu.vector_load %arg12[%swap3A_109] {strides = array<i32>} : memref<128xi32, #tpu.memory_space<vmem>>, vector<16xi32>,
    %swap3A_111 = vector.shape_cast %swap3A_110 : vector<16xi32> to vector<16xi32>
    %swap3A_112 = vector.shape_cast %and3A_108 : vector<16xi32> to vector<16xi32>
    tpu.vector_store %arg12[%swap3A_109], %swap3A_112 {strides = array<i32>} : memref<128xi32, #tpu.memory_space<vmem>>, vector<16xi32>,
    %get3A_113 = arith.index_cast %rem3A_8 : i32 to index
    %get3A_114 = arith.constant 96 : index
    %get3A_115 = tpu.vector_load %arg9[%get3A_113, %get3A_114] {strides = array<i32>} : memref<8x128xi32, #tpu.memory_space<vmem>>, vector<1x16xi32>,
    %get3A_116 = vector.shape_cast %get3A_115 : vector<1x16xi32> to vector<16xi32>
    %shift_right_logical3A_117 = arith.constant 14 : i32
    %shift_right_logical3A_118 = vector.broadcast %shift_right_logical3A_117 : i32 to vector<16xi32>
    %shift_right_logical3A_119 = arith.shrui %get3A_116, %shift_right_logical3A_118 : vector<16xi32>
    %swap3A_120 = arith.constant 96 : index
    %swap3A_121 = tpu.vector_load %arg10[%swap3A_120] {strides = array<i32>} : memref<128xi32, #tpu.memory_space<vmem>>, vector<16xi32>,
    %swap3A_122 = vector.shape_cast %swap3A_121 : vector<16xi32> to vector<16xi32>
    %swap3A_123 = vector.shape_cast %shift_right_logical3A_119 : vector<16xi32> to vector<16xi32>
    tpu.vector_store %arg10[%swap3A_120], %swap3A_123 {strides = array<i32>} : memref<128xi32, #tpu.memory_space<vmem>>, vector<16xi32>,
    %and3A_124 = arith.constant 16383 : i32
    %and3A_125 = vector.broadcast %and3A_124 : i32 to vector<16xi32>
    %and3A_126 = arith.andi %get3A_116, %and3A_125 : vector<16xi32>
    %swap3A_127 = arith.constant 96 : index
    %swap3A_128 = tpu.vector_load %arg12[%swap3A_127] {strides = array<i32>} : memref<128xi32, #tpu.memory_space<vmem>>, vector<16xi32>,
    %swap3A_129 = vector.shape_cast %swap3A_128 : vector<16xi32> to vector<16xi32>
    %swap3A_130 = vector.shape_cast %and3A_126 : vector<16xi32> to vector<16xi32>
    tpu.vector_store %arg12[%swap3A_127], %swap3A_130 {strides = array<i32>} : memref<128xi32, #tpu.memory_space<vmem>>, vector<16xi32>,
    %get3A_131 = arith.index_cast %rem3A_8 : i32 to index
    %get3A_132 = arith.constant 112 : index
    %get3A_133 = tpu.vector_load %arg9[%get3A_131, %get3A_132] {strides = array<i32>} : memref<8x128xi32, #tpu.memory_space<vmem>>, vector<1x16xi32>,
    %get3A_134 = vector.shape_cast %get3A_133 : vector<1x16xi32> to vector<16xi32>
    %shift_right_logical3A_135 = arith.constant 14 : i32
    %shift_right_logical3A_136 = vector.broadcast %shift_right_logical3A_135 : i32 to vector<16xi32>
    %shift_right_logical3A_137 = arith.shrui %get3A_134, %shift_right_logical3A_136 : vector<16xi32>
    %swap3A_138 = arith.constant 112 : index
    %swap3A_139 = tpu.vector_load %arg10[%swap3A_138] {strides = array<i32>} : memref<128xi32, #tpu.memory_space<vmem>>, vector<16xi32>,
    %swap3A_140 = vector.shape_cast %swap3A_139 : vector<16xi32> to vector<16xi32>
    %swap3A_141 = vector.shape_cast %shift_right_logical3A_137 : vector<16xi32> to vector<16xi32>
    tpu.vector_store %arg10[%swap3A_138], %swap3A_141 {strides = array<i32>} : memref<128xi32, #tpu.memory_space<vmem>>, vector<16xi32>,
    %and3A_142 = arith.constant 16383 : i32
    %and3A_143 = vector.broadcast %and3A_142 : i32 to vector<16xi32>
    %and3A_144 = arith.andi %get3A_134, %and3A_143 : vector<16xi32>
    %swap3A_145 = arith.constant 112 : index
    %swap3A_146 = tpu.vector_load %arg12[%swap3A_145] {strides = array<i32>} : memref<128xi32, #tpu.memory_space<vmem>>, vector<16xi32>,
    %swap3A_147 = vector.shape_cast %swap3A_146 : vector<16xi32> to vector<16xi32>
    %swap3A_148 = vector.shape_cast %and3A_144 : vector<16xi32> to vector<16xi32>
    tpu.vector_store %arg12[%swap3A_145], %swap3A_148 {strides = array<i32>} : memref<128xi32, #tpu.memory_space<vmem>>, vector<16xi32>,
    %dma_start3A = arith.constant 0 : i32
    %dma_start3A_149 = arith.constant 0 : i32
    %dma_start3A_150 = tpu.memref_slice %arg5[%dma_start3A, %dma_start3A_149] : memref<10112x128xf32, #tpu.memory_space<hbm>> -> memref<10112x128xf32, #tpu.memory_space<hbm>>
    tpu.enqueue_indirect_dma source(%dma_start3A_150 : memref<10112x128xf32, #tpu.memory_space<hbm>>) target(%arg16 : memref<128x128xf32, #tpu.memory_space<vmem>>) offsets(%arg12 : memref<128xi32, #tpu.memory_space<vmem>>) semaphore(%arg18 : memref<!tpu.dma_semaphore, #tpu.memory_space<semaphore_mem>>)
    %scan3A = arith.constant 0 : i32
    %scan3A_151 = arith.constant 0 : i32
    %scan3A_152 = arith.constant 80 : i32
    %scan3A_153 = arith.addi %scan3A_151, %scan3A_152 : i32
    %scan3A_154 = arith.constant 1 : i32
    scf.for %scan3A_162 = %scan3A_151 to %scan3A_153 step %scan3A_154  : i32 {
      %mul3A_163 = arith.constant 2 : i32
      %mul3A_164 = arith.muli %mul3A_163, %scan3A_162 : i32
      %add3A_165 = arith.constant 1 : i32
      %add3A_166 = arith.addi %mul3A_164, %add3A_165 : i32
      %rem3A_167 = arith.constant 160 : i32
      %rem3A_168 = arith.remsi %add3A_166, %rem3A_167 : i32
      %rem3A_169 = arith.constant 8 : i32
      %rem3A_170 = arith.remsi %rem3A_168, %rem3A_169 : i32
      %eq3A = arith.constant 0 : i32
      %eq3A_171 = arith.cmpi eq, %rem3A_170, %eq3A : i32
      %convert_element_type3A = arith.extui %eq3A_171 : i1 to i32
      %cond3A = arith.constant 0 : i32
      %cond3A_172 = arith.cmpi ne, %convert_element_type3A, %cond3A : i32
      scf.if %cond3A_172 {
        %add3A_524 = arith.addi %mul3A_6, %rem3A_168 : i32
        %multiple_of3A = tpu.assume_multiple %add3A_524, 8 : i32
        "tpu.region"() ({
          %run_scoped3A = tpu.sem_alloc : memref<!tpu.dma_semaphore, #tpu.memory_space<semaphore_mem>>
          %dma_start3A_525 = arith.constant 0 : i32
          %dma_start3A_526 = tpu.memref_slice %arg2[%multiple_of3A, %dma_start3A_525] : memref<5120x128xi32, #tpu.memory_space<hbm>> -> memref<8x128xi32, #tpu.memory_space<hbm>>
          %dma_start3A_527 = arith.constant 0 : i32
          %dma_start3A_528 = tpu.memref_slice %arg2[%multiple_of3A, %dma_start3A_527] : memref<5120x128xi32, #tpu.memory_space<hbm>> -> memref<8x128xi32, #tpu.memory_space<hbm>>
          tpu.enqueue_dma source(%dma_start3A_528 : memref<8x128xi32, #tpu.memory_space<hbm>>) target(%arg9 : memref<8x128xi32, #tpu.memory_space<vmem>>) target_semaphore(%run_scoped3A : memref<!tpu.dma_semaphore, #tpu.memory_space<semaphore_mem>>)
          %dma_wait3A_529 = arith.constant 0 : i32
          %dma_wait3A_530 = tpu.memref_slice %arg2[%multiple_of3A, %dma_wait3A_529] : memref<5120x128xi32, #tpu.memory_space<hbm>> -> memref<8x128xi32, #tpu.memory_space<hbm>>
          %dma_wait3A_531 = arith.constant 0 : i32
          %dma_wait3A_532 = tpu.memref_slice %arg2[%multiple_of3A, %dma_wait3A_531] : memref<5120x128xi32, #tpu.memory_space<hbm>> -> memref<8x128xi32, #tpu.memory_space<hbm>>
          tpu.wait_dma2 semaphore(%run_scoped3A : memref<!tpu.dma_semaphore, #tpu.memory_space<semaphore_mem>>) src(%dma_wait3A_532 : memref<8x128xi32, #tpu.memory_space<hbm>>) dst(%arg9 : memref<8x128xi32, #tpu.memory_space<vmem>>)
          tpu.yield
        }) : () -> ()
      } else {
      }
      %ge3A = arith.constant 1 : i32
      %ge3A_173 = arith.cmpi sge, %mul3A_164, %ge3A : i32
      %convert_element_type3A_174 = arith.extui %ge3A_173 : i1 to i32
      %cond3A_175 = arith.constant 0 : i32
      %cond3A_176 = arith.cmpi ne, %convert_element_type3A_174, %cond3A_175 : i32
      scf.if %cond3A_176 {
        %dma_wait3A_524 = arith.constant 0 : i32
        %dma_wait3A_525 = arith.constant 0 : i32
        %dma_wait3A_526 = tpu.memref_slice %arg8[%dma_wait3A_524, %dma_wait3A_525] : memref<10112x128xf32, #tpu.memory_space<vmem_shared>> -> memref<10112x128xf32, #tpu.memory_space<vmem_shared>>
        tpu.wait_indirect_dma semaphore(%arg21 : memref<!tpu.dma_semaphore, #tpu.memory_space<semaphore_mem>>) src(%arg17 : memref<128x128xf32, #tpu.memory_space<vmem>>) dst(%dma_wait3A_526 : memref<10112x128xf32, #tpu.memory_space<vmem_shared>>)
      } else {
      }
      %rem3A_177 = arith.constant 8 : i32
      %rem3A_178 = arith.remsi %rem3A_168, %rem3A_177 : i32
      %get3A_179 = arith.index_cast %rem3A_178 : i32 to index
      %get3A_180 = arith.constant 0 : index
      %get3A_181 = tpu.vector_load %arg9[%get3A_179, %get3A_180] {strides = array<i32>} : memref<8x128xi32, #tpu.memory_space<vmem>>, vector<1x16xi32>,
      %get3A_182 = vector.shape_cast %get3A_181 : vector<1x16xi32> to vector<16xi32>
      %shift_right_logical3A_183 = arith.constant 14 : i32
      %shift_right_logical3A_184 = vector.broadcast %shift_right_logical3A_183 : i32 to vector<16xi32>
      %shift_right_logical3A_185 = arith.shrui %get3A_182, %shift_right_logical3A_184 : vector<16xi32>
      %swap3A_186 = arith.constant 0 : index
      %swap3A_187 = tpu.vector_load %arg11[%swap3A_186] {strides = array<i32>} : memref<128xi32, #tpu.memory_space<vmem>>, vector<16xi32>,
      %swap3A_188 = vector.shape_cast %swap3A_187 : vector<16xi32> to vector<16xi32>
      %swap3A_189 = vector.shape_cast %shift_right_logical3A_185 : vector<16xi32> to vector<16xi32>
      tpu.vector_store %arg11[%swap3A_186], %swap3A_189 {strides = array<i32>} : memref<128xi32, #tpu.memory_space<vmem>>, vector<16xi32>,
      %and3A_190 = arith.constant 16383 : i32
      %and3A_191 = vector.broadcast %and3A_190 : i32 to vector<16xi32>
      %and3A_192 = arith.andi %get3A_182, %and3A_191 : vector<16xi32>
      %swap3A_193 = arith.constant 0 : index
      %swap3A_194 = tpu.vector_load %arg13[%swap3A_193] {strides = array<i32>} : memref<128xi32, #tpu.memory_space<vmem>>, vector<16xi32>,
      %swap3A_195 = vector.shape_cast %swap3A_194 : vector<16xi32> to vector<16xi32>
      %swap3A_196 = vector.shape_cast %and3A_192 : vector<16xi32> to vector<16xi32>
      tpu.vector_store %arg13[%swap3A_193], %swap3A_196 {strides = array<i32>} : memref<128xi32, #tpu.memory_space<vmem>>, vector<16xi32>,
      %get3A_197 = arith.index_cast %rem3A_178 : i32 to index
      %get3A_198 = arith.constant 16 : index
      %get3A_199 = tpu.vector_load %arg9[%get3A_197, %get3A_198] {strides = array<i32>} : memref<8x128xi32, #tpu.memory_space<vmem>>, vector<1x16xi32>,
      %get3A_200 = vector.shape_cast %get3A_199 : vector<1x16xi32> to vector<16xi32>
      %shift_right_logical3A_201 = arith.constant 14 : i32
      %shift_right_logical3A_202 = vector.broadcast %shift_right_logical3A_201 : i32 to vector<16xi32>
      %shift_right_logical3A_203 = arith.shrui %get3A_200, %shift_right_logical3A_202 : vector<16xi32>
      %swap3A_204 = arith.constant 16 : index
      %swap3A_205 = tpu.vector_load %arg11[%swap3A_204] {strides = array<i32>} : memref<128xi32, #tpu.memory_space<vmem>>, vector<16xi32>,
      %swap3A_206 = vector.shape_cast %swap3A_205 : vector<16xi32> to vector<16xi32>
      %swap3A_207 = vector.shape_cast %shift_right_logical3A_203 : vector<16xi32> to vector<16xi32>
      tpu.vector_store %arg11[%swap3A_204], %swap3A_207 {strides = array<i32>} : memref<128xi32, #tpu.memory_space<vmem>>, vector<16xi32>,
      %and3A_208 = arith.constant 16383 : i32
      %and3A_209 = vector.broadcast %and3A_208 : i32 to vector<16xi32>
      %and3A_210 = arith.andi %get3A_200, %and3A_209 : vector<16xi32>
      %swap3A_211 = arith.constant 16 : index
      %swap3A_212 = tpu.vector_load %arg13[%swap3A_211] {strides = array<i32>} : memref<128xi32, #tpu.memory_space<vmem>>, vector<16xi32>,
      %swap3A_213 = vector.shape_cast %swap3A_212 : vector<16xi32> to vector<16xi32>
      %swap3A_214 = vector.shape_cast %and3A_210 : vector<16xi32> to vector<16xi32>
      tpu.vector_store %arg13[%swap3A_211], %swap3A_214 {strides = array<i32>} : memref<128xi32, #tpu.memory_space<vmem>>, vector<16xi32>,
      %get3A_215 = arith.index_cast %rem3A_178 : i32 to index
      %get3A_216 = arith.constant 32 : index
      %get3A_217 = tpu.vector_load %arg9[%get3A_215, %get3A_216] {strides = array<i32>} : memref<8x128xi32, #tpu.memory_space<vmem>>, vector<1x16xi32>,
      %get3A_218 = vector.shape_cast %get3A_217 : vector<1x16xi32> to vector<16xi32>
      %shift_right_logical3A_219 = arith.constant 14 : i32
      %shift_right_logical3A_220 = vector.broadcast %shift_right_logical3A_219 : i32 to vector<16xi32>
      %shift_right_logical3A_221 = arith.shrui %get3A_218, %shift_right_logical3A_220 : vector<16xi32>
      %swap3A_222 = arith.constant 32 : index
      %swap3A_223 = tpu.vector_load %arg11[%swap3A_222] {strides = array<i32>} : memref<128xi32, #tpu.memory_space<vmem>>, vector<16xi32>,
      %swap3A_224 = vector.shape_cast %swap3A_223 : vector<16xi32> to vector<16xi32>
      %swap3A_225 = vector.shape_cast %shift_right_logical3A_221 : vector<16xi32> to vector<16xi32>
      tpu.vector_store %arg11[%swap3A_222], %swap3A_225 {strides = array<i32>} : memref<128xi32, #tpu.memory_space<vmem>>, vector<16xi32>,
      %and3A_226 = arith.constant 16383 : i32
      %and3A_227 = vector.broadcast %and3A_226 : i32 to vector<16xi32>
      %and3A_228 = arith.andi %get3A_218, %and3A_227 : vector<16xi32>
      %swap3A_229 = arith.constant 32 : index
      %swap3A_230 = tpu.vector_load %arg13[%swap3A_229] {strides = array<i32>} : memref<128xi32, #tpu.memory_space<vmem>>, vector<16xi32>,
      %swap3A_231 = vector.shape_cast %swap3A_230 : vector<16xi32> to vector<16xi32>
      %swap3A_232 = vector.shape_cast %and3A_228 : vector<16xi32> to vector<16xi32>
      tpu.vector_store %arg13[%swap3A_229], %swap3A_232 {strides = array<i32>} : memref<128xi32, #tpu.memory_space<vmem>>, vector<16xi32>,
      %get3A_233 = arith.index_cast %rem3A_178 : i32 to index
      %get3A_234 = arith.constant 48 : index
      %get3A_235 = tpu.vector_load %arg9[%get3A_233, %get3A_234] {strides = array<i32>} : memref<8x128xi32, #tpu.memory_space<vmem>>, vector<1x16xi32>,
      %get3A_236 = vector.shape_cast %get3A_235 : vector<1x16xi32> to vector<16xi32>
      %shift_right_logical3A_237 = arith.constant 14 : i32
      %shift_right_logical3A_238 = vector.broadcast %shift_right_logical3A_237 : i32 to vector<16xi32>
      %shift_right_logical3A_239 = arith.shrui %get3A_236, %shift_right_logical3A_238 : vector<16xi32>
      %swap3A_240 = arith.constant 48 : index
      %swap3A_241 = tpu.vector_load %arg11[%swap3A_240] {strides = array<i32>} : memref<128xi32, #tpu.memory_space<vmem>>, vector<16xi32>,
      %swap3A_242 = vector.shape_cast %swap3A_241 : vector<16xi32> to vector<16xi32>
      %swap3A_243 = vector.shape_cast %shift_right_logical3A_239 : vector<16xi32> to vector<16xi32>
      tpu.vector_store %arg11[%swap3A_240], %swap3A_243 {strides = array<i32>} : memref<128xi32, #tpu.memory_space<vmem>>, vector<16xi32>,
      %and3A_244 = arith.constant 16383 : i32
      %and3A_245 = vector.broadcast %and3A_244 : i32 to vector<16xi32>
      %and3A_246 = arith.andi %get3A_236, %and3A_245 : vector<16xi32>
      %swap3A_247 = arith.constant 48 : index
      %swap3A_248 = tpu.vector_load %arg13[%swap3A_247] {strides = array<i32>} : memref<128xi32, #tpu.memory_space<vmem>>, vector<16xi32>,
      %swap3A_249 = vector.shape_cast %swap3A_248 : vector<16xi32> to vector<16xi32>
      %swap3A_250 = vector.shape_cast %and3A_246 : vector<16xi32> to vector<16xi32>
      tpu.vector_store %arg13[%swap3A_247], %swap3A_250 {strides = array<i32>} : memref<128xi32, #tpu.memory_space<vmem>>, vector<16xi32>,
      %get3A_251 = arith.index_cast %rem3A_178 : i32 to index
      %get3A_252 = arith.constant 64 : index
      %get3A_253 = tpu.vector_load %arg9[%get3A_251, %get3A_252] {strides = array<i32>} : memref<8x128xi32, #tpu.memory_space<vmem>>, vector<1x16xi32>,
      %get3A_254 = vector.shape_cast %get3A_253 : vector<1x16xi32> to vector<16xi32>
      %shift_right_logical3A_255 = arith.constant 14 : i32
      %shift_right_logical3A_256 = vector.broadcast %shift_right_logical3A_255 : i32 to vector<16xi32>
      %shift_right_logical3A_257 = arith.shrui %get3A_254, %shift_right_logical3A_256 : vector<16xi32>
      %swap3A_258 = arith.constant 64 : index
      %swap3A_259 = tpu.vector_load %arg11[%swap3A_258] {strides = array<i32>} : memref<128xi32, #tpu.memory_space<vmem>>, vector<16xi32>,
      %swap3A_260 = vector.shape_cast %swap3A_259 : vector<16xi32> to vector<16xi32>
      %swap3A_261 = vector.shape_cast %shift_right_logical3A_257 : vector<16xi32> to vector<16xi32>
      tpu.vector_store %arg11[%swap3A_258], %swap3A_261 {strides = array<i32>} : memref<128xi32, #tpu.memory_space<vmem>>, vector<16xi32>,
      %and3A_262 = arith.constant 16383 : i32
      %and3A_263 = vector.broadcast %and3A_262 : i32 to vector<16xi32>
      %and3A_264 = arith.andi %get3A_254, %and3A_263 : vector<16xi32>
      %swap3A_265 = arith.constant 64 : index
      %swap3A_266 = tpu.vector_load %arg13[%swap3A_265] {strides = array<i32>} : memref<128xi32, #tpu.memory_space<vmem>>, vector<16xi32>,
      %swap3A_267 = vector.shape_cast %swap3A_266 : vector<16xi32> to vector<16xi32>
      %swap3A_268 = vector.shape_cast %and3A_264 : vector<16xi32> to vector<16xi32>
      tpu.vector_store %arg13[%swap3A_265], %swap3A_268 {strides = array<i32>} : memref<128xi32, #tpu.memory_space<vmem>>, vector<16xi32>,
      %get3A_269 = arith.index_cast %rem3A_178 : i32 to index
      %get3A_270 = arith.constant 80 : index
      %get3A_271 = tpu.vector_load %arg9[%get3A_269, %get3A_270] {strides = array<i32>} : memref<8x128xi32, #tpu.memory_space<vmem>>, vector<1x16xi32>,
      %get3A_272 = vector.shape_cast %get3A_271 : vector<1x16xi32> to vector<16xi32>
      %shift_right_logical3A_273 = arith.constant 14 : i32
      %shift_right_logical3A_274 = vector.broadcast %shift_right_logical3A_273 : i32 to vector<16xi32>
      %shift_right_logical3A_275 = arith.shrui %get3A_272, %shift_right_logical3A_274 : vector<16xi32>
      %swap3A_276 = arith.constant 80 : index
      %swap3A_277 = tpu.vector_load %arg11[%swap3A_276] {strides = array<i32>} : memref<128xi32, #tpu.memory_space<vmem>>, vector<16xi32>,
      %swap3A_278 = vector.shape_cast %swap3A_277 : vector<16xi32> to vector<16xi32>
      %swap3A_279 = vector.shape_cast %shift_right_logical3A_275 : vector<16xi32> to vector<16xi32>
      tpu.vector_store %arg11[%swap3A_276], %swap3A_279 {strides = array<i32>} : memref<128xi32, #tpu.memory_space<vmem>>, vector<16xi32>,
      %and3A_280 = arith.constant 16383 : i32
      %and3A_281 = vector.broadcast %and3A_280 : i32 to vector<16xi32>
      %and3A_282 = arith.andi %get3A_272, %and3A_281 : vector<16xi32>
      %swap3A_283 = arith.constant 80 : index
      %swap3A_284 = tpu.vector_load %arg13[%swap3A_283] {strides = array<i32>} : memref<128xi32, #tpu.memory_space<vmem>>, vector<16xi32>,
      %swap3A_285 = vector.shape_cast %swap3A_284 : vector<16xi32> to vector<16xi32>
      %swap3A_286 = vector.shape_cast %and3A_282 : vector<16xi32> to vector<16xi32>
      tpu.vector_store %arg13[%swap3A_283], %swap3A_286 {strides = array<i32>} : memref<128xi32, #tpu.memory_space<vmem>>, vector<16xi32>,
      %get3A_287 = arith.index_cast %rem3A_178 : i32 to index
      %get3A_288 = arith.constant 96 : index
      %get3A_289 = tpu.vector_load %arg9[%get3A_287, %get3A_288] {strides = array<i32>} : memref<8x128xi32, #tpu.memory_space<vmem>>, vector<1x16xi32>,
      %get3A_290 = vector.shape_cast %get3A_289 : vector<1x16xi32> to vector<16xi32>
      %shift_right_logical3A_291 = arith.constant 14 : i32
      %shift_right_logical3A_292 = vector.broadcast %shift_right_logical3A_291 : i32 to vector<16xi32>
      %shift_right_logical3A_293 = arith.shrui %get3A_290, %shift_right_logical3A_292 : vector<16xi32>
      %swap3A_294 = arith.constant 96 : index
      %swap3A_295 = tpu.vector_load %arg11[%swap3A_294] {strides = array<i32>} : memref<128xi32, #tpu.memory_space<vmem>>, vector<16xi32>,
      %swap3A_296 = vector.shape_cast %swap3A_295 : vector<16xi32> to vector<16xi32>
      %swap3A_297 = vector.shape_cast %shift_right_logical3A_293 : vector<16xi32> to vector<16xi32>
      tpu.vector_store %arg11[%swap3A_294], %swap3A_297 {strides = array<i32>} : memref<128xi32, #tpu.memory_space<vmem>>, vector<16xi32>,
      %and3A_298 = arith.constant 16383 : i32
      %and3A_299 = vector.broadcast %and3A_298 : i32 to vector<16xi32>
      %and3A_300 = arith.andi %get3A_290, %and3A_299 : vector<16xi32>
      %swap3A_301 = arith.constant 96 : index
      %swap3A_302 = tpu.vector_load %arg13[%swap3A_301] {strides = array<i32>} : memref<128xi32, #tpu.memory_space<vmem>>, vector<16xi32>,
      %swap3A_303 = vector.shape_cast %swap3A_302 : vector<16xi32> to vector<16xi32>
      %swap3A_304 = vector.shape_cast %and3A_300 : vector<16xi32> to vector<16xi32>
      tpu.vector_store %arg13[%swap3A_301], %swap3A_304 {strides = array<i32>} : memref<128xi32, #tpu.memory_space<vmem>>, vector<16xi32>,
      %get3A_305 = arith.index_cast %rem3A_178 : i32 to index
      %get3A_306 = arith.constant 112 : index
      %get3A_307 = tpu.vector_load %arg9[%get3A_305, %get3A_306] {strides = array<i32>} : memref<8x128xi32, #tpu.memory_space<vmem>>, vector<1x16xi32>,
      %get3A_308 = vector.shape_cast %get3A_307 : vector<1x16xi32> to vector<16xi32>
      %shift_right_logical3A_309 = arith.constant 14 : i32
      %shift_right_logical3A_310 = vector.broadcast %shift_right_logical3A_309 : i32 to vector<16xi32>
      %shift_right_logical3A_311 = arith.shrui %get3A_308, %shift_right_logical3A_310 : vector<16xi32>
      %swap3A_312 = arith.constant 112 : index
      %swap3A_313 = tpu.vector_load %arg11[%swap3A_312] {strides = array<i32>} : memref<128xi32, #tpu.memory_space<vmem>>, vector<16xi32>,
      %swap3A_314 = vector.shape_cast %swap3A_313 : vector<16xi32> to vector<16xi32>
      %swap3A_315 = vector.shape_cast %shift_right_logical3A_311 : vector<16xi32> to vector<16xi32>
      tpu.vector_store %arg11[%swap3A_312], %swap3A_315 {strides = array<i32>} : memref<128xi32, #tpu.memory_space<vmem>>, vector<16xi32>,
      %and3A_316 = arith.constant 16383 : i32
      %and3A_317 = vector.broadcast %and3A_316 : i32 to vector<16xi32>
      %and3A_318 = arith.andi %get3A_308, %and3A_317 : vector<16xi32>
      %swap3A_319 = arith.constant 112 : index
      %swap3A_320 = tpu.vector_load %arg13[%swap3A_319] {strides = array<i32>} : memref<128xi32, #tpu.memory_space<vmem>>, vector<16xi32>,
      %swap3A_321 = vector.shape_cast %swap3A_320 : vector<16xi32> to vector<16xi32>
      %swap3A_322 = vector.shape_cast %and3A_318 : vector<16xi32> to vector<16xi32>
      tpu.vector_store %arg13[%swap3A_319], %swap3A_322 {strides = array<i32>} : memref<128xi32, #tpu.memory_space<vmem>>, vector<16xi32>,
      %dma_start3A_323 = arith.constant 0 : i32
      %dma_start3A_324 = arith.constant 0 : i32
      %dma_start3A_325 = tpu.memref_slice %arg5[%dma_start3A_323, %dma_start3A_324] : memref<10112x128xf32, #tpu.memory_space<hbm>> -> memref<10112x128xf32, #tpu.memory_space<hbm>>
      tpu.enqueue_indirect_dma source(%dma_start3A_325 : memref<10112x128xf32, #tpu.memory_space<hbm>>) target(%arg17 : memref<128x128xf32, #tpu.memory_space<vmem>>) offsets(%arg13 : memref<128xi32, #tpu.memory_space<vmem>>) semaphore(%arg19 : memref<!tpu.dma_semaphore, #tpu.memory_space<semaphore_mem>>)
      %dma_wait3A_326 = arith.constant 0 : i32
      %dma_wait3A_327 = arith.constant 0 : i32
      %dma_wait3A_328 = tpu.memref_slice %arg5[%dma_wait3A_326, %dma_wait3A_327] : memref<10112x128xf32, #tpu.memory_space<hbm>> -> memref<10112x128xf32, #tpu.memory_space<hbm>>
      tpu.wait_indirect_dma semaphore(%arg18 : memref<!tpu.dma_semaphore, #tpu.memory_space<semaphore_mem>>) src(%dma_wait3A_328 : memref<10112x128xf32, #tpu.memory_space<hbm>>) dst(%arg16 : memref<128x128xf32, #tpu.memory_space<vmem>>)
      %get3A_329 = arith.index_cast %mul3A_164 : i32 to index
      %get3A_330 = tpu.vector_load %arg15[%get3A_329] {strides = array<i32>} : memref<176xi32, #tpu.memory_space<vmem>>, vector<16xi32>,
      %get3A_331 = vector.shape_cast %get3A_330 : vector<16xi32> to vector<16xi32>
      %slice3A = vector.extract_strided_slice %get3A_331 {offsets = [0], sizes = [1], strides = [1]} : vector<16xi32> to vector<1xi32>
      %squeeze3A = vector.extract %slice3A[0] : i32 from vector<1xi32>
      %ne3A = arith.constant 0 : i32
      %ne3A_332 = arith.cmpi ne, %squeeze3A, %ne3A : i32
      %convert_element_type3A_333 = arith.extui %ne3A_332 : i1 to i32
      %cond3A_334 = arith.constant 0 : i32
      %cond3A_335 = arith.cmpi ne, %convert_element_type3A_333, %cond3A_334 : i32
      scf.if %cond3A_335 {
        %add3A_524 = arith.addi %mul3A_6, %mul3A_164 : i32
        %mul3A_525 = arith.constant 128 : i32
        %mul3A_526 = arith.muli %add3A_524, %mul3A_525 : i32
        "tpu.region"() ({
          %run_scoped3A = tpu.sem_alloc : memref<!tpu.dma_semaphore, #tpu.memory_space<semaphore_mem>>
          %dma_start3A_533 = arith.constant 0 : i32
          %dma_start3A_534 = tpu.memref_slice %arg14[%dma_start3A_533] : memref<144xf32, #tpu.memory_space<vmem>> -> memref<128xf32, #tpu.memory_space<vmem>>
          %dma_start3A_535 = tpu.memref_slice %arg3[%mul3A_526] : memref<655360xf32, #tpu.memory_space<hbm>> -> memref<128xf32, #tpu.memory_space<hbm>>
          %dma_start3A_536 = arith.constant 0 : i32
          %dma_start3A_537 = tpu.memref_slice %arg14[%dma_start3A_536] : memref<144xf32, #tpu.memory_space<vmem>> -> memref<128xf32, #tpu.memory_space<vmem>>
          %dma_start3A_538 = tpu.memref_slice %arg3[%mul3A_526] : memref<655360xf32, #tpu.memory_space<hbm>> -> memref<128xf32, #tpu.memory_space<hbm>>
          tpu.enqueue_dma source(%dma_start3A_538 : memref<128xf32, #tpu.memory_space<hbm>>) target(%dma_start3A_537 : memref<128xf32, #tpu.memory_space<vmem>>) target_semaphore(%run_scoped3A : memref<!tpu.dma_semaphore, #tpu.memory_space<semaphore_mem>>)
          %dma_wait3A_539 = arith.constant 0 : i32
          %dma_wait3A_540 = tpu.memref_slice %arg14[%dma_wait3A_539] : memref<144xf32, #tpu.memory_space<vmem>> -> memref<128xf32, #tpu.memory_space<vmem>>
          %dma_wait3A_541 = tpu.memref_slice %arg3[%mul3A_526] : memref<655360xf32, #tpu.memory_space<hbm>> -> memref<128xf32, #tpu.memory_space<hbm>>
          %dma_wait3A_542 = arith.constant 0 : i32
          %dma_wait3A_543 = tpu.memref_slice %arg14[%dma_wait3A_542] : memref<144xf32, #tpu.memory_space<vmem>> -> memref<128xf32, #tpu.memory_space<vmem>>
          %dma_wait3A_544 = tpu.memref_slice %arg3[%mul3A_526] : memref<655360xf32, #tpu.memory_space<hbm>> -> memref<128xf32, #tpu.memory_space<hbm>>
          tpu.wait_dma2 semaphore(%run_scoped3A : memref<!tpu.dma_semaphore, #tpu.memory_space<semaphore_mem>>) src(%dma_wait3A_544 : memref<128xf32, #tpu.memory_space<hbm>>) dst(%dma_wait3A_543 : memref<128xf32, #tpu.memory_space<vmem>>)
          tpu.yield
        }) : () -> ()
        %scan3A_527 = arith.constant 0 : i32
        %scan3A_528 = arith.constant 0 : i32
        %scan3A_529 = arith.constant 128 : i32
        %scan3A_530 = arith.addi %scan3A_528, %scan3A_529 : i32
        %scan3A_531 = arith.constant 1 : i32
        scf.for %scan3A_533 = %scan3A_528 to %scan3A_530 step %scan3A_531  : i32 {
          %get3A_534 = arith.index_cast %scan3A_533 : i32 to index
          %get3A_535 = tpu.vector_load %arg14[%get3A_534] {strides = array<i32>} : memref<144xf32, #tpu.memory_space<vmem>>, vector<16xf32>,
          %get3A_536 = vector.shape_cast %get3A_535 : vector<16xf32> to vector<16xf32>
          %slice3A_537 = vector.extract_strided_slice %get3A_536 {offsets = [0], sizes = [1], strides = [1]} : vector<16xf32> to vector<1xf32>
          %squeeze3A_538 = vector.extract %slice3A_537[0] : f32 from vector<1xf32>
          %get3A_539 = arith.index_cast %scan3A_533 : i32 to index
          %get3A_540 = arith.constant 0 : index
          %get3A_541 = tpu.vector_load %arg16[%get3A_539, %get3A_540] {strides = array<i32>} : memref<128x128xf32, #tpu.memory_space<vmem>>, vector<1x16xf32>,
          %get3A_542 = vector.shape_cast %get3A_541 : vector<1x16xf32> to vector<16xf32>
          %mul3A_543 = vector.broadcast %squeeze3A_538 : f32 to vector<16xf32>
          %mul3A_544 = arith.mulf %get3A_542, %mul3A_543 : vector<16xf32>
          %swap3A_545 = arith.index_cast %scan3A_533 : i32 to index
          %swap3A_546 = arith.constant 0 : index
          %swap3A_547 = tpu.vector_load %arg16[%swap3A_545, %swap3A_546] {strides = array<i32>} : memref<128x128xf32, #tpu.memory_space<vmem>>, vector<1x16xf32>,
          %swap3A_548 = vector.shape_cast %swap3A_547 : vector<1x16xf32> to vector<16xf32>
          %swap3A_549 = vector.shape_cast %mul3A_544 : vector<16xf32> to vector<1x16xf32>
          tpu.vector_store %arg16[%swap3A_545, %swap3A_546], %swap3A_549 {strides = array<i32>} : memref<128x128xf32, #tpu.memory_space<vmem>>, vector<1x16xf32>,
          %get3A_550 = arith.index_cast %scan3A_533 : i32 to index
          %get3A_551 = arith.constant 16 : index
          %get3A_552 = tpu.vector_load %arg16[%get3A_550, %get3A_551] {strides = array<i32>} : memref<128x128xf32, #tpu.memory_space<vmem>>, vector<1x16xf32>,
          %get3A_553 = vector.shape_cast %get3A_552 : vector<1x16xf32> to vector<16xf32>
          %mul3A_554 = vector.broadcast %squeeze3A_538 : f32 to vector<16xf32>
          %mul3A_555 = arith.mulf %get3A_553, %mul3A_554 : vector<16xf32>
          %swap3A_556 = arith.index_cast %scan3A_533 : i32 to index
          %swap3A_557 = arith.constant 16 : index
          %swap3A_558 = tpu.vector_load %arg16[%swap3A_556, %swap3A_557] {strides = array<i32>} : memref<128x128xf32, #tpu.memory_space<vmem>>, vector<1x16xf32>,
          %swap3A_559 = vector.shape_cast %swap3A_558 : vector<1x16xf32> to vector<16xf32>
          %swap3A_560 = vector.shape_cast %mul3A_555 : vector<16xf32> to vector<1x16xf32>
          tpu.vector_store %arg16[%swap3A_556, %swap3A_557], %swap3A_560 {strides = array<i32>} : memref<128x128xf32, #tpu.memory_space<vmem>>, vector<1x16xf32>,
          %get3A_561 = arith.index_cast %scan3A_533 : i32 to index
          %get3A_562 = arith.constant 32 : index
          %get3A_563 = tpu.vector_load %arg16[%get3A_561, %get3A_562] {strides = array<i32>} : memref<128x128xf32, #tpu.memory_space<vmem>>, vector<1x16xf32>,
          %get3A_564 = vector.shape_cast %get3A_563 : vector<1x16xf32> to vector<16xf32>
          %mul3A_565 = vector.broadcast %squeeze3A_538 : f32 to vector<16xf32>
          %mul3A_566 = arith.mulf %get3A_564, %mul3A_565 : vector<16xf32>
          %swap3A_567 = arith.index_cast %scan3A_533 : i32 to index
          %swap3A_568 = arith.constant 32 : index
          %swap3A_569 = tpu.vector_load %arg16[%swap3A_567, %swap3A_568] {strides = array<i32>} : memref<128x128xf32, #tpu.memory_space<vmem>>, vector<1x16xf32>,
          %swap3A_570 = vector.shape_cast %swap3A_569 : vector<1x16xf32> to vector<16xf32>
          %swap3A_571 = vector.shape_cast %mul3A_566 : vector<16xf32> to vector<1x16xf32>
          tpu.vector_store %arg16[%swap3A_567, %swap3A_568], %swap3A_571 {strides = array<i32>} : memref<128x128xf32, #tpu.memory_space<vmem>>, vector<1x16xf32>,
          %get3A_572 = arith.index_cast %scan3A_533 : i32 to index
          %get3A_573 = arith.constant 48 : index
          %get3A_574 = tpu.vector_load %arg16[%get3A_572, %get3A_573] {strides = array<i32>} : memref<128x128xf32, #tpu.memory_space<vmem>>, vector<1x16xf32>,
          %get3A_575 = vector.shape_cast %get3A_574 : vector<1x16xf32> to vector<16xf32>
          %mul3A_576 = vector.broadcast %squeeze3A_538 : f32 to vector<16xf32>
          %mul3A_577 = arith.mulf %get3A_575, %mul3A_576 : vector<16xf32>
          %swap3A_578 = arith.index_cast %scan3A_533 : i32 to index
          %swap3A_579 = arith.constant 48 : index
          %swap3A_580 = tpu.vector_load %arg16[%swap3A_578, %swap3A_579] {strides = array<i32>} : memref<128x128xf32, #tpu.memory_space<vmem>>, vector<1x16xf32>,
          %swap3A_581 = vector.shape_cast %swap3A_580 : vector<1x16xf32> to vector<16xf32>
          %swap3A_582 = vector.shape_cast %mul3A_577 : vector<16xf32> to vector<1x16xf32>
          tpu.vector_store %arg16[%swap3A_578, %swap3A_579], %swap3A_582 {strides = array<i32>} : memref<128x128xf32, #tpu.memory_space<vmem>>, vector<1x16xf32>,
          %get3A_583 = arith.index_cast %scan3A_533 : i32 to index
          %get3A_584 = arith.constant 64 : index
          %get3A_585 = tpu.vector_load %arg16[%get3A_583, %get3A_584] {strides = array<i32>} : memref<128x128xf32, #tpu.memory_space<vmem>>, vector<1x16xf32>,
          %get3A_586 = vector.shape_cast %get3A_585 : vector<1x16xf32> to vector<16xf32>
          %mul3A_587 = vector.broadcast %squeeze3A_538 : f32 to vector<16xf32>
          %mul3A_588 = arith.mulf %get3A_586, %mul3A_587 : vector<16xf32>
          %swap3A_589 = arith.index_cast %scan3A_533 : i32 to index
          %swap3A_590 = arith.constant 64 : index
          %swap3A_591 = tpu.vector_load %arg16[%swap3A_589, %swap3A_590] {strides = array<i32>} : memref<128x128xf32, #tpu.memory_space<vmem>>, vector<1x16xf32>,
          %swap3A_592 = vector.shape_cast %swap3A_591 : vector<1x16xf32> to vector<16xf32>
          %swap3A_593 = vector.shape_cast %mul3A_588 : vector<16xf32> to vector<1x16xf32>
          tpu.vector_store %arg16[%swap3A_589, %swap3A_590], %swap3A_593 {strides = array<i32>} : memref<128x128xf32, #tpu.memory_space<vmem>>, vector<1x16xf32>,
          %get3A_594 = arith.index_cast %scan3A_533 : i32 to index
          %get3A_595 = arith.constant 80 : index
          %get3A_596 = tpu.vector_load %arg16[%get3A_594, %get3A_595] {strides = array<i32>} : memref<128x128xf32, #tpu.memory_space<vmem>>, vector<1x16xf32>,
          %get3A_597 = vector.shape_cast %get3A_596 : vector<1x16xf32> to vector<16xf32>
          %mul3A_598 = vector.broadcast %squeeze3A_538 : f32 to vector<16xf32>
          %mul3A_599 = arith.mulf %get3A_597, %mul3A_598 : vector<16xf32>
          %swap3A_600 = arith.index_cast %scan3A_533 : i32 to index
          %swap3A_601 = arith.constant 80 : index
          %swap3A_602 = tpu.vector_load %arg16[%swap3A_600, %swap3A_601] {strides = array<i32>} : memref<128x128xf32, #tpu.memory_space<vmem>>, vector<1x16xf32>,
          %swap3A_603 = vector.shape_cast %swap3A_602 : vector<1x16xf32> to vector<16xf32>
          %swap3A_604 = vector.shape_cast %mul3A_599 : vector<16xf32> to vector<1x16xf32>
          tpu.vector_store %arg16[%swap3A_600, %swap3A_601], %swap3A_604 {strides = array<i32>} : memref<128x128xf32, #tpu.memory_space<vmem>>, vector<1x16xf32>,
          %get3A_605 = arith.index_cast %scan3A_533 : i32 to index
          %get3A_606 = arith.constant 96 : index
          %get3A_607 = tpu.vector_load %arg16[%get3A_605, %get3A_606] {strides = array<i32>} : memref<128x128xf32, #tpu.memory_space<vmem>>, vector<1x16xf32>,
          %get3A_608 = vector.shape_cast %get3A_607 : vector<1x16xf32> to vector<16xf32>
          %mul3A_609 = vector.broadcast %squeeze3A_538 : f32 to vector<16xf32>
          %mul3A_610 = arith.mulf %get3A_608, %mul3A_609 : vector<16xf32>
          %swap3A_611 = arith.index_cast %scan3A_533 : i32 to index
          %swap3A_612 = arith.constant 96 : index
          %swap3A_613 = tpu.vector_load %arg16[%swap3A_611, %swap3A_612] {strides = array<i32>} : memref<128x128xf32, #tpu.memory_space<vmem>>, vector<1x16xf32>,
          %swap3A_614 = vector.shape_cast %swap3A_613 : vector<1x16xf32> to vector<16xf32>
          %swap3A_615 = vector.shape_cast %mul3A_610 : vector<16xf32> to vector<1x16xf32>
          tpu.vector_store %arg16[%swap3A_611, %swap3A_612], %swap3A_615 {strides = array<i32>} : memref<128x128xf32, #tpu.memory_space<vmem>>, vector<1x16xf32>,
          %get3A_616 = arith.index_cast %scan3A_533 : i32 to index
          %get3A_617 = arith.constant 112 : index
          %get3A_618 = tpu.vector_load %arg16[%get3A_616, %get3A_617] {strides = array<i32>} : memref<128x128xf32, #tpu.memory_space<vmem>>, vector<1x16xf32>,
          %get3A_619 = vector.shape_cast %get3A_618 : vector<1x16xf32> to vector<16xf32>
          %mul3A_620 = vector.broadcast %squeeze3A_538 : f32 to vector<16xf32>
          %mul3A_621 = arith.mulf %get3A_619, %mul3A_620 : vector<16xf32>
          %swap3A_622 = arith.index_cast %scan3A_533 : i32 to index
          %swap3A_623 = arith.constant 112 : index
          %swap3A_624 = tpu.vector_load %arg16[%swap3A_622, %swap3A_623] {strides = array<i32>} : memref<128x128xf32, #tpu.memory_space<vmem>>, vector<1x16xf32>,
          %swap3A_625 = vector.shape_cast %swap3A_624 : vector<1x16xf32> to vector<16xf32>
          %swap3A_626 = vector.shape_cast %mul3A_621 : vector<16xf32> to vector<1x16xf32>
          tpu.vector_store %arg16[%swap3A_622, %swap3A_623], %swap3A_626 {strides = array<i32>} : memref<128x128xf32, #tpu.memory_space<vmem>>, vector<1x16xf32>,
        }
        %scan3A_532 = arith.constant 128 : i32
      } else {
      }
      %dma_start3A_336 = arith.constant 0 : i32
      %dma_start3A_337 = arith.constant 0 : i32
      %dma_start3A_338 = tpu.memref_slice %arg8[%dma_start3A_336, %dma_start3A_337] : memref<10112x128xf32, #tpu.memory_space<vmem_shared>> -> memref<10112x128xf32, #tpu.memory_space<vmem_shared>>
      tpu.enqueue_indirect_dma source(%arg16 : memref<128x128xf32, #tpu.memory_space<vmem>>) target(%dma_start3A_338 : memref<10112x128xf32, #tpu.memory_space<vmem_shared>>) offsets(%arg10 : memref<128xi32, #tpu.memory_space<vmem>>) semaphore(%arg20 : memref<!tpu.dma_semaphore, #tpu.memory_space<semaphore_mem>>) {add = true}
      %mul3A_339 = arith.constant 2 : i32
      %mul3A_340 = arith.muli %mul3A_339, %scan3A_162 : i32
      %add3A_341 = arith.constant 1 : i32
      %add3A_342 = arith.addi %mul3A_340, %add3A_341 : i32
      %add3A_343 = arith.constant 1 : i32
      %add3A_344 = arith.addi %add3A_342, %add3A_343 : i32
      %rem3A_345 = arith.constant 160 : i32
      %rem3A_346 = arith.remsi %add3A_344, %rem3A_345 : i32
      %rem3A_347 = arith.constant 8 : i32
      %rem3A_348 = arith.remsi %rem3A_346, %rem3A_347 : i32
      %eq3A_349 = arith.constant 0 : i32
      %eq3A_350 = arith.cmpi eq, %rem3A_348, %eq3A_349 : i32
      %convert_element_type3A_351 = arith.extui %eq3A_350 : i1 to i32
      %cond3A_352 = arith.constant 0 : i32
      %cond3A_353 = arith.cmpi ne, %convert_element_type3A_351, %cond3A_352 : i32
      scf.if %cond3A_353 {
        %add3A_524 = arith.addi %mul3A_6, %rem3A_346 : i32
        %multiple_of3A = tpu.assume_multiple %add3A_524, 8 : i32
        "tpu.region"() ({
          %run_scoped3A = tpu.sem_alloc : memref<!tpu.dma_semaphore, #tpu.memory_space<semaphore_mem>>
          %dma_start3A_525 = arith.constant 0 : i32
          %dma_start3A_526 = tpu.memref_slice %arg2[%multiple_of3A, %dma_start3A_525] : memref<5120x128xi32, #tpu.memory_space<hbm>> -> memref<8x128xi32, #tpu.memory_space<hbm>>
          %dma_start3A_527 = arith.constant 0 : i32
          %dma_start3A_528 = tpu.memref_slice %arg2[%multiple_of3A, %dma_start3A_527] : memref<5120x128xi32, #tpu.memory_space<hbm>> -> memref<8x128xi32, #tpu.memory_space<hbm>>
          tpu.enqueue_dma source(%dma_start3A_528 : memref<8x128xi32, #tpu.memory_space<hbm>>) target(%arg9 : memref<8x128xi32, #tpu.memory_space<vmem>>) target_semaphore(%run_scoped3A : memref<!tpu.dma_semaphore, #tpu.memory_space<semaphore_mem>>)
          %dma_wait3A_529 = arith.constant 0 : i32
          %dma_wait3A_530 = tpu.memref_slice %arg2[%multiple_of3A, %dma_wait3A_529] : memref<5120x128xi32, #tpu.memory_space<hbm>> -> memref<8x128xi32, #tpu.memory_space<hbm>>
          %dma_wait3A_531 = arith.constant 0 : i32
          %dma_wait3A_532 = tpu.memref_slice %arg2[%multiple_of3A, %dma_wait3A_531] : memref<5120x128xi32, #tpu.memory_space<hbm>> -> memref<8x128xi32, #tpu.memory_space<hbm>>
          tpu.wait_dma2 semaphore(%run_scoped3A : memref<!tpu.dma_semaphore, #tpu.memory_space<semaphore_mem>>) src(%dma_wait3A_532 : memref<8x128xi32, #tpu.memory_space<hbm>>) dst(%arg9 : memref<8x128xi32, #tpu.memory_space<vmem>>)
          tpu.yield
        }) : () -> ()
      } else {
      }
      %ge3A_354 = arith.constant 1 : i32
      %ge3A_355 = arith.cmpi sge, %add3A_342, %ge3A_354 : i32
      %convert_element_type3A_356 = arith.extui %ge3A_355 : i1 to i32
      %cond3A_357 = arith.constant 0 : i32
      %cond3A_358 = arith.cmpi ne, %convert_element_type3A_356, %cond3A_357 : i32
      scf.if %cond3A_358 {
        %dma_wait3A_524 = arith.constant 0 : i32
        %dma_wait3A_525 = arith.constant 0 : i32
        %dma_wait3A_526 = tpu.memref_slice %arg8[%dma_wait3A_524, %dma_wait3A_525] : memref<10112x128xf32, #tpu.memory_space<vmem_shared>> -> memref<10112x128xf32, #tpu.memory_space<vmem_shared>>
        tpu.wait_indirect_dma semaphore(%arg20 : memref<!tpu.dma_semaphore, #tpu.memory_space<semaphore_mem>>) src(%arg16 : memref<128x128xf32, #tpu.memory_space<vmem>>) dst(%dma_wait3A_526 : memref<10112x128xf32, #tpu.memory_space<vmem_shared>>)
      } else {
      }
      %rem3A_359 = arith.constant 8 : i32
      %rem3A_360 = arith.remsi %rem3A_346, %rem3A_359 : i32
      %get3A_361 = arith.index_cast %rem3A_360 : i32 to index
      %get3A_362 = arith.constant 0 : index
      %get3A_363 = tpu.vector_load %arg9[%get3A_361, %get3A_362] {strides = array<i32>} : memref<8x128xi32, #tpu.memory_space<vmem>>, vector<1x16xi32>,
      %get3A_364 = vector.shape_cast %get3A_363 : vector<1x16xi32> to vector<16xi32>
      %shift_right_logical3A_365 = arith.constant 14 : i32
      %shift_right_logical3A_366 = vector.broadcast %shift_right_logical3A_365 : i32 to vector<16xi32>
      %shift_right_logical3A_367 = arith.shrui %get3A_364, %shift_right_logical3A_366 : vector<16xi32>
      %swap3A_368 = arith.constant 0 : index
      %swap3A_369 = tpu.vector_load %arg10[%swap3A_368] {strides = array<i32>} : memref<128xi32, #tpu.memory_space<vmem>>, vector<16xi32>,
      %swap3A_370 = vector.shape_cast %swap3A_369 : vector<16xi32> to vector<16xi32>
      %swap3A_371 = vector.shape_cast %shift_right_logical3A_367 : vector<16xi32> to vector<16xi32>
      tpu.vector_store %arg10[%swap3A_368], %swap3A_371 {strides = array<i32>} : memref<128xi32, #tpu.memory_space<vmem>>, vector<16xi32>,
      %and3A_372 = arith.constant 16383 : i32
      %and3A_373 = vector.broadcast %and3A_372 : i32 to vector<16xi32>
      %and3A_374 = arith.andi %get3A_364, %and3A_373 : vector<16xi32>
      %swap3A_375 = arith.constant 0 : index
      %swap3A_376 = tpu.vector_load %arg12[%swap3A_375] {strides = array<i32>} : memref<128xi32, #tpu.memory_space<vmem>>, vector<16xi32>,
      %swap3A_377 = vector.shape_cast %swap3A_376 : vector<16xi32> to vector<16xi32>
      %swap3A_378 = vector.shape_cast %and3A_374 : vector<16xi32> to vector<16xi32>
      tpu.vector_store %arg12[%swap3A_375], %swap3A_378 {strides = array<i32>} : memref<128xi32, #tpu.memory_space<vmem>>, vector<16xi32>,
      %get3A_379 = arith.index_cast %rem3A_360 : i32 to index
      %get3A_380 = arith.constant 16 : index
      %get3A_381 = tpu.vector_load %arg9[%get3A_379, %get3A_380] {strides = array<i32>} : memref<8x128xi32, #tpu.memory_space<vmem>>, vector<1x16xi32>,
      %get3A_382 = vector.shape_cast %get3A_381 : vector<1x16xi32> to vector<16xi32>
      %shift_right_logical3A_383 = arith.constant 14 : i32
      %shift_right_logical3A_384 = vector.broadcast %shift_right_logical3A_383 : i32 to vector<16xi32>
      %shift_right_logical3A_385 = arith.shrui %get3A_382, %shift_right_logical3A_384 : vector<16xi32>
      %swap3A_386 = arith.constant 16 : index
      %swap3A_387 = tpu.vector_load %arg10[%swap3A_386] {strides = array<i32>} : memref<128xi32, #tpu.memory_space<vmem>>, vector<16xi32>,
      %swap3A_388 = vector.shape_cast %swap3A_387 : vector<16xi32> to vector<16xi32>
      %swap3A_389 = vector.shape_cast %shift_right_logical3A_385 : vector<16xi32> to vector<16xi32>
      tpu.vector_store %arg10[%swap3A_386], %swap3A_389 {strides = array<i32>} : memref<128xi32, #tpu.memory_space<vmem>>, vector<16xi32>,
      %and3A_390 = arith.constant 16383 : i32
      %and3A_391 = vector.broadcast %and3A_390 : i32 to vector<16xi32>
      %and3A_392 = arith.andi %get3A_382, %and3A_391 : vector<16xi32>
      %swap3A_393 = arith.constant 16 : index
      %swap3A_394 = tpu.vector_load %arg12[%swap3A_393] {strides = array<i32>} : memref<128xi32, #tpu.memory_space<vmem>>, vector<16xi32>,
      %swap3A_395 = vector.shape_cast %swap3A_394 : vector<16xi32> to vector<16xi32>
      %swap3A_396 = vector.shape_cast %and3A_392 : vector<16xi32> to vector<16xi32>
      tpu.vector_store %arg12[%swap3A_393], %swap3A_396 {strides = array<i32>} : memref<128xi32, #tpu.memory_space<vmem>>, vector<16xi32>,
      %get3A_397 = arith.index_cast %rem3A_360 : i32 to index
      %get3A_398 = arith.constant 32 : index
      %get3A_399 = tpu.vector_load %arg9[%get3A_397, %get3A_398] {strides = array<i32>} : memref<8x128xi32, #tpu.memory_space<vmem>>, vector<1x16xi32>,
      %get3A_400 = vector.shape_cast %get3A_399 : vector<1x16xi32> to vector<16xi32>
      %shift_right_logical3A_401 = arith.constant 14 : i32
      %shift_right_logical3A_402 = vector.broadcast %shift_right_logical3A_401 : i32 to vector<16xi32>
      %shift_right_logical3A_403 = arith.shrui %get3A_400, %shift_right_logical3A_402 : vector<16xi32>
      %swap3A_404 = arith.constant 32 : index
      %swap3A_405 = tpu.vector_load %arg10[%swap3A_404] {strides = array<i32>} : memref<128xi32, #tpu.memory_space<vmem>>, vector<16xi32>,
      %swap3A_406 = vector.shape_cast %swap3A_405 : vector<16xi32> to vector<16xi32>
      %swap3A_407 = vector.shape_cast %shift_right_logical3A_403 : vector<16xi32> to vector<16xi32>
      tpu.vector_store %arg10[%swap3A_404], %swap3A_407 {strides = array<i32>} : memref<128xi32, #tpu.memory_space<vmem>>, vector<16xi32>,
      %and3A_408 = arith.constant 16383 : i32
      %and3A_409 = vector.broadcast %and3A_408 : i32 to vector<16xi32>
      %and3A_410 = arith.andi %get3A_400, %and3A_409 : vector<16xi32>
      %swap3A_411 = arith.constant 32 : index
      %swap3A_412 = tpu.vector_load %arg12[%swap3A_411] {strides = array<i32>} : memref<128xi32, #tpu.memory_space<vmem>>, vector<16xi32>,
      %swap3A_413 = vector.shape_cast %swap3A_412 : vector<16xi32> to vector<16xi32>
      %swap3A_414 = vector.shape_cast %and3A_410 : vector<16xi32> to vector<16xi32>
      tpu.vector_store %arg12[%swap3A_411], %swap3A_414 {strides = array<i32>} : memref<128xi32, #tpu.memory_space<vmem>>, vector<16xi32>,
      %get3A_415 = arith.index_cast %rem3A_360 : i32 to index
      %get3A_416 = arith.constant 48 : index
      %get3A_417 = tpu.vector_load %arg9[%get3A_415, %get3A_416] {strides = array<i32>} : memref<8x128xi32, #tpu.memory_space<vmem>>, vector<1x16xi32>,
      %get3A_418 = vector.shape_cast %get3A_417 : vector<1x16xi32> to vector<16xi32>
      %shift_right_logical3A_419 = arith.constant 14 : i32
      %shift_right_logical3A_420 = vector.broadcast %shift_right_logical3A_419 : i32 to vector<16xi32>
      %shift_right_logical3A_421 = arith.shrui %get3A_418, %shift_right_logical3A_420 : vector<16xi32>
      %swap3A_422 = arith.constant 48 : index
      %swap3A_423 = tpu.vector_load %arg10[%swap3A_422] {strides = array<i32>} : memref<128xi32, #tpu.memory_space<vmem>>, vector<16xi32>,
      %swap3A_424 = vector.shape_cast %swap3A_423 : vector<16xi32> to vector<16xi32>
      %swap3A_425 = vector.shape_cast %shift_right_logical3A_421 : vector<16xi32> to vector<16xi32>
      tpu.vector_store %arg10[%swap3A_422], %swap3A_425 {strides = array<i32>} : memref<128xi32, #tpu.memory_space<vmem>>, vector<16xi32>,
      %and3A_426 = arith.constant 16383 : i32
      %and3A_427 = vector.broadcast %and3A_426 : i32 to vector<16xi32>
      %and3A_428 = arith.andi %get3A_418, %and3A_427 : vector<16xi32>
      %swap3A_429 = arith.constant 48 : index
      %swap3A_430 = tpu.vector_load %arg12[%swap3A_429] {strides = array<i32>} : memref<128xi32, #tpu.memory_space<vmem>>, vector<16xi32>,
      %swap3A_431 = vector.shape_cast %swap3A_430 : vector<16xi32> to vector<16xi32>
      %swap3A_432 = vector.shape_cast %and3A_428 : vector<16xi32> to vector<16xi32>
      tpu.vector_store %arg12[%swap3A_429], %swap3A_432 {strides = array<i32>} : memref<128xi32, #tpu.memory_space<vmem>>, vector<16xi32>,
      %get3A_433 = arith.index_cast %rem3A_360 : i32 to index
      %get3A_434 = arith.constant 64 : index
      %get3A_435 = tpu.vector_load %arg9[%get3A_433, %get3A_434] {strides = array<i32>} : memref<8x128xi32, #tpu.memory_space<vmem>>, vector<1x16xi32>,
      %get3A_436 = vector.shape_cast %get3A_435 : vector<1x16xi32> to vector<16xi32>
      %shift_right_logical3A_437 = arith.constant 14 : i32
      %shift_right_logical3A_438 = vector.broadcast %shift_right_logical3A_437 : i32 to vector<16xi32>
      %shift_right_logical3A_439 = arith.shrui %get3A_436, %shift_right_logical3A_438 : vector<16xi32>
      %swap3A_440 = arith.constant 64 : index
      %swap3A_441 = tpu.vector_load %arg10[%swap3A_440] {strides = array<i32>} : memref<128xi32, #tpu.memory_space<vmem>>, vector<16xi32>,
      %swap3A_442 = vector.shape_cast %swap3A_441 : vector<16xi32> to vector<16xi32>
      %swap3A_443 = vector.shape_cast %shift_right_logical3A_439 : vector<16xi32> to vector<16xi32>
      tpu.vector_store %arg10[%swap3A_440], %swap3A_443 {strides = array<i32>} : memref<128xi32, #tpu.memory_space<vmem>>, vector<16xi32>,
      %and3A_444 = arith.constant 16383 : i32
      %and3A_445 = vector.broadcast %and3A_444 : i32 to vector<16xi32>
      %and3A_446 = arith.andi %get3A_436, %and3A_445 : vector<16xi32>
      %swap3A_447 = arith.constant 64 : index
      %swap3A_448 = tpu.vector_load %arg12[%swap3A_447] {strides = array<i32>} : memref<128xi32, #tpu.memory_space<vmem>>, vector<16xi32>,
      %swap3A_449 = vector.shape_cast %swap3A_448 : vector<16xi32> to vector<16xi32>
      %swap3A_450 = vector.shape_cast %and3A_446 : vector<16xi32> to vector<16xi32>
      tpu.vector_store %arg12[%swap3A_447], %swap3A_450 {strides = array<i32>} : memref<128xi32, #tpu.memory_space<vmem>>, vector<16xi32>,
      %get3A_451 = arith.index_cast %rem3A_360 : i32 to index
      %get3A_452 = arith.constant 80 : index
      %get3A_453 = tpu.vector_load %arg9[%get3A_451, %get3A_452] {strides = array<i32>} : memref<8x128xi32, #tpu.memory_space<vmem>>, vector<1x16xi32>,
      %get3A_454 = vector.shape_cast %get3A_453 : vector<1x16xi32> to vector<16xi32>
      %shift_right_logical3A_455 = arith.constant 14 : i32
      %shift_right_logical3A_456 = vector.broadcast %shift_right_logical3A_455 : i32 to vector<16xi32>
      %shift_right_logical3A_457 = arith.shrui %get3A_454, %shift_right_logical3A_456 : vector<16xi32>
      %swap3A_458 = arith.constant 80 : index
      %swap3A_459 = tpu.vector_load %arg10[%swap3A_458] {strides = array<i32>} : memref<128xi32, #tpu.memory_space<vmem>>, vector<16xi32>,
      %swap3A_460 = vector.shape_cast %swap3A_459 : vector<16xi32> to vector<16xi32>
      %swap3A_461 = vector.shape_cast %shift_right_logical3A_457 : vector<16xi32> to vector<16xi32>
      tpu.vector_store %arg10[%swap3A_458], %swap3A_461 {strides = array<i32>} : memref<128xi32, #tpu.memory_space<vmem>>, vector<16xi32>,
      %and3A_462 = arith.constant 16383 : i32
      %and3A_463 = vector.broadcast %and3A_462 : i32 to vector<16xi32>
      %and3A_464 = arith.andi %get3A_454, %and3A_463 : vector<16xi32>
      %swap3A_465 = arith.constant 80 : index
      %swap3A_466 = tpu.vector_load %arg12[%swap3A_465] {strides = array<i32>} : memref<128xi32, #tpu.memory_space<vmem>>, vector<16xi32>,
      %swap3A_467 = vector.shape_cast %swap3A_466 : vector<16xi32> to vector<16xi32>
      %swap3A_468 = vector.shape_cast %and3A_464 : vector<16xi32> to vector<16xi32>
      tpu.vector_store %arg12[%swap3A_465], %swap3A_468 {strides = array<i32>} : memref<128xi32, #tpu.memory_space<vmem>>, vector<16xi32>,
      %get3A_469 = arith.index_cast %rem3A_360 : i32 to index
      %get3A_470 = arith.constant 96 : index
      %get3A_471 = tpu.vector_load %arg9[%get3A_469, %get3A_470] {strides = array<i32>} : memref<8x128xi32, #tpu.memory_space<vmem>>, vector<1x16xi32>,
      %get3A_472 = vector.shape_cast %get3A_471 : vector<1x16xi32> to vector<16xi32>
      %shift_right_logical3A_473 = arith.constant 14 : i32
      %shift_right_logical3A_474 = vector.broadcast %shift_right_logical3A_473 : i32 to vector<16xi32>
      %shift_right_logical3A_475 = arith.shrui %get3A_472, %shift_right_logical3A_474 : vector<16xi32>
      %swap3A_476 = arith.constant 96 : index
      %swap3A_477 = tpu.vector_load %arg10[%swap3A_476] {strides = array<i32>} : memref<128xi32, #tpu.memory_space<vmem>>, vector<16xi32>,
      %swap3A_478 = vector.shape_cast %swap3A_477 : vector<16xi32> to vector<16xi32>
      %swap3A_479 = vector.shape_cast %shift_right_logical3A_475 : vector<16xi32> to vector<16xi32>
      tpu.vector_store %arg10[%swap3A_476], %swap3A_479 {strides = array<i32>} : memref<128xi32, #tpu.memory_space<vmem>>, vector<16xi32>,
      %and3A_480 = arith.constant 16383 : i32
      %and3A_481 = vector.broadcast %and3A_480 : i32 to vector<16xi32>
      %and3A_482 = arith.andi %get3A_472, %and3A_481 : vector<16xi32>
      %swap3A_483 = arith.constant 96 : index
      %swap3A_484 = tpu.vector_load %arg12[%swap3A_483] {strides = array<i32>} : memref<128xi32, #tpu.memory_space<vmem>>, vector<16xi32>,
      %swap3A_485 = vector.shape_cast %swap3A_484 : vector<16xi32> to vector<16xi32>
      %swap3A_486 = vector.shape_cast %and3A_482 : vector<16xi32> to vector<16xi32>
      tpu.vector_store %arg12[%swap3A_483], %swap3A_486 {strides = array<i32>} : memref<128xi32, #tpu.memory_space<vmem>>, vector<16xi32>,
      %get3A_487 = arith.index_cast %rem3A_360 : i32 to index
      %get3A_488 = arith.constant 112 : index
      %get3A_489 = tpu.vector_load %arg9[%get3A_487, %get3A_488] {strides = array<i32>} : memref<8x128xi32, #tpu.memory_space<vmem>>, vector<1x16xi32>,
      %get3A_490 = vector.shape_cast %get3A_489 : vector<1x16xi32> to vector<16xi32>
      %shift_right_logical3A_491 = arith.constant 14 : i32
      %shift_right_logical3A_492 = vector.broadcast %shift_right_logical3A_491 : i32 to vector<16xi32>
      %shift_right_logical3A_493 = arith.shrui %get3A_490, %shift_right_logical3A_492 : vector<16xi32>
      %swap3A_494 = arith.constant 112 : index
      %swap3A_495 = tpu.vector_load %arg10[%swap3A_494] {strides = array<i32>} : memref<128xi32, #tpu.memory_space<vmem>>, vector<16xi32>,
      %swap3A_496 = vector.shape_cast %swap3A_495 : vector<16xi32> to vector<16xi32>
      %swap3A_497 = vector.shape_cast %shift_right_logical3A_493 : vector<16xi32> to vector<16xi32>
      tpu.vector_store %arg10[%swap3A_494], %swap3A_497 {strides = array<i32>} : memref<128xi32, #tpu.memory_space<vmem>>, vector<16xi32>,
      %and3A_498 = arith.constant 16383 : i32
      %and3A_499 = vector.broadcast %and3A_498 : i32 to vector<16xi32>
      %and3A_500 = arith.andi %get3A_490, %and3A_499 : vector<16xi32>
      %swap3A_501 = arith.constant 112 : index
      %swap3A_502 = tpu.vector_load %arg12[%swap3A_501] {strides = array<i32>} : memref<128xi32, #tpu.memory_space<vmem>>, vector<16xi32>,
      %swap3A_503 = vector.shape_cast %swap3A_502 : vector<16xi32> to vector<16xi32>
      %swap3A_504 = vector.shape_cast %and3A_500 : vector<16xi32> to vector<16xi32>
      tpu.vector_store %arg12[%swap3A_501], %swap3A_504 {strides = array<i32>} : memref<128xi32, #tpu.memory_space<vmem>>, vector<16xi32>,
      %dma_start3A_505 = arith.constant 0 : i32
      %dma_start3A_506 = arith.constant 0 : i32
      %dma_start3A_507 = tpu.memref_slice %arg5[%dma_start3A_505, %dma_start3A_506] : memref<10112x128xf32, #tpu.memory_space<hbm>> -> memref<10112x128xf32, #tpu.memory_space<hbm>>
      tpu.enqueue_indirect_dma source(%dma_start3A_507 : memref<10112x128xf32, #tpu.memory_space<hbm>>) target(%arg16 : memref<128x128xf32, #tpu.memory_space<vmem>>) offsets(%arg12 : memref<128xi32, #tpu.memory_space<vmem>>) semaphore(%arg18 : memref<!tpu.dma_semaphore, #tpu.memory_space<semaphore_mem>>)
      %dma_wait3A_508 = arith.constant 0 : i32
      %dma_wait3A_509 = arith.constant 0 : i32
      %dma_wait3A_510 = tpu.memref_slice %arg5[%dma_wait3A_508, %dma_wait3A_509] : memref<10112x128xf32, #tpu.memory_space<hbm>> -> memref<10112x128xf32, #tpu.memory_space<hbm>>
      tpu.wait_indirect_dma semaphore(%arg19 : memref<!tpu.dma_semaphore, #tpu.memory_space<semaphore_mem>>) src(%dma_wait3A_510 : memref<10112x128xf32, #tpu.memory_space<hbm>>) dst(%arg17 : memref<128x128xf32, #tpu.memory_space<vmem>>)
      %get3A_511 = arith.index_cast %add3A_342 : i32 to index
      %get3A_512 = tpu.vector_load %arg15[%get3A_511] {strides = array<i32>} : memref<176xi32, #tpu.memory_space<vmem>>, vector<16xi32>,
      %get3A_513 = vector.shape_cast %get3A_512 : vector<16xi32> to vector<16xi32>
      %slice3A_514 = vector.extract_strided_slice %get3A_513 {offsets = [0], sizes = [1], strides = [1]} : vector<16xi32> to vector<1xi32>
      %squeeze3A_515 = vector.extract %slice3A_514[0] : i32 from vector<1xi32>
      %ne3A_516 = arith.constant 0 : i32
      %ne3A_517 = arith.cmpi ne, %squeeze3A_515, %ne3A_516 : i32
      %convert_element_type3A_518 = arith.extui %ne3A_517 : i1 to i32
      %cond3A_519 = arith.constant 0 : i32
      %cond3A_520 = arith.cmpi ne, %convert_element_type3A_518, %cond3A_519 : i32
      scf.if %cond3A_520 {
        %add3A_524 = arith.addi %mul3A_6, %add3A_342 : i32
        %mul3A_525 = arith.constant 128 : i32
        %mul3A_526 = arith.muli %add3A_524, %mul3A_525 : i32
        "tpu.region"() ({
          %run_scoped3A = tpu.sem_alloc : memref<!tpu.dma_semaphore, #tpu.memory_space<semaphore_mem>>
          %dma_start3A_533 = arith.constant 0 : i32
          %dma_start3A_534 = tpu.memref_slice %arg14[%dma_start3A_533] : memref<144xf32, #tpu.memory_space<vmem>> -> memref<128xf32, #tpu.memory_space<vmem>>
          %dma_start3A_535 = tpu.memref_slice %arg3[%mul3A_526] : memref<655360xf32, #tpu.memory_space<hbm>> -> memref<128xf32, #tpu.memory_space<hbm>>
          %dma_start3A_536 = arith.constant 0 : i32
          %dma_start3A_537 = tpu.memref_slice %arg14[%dma_start3A_536] : memref<144xf32, #tpu.memory_space<vmem>> -> memref<128xf32, #tpu.memory_space<vmem>>
          %dma_start3A_538 = tpu.memref_slice %arg3[%mul3A_526] : memref<655360xf32, #tpu.memory_space<hbm>> -> memref<128xf32, #tpu.memory_space<hbm>>
          tpu.enqueue_dma source(%dma_start3A_538 : memref<128xf32, #tpu.memory_space<hbm>>) target(%dma_start3A_537 : memref<128xf32, #tpu.memory_space<vmem>>) target_semaphore(%run_scoped3A : memref<!tpu.dma_semaphore, #tpu.memory_space<semaphore_mem>>)
          %dma_wait3A_539 = arith.constant 0 : i32
          %dma_wait3A_540 = tpu.memref_slice %arg14[%dma_wait3A_539] : memref<144xf32, #tpu.memory_space<vmem>> -> memref<128xf32, #tpu.memory_space<vmem>>
          %dma_wait3A_541 = tpu.memref_slice %arg3[%mul3A_526] : memref<655360xf32, #tpu.memory_space<hbm>> -> memref<128xf32, #tpu.memory_space<hbm>>
          %dma_wait3A_542 = arith.constant 0 : i32
          %dma_wait3A_543 = tpu.memref_slice %arg14[%dma_wait3A_542] : memref<144xf32, #tpu.memory_space<vmem>> -> memref<128xf32, #tpu.memory_space<vmem>>
          %dma_wait3A_544 = tpu.memref_slice %arg3[%mul3A_526] : memref<655360xf32, #tpu.memory_space<hbm>> -> memref<128xf32, #tpu.memory_space<hbm>>
          tpu.wait_dma2 semaphore(%run_scoped3A : memref<!tpu.dma_semaphore, #tpu.memory_space<semaphore_mem>>) src(%dma_wait3A_544 : memref<128xf32, #tpu.memory_space<hbm>>) dst(%dma_wait3A_543 : memref<128xf32, #tpu.memory_space<vmem>>)
          tpu.yield
        }) : () -> ()
        %scan3A_527 = arith.constant 0 : i32
        %scan3A_528 = arith.constant 0 : i32
        %scan3A_529 = arith.constant 128 : i32
        %scan3A_530 = arith.addi %scan3A_528, %scan3A_529 : i32
        %scan3A_531 = arith.constant 1 : i32
        scf.for %scan3A_533 = %scan3A_528 to %scan3A_530 step %scan3A_531  : i32 {
          %get3A_534 = arith.index_cast %scan3A_533 : i32 to index
          %get3A_535 = tpu.vector_load %arg14[%get3A_534] {strides = array<i32>} : memref<144xf32, #tpu.memory_space<vmem>>, vector<16xf32>,
          %get3A_536 = vector.shape_cast %get3A_535 : vector<16xf32> to vector<16xf32>
          %slice3A_537 = vector.extract_strided_slice %get3A_536 {offsets = [0], sizes = [1], strides = [1]} : vector<16xf32> to vector<1xf32>
          %squeeze3A_538 = vector.extract %slice3A_537[0] : f32 from vector<1xf32>
          %get3A_539 = arith.index_cast %scan3A_533 : i32 to index
          %get3A_540 = arith.constant 0 : index
          %get3A_541 = tpu.vector_load %arg17[%get3A_539, %get3A_540] {strides = array<i32>} : memref<128x128xf32, #tpu.memory_space<vmem>>, vector<1x16xf32>,
          %get3A_542 = vector.shape_cast %get3A_541 : vector<1x16xf32> to vector<16xf32>
          %mul3A_543 = vector.broadcast %squeeze3A_538 : f32 to vector<16xf32>
          %mul3A_544 = arith.mulf %get3A_542, %mul3A_543 : vector<16xf32>
          %swap3A_545 = arith.index_cast %scan3A_533 : i32 to index
          %swap3A_546 = arith.constant 0 : index
          %swap3A_547 = tpu.vector_load %arg17[%swap3A_545, %swap3A_546] {strides = array<i32>} : memref<128x128xf32, #tpu.memory_space<vmem>>, vector<1x16xf32>,
          %swap3A_548 = vector.shape_cast %swap3A_547 : vector<1x16xf32> to vector<16xf32>
          %swap3A_549 = vector.shape_cast %mul3A_544 : vector<16xf32> to vector<1x16xf32>
          tpu.vector_store %arg17[%swap3A_545, %swap3A_546], %swap3A_549 {strides = array<i32>} : memref<128x128xf32, #tpu.memory_space<vmem>>, vector<1x16xf32>,
          %get3A_550 = arith.index_cast %scan3A_533 : i32 to index
          %get3A_551 = arith.constant 16 : index
          %get3A_552 = tpu.vector_load %arg17[%get3A_550, %get3A_551] {strides = array<i32>} : memref<128x128xf32, #tpu.memory_space<vmem>>, vector<1x16xf32>,
          %get3A_553 = vector.shape_cast %get3A_552 : vector<1x16xf32> to vector<16xf32>
          %mul3A_554 = vector.broadcast %squeeze3A_538 : f32 to vector<16xf32>
          %mul3A_555 = arith.mulf %get3A_553, %mul3A_554 : vector<16xf32>
          %swap3A_556 = arith.index_cast %scan3A_533 : i32 to index
          %swap3A_557 = arith.constant 16 : index
          %swap3A_558 = tpu.vector_load %arg17[%swap3A_556, %swap3A_557] {strides = array<i32>} : memref<128x128xf32, #tpu.memory_space<vmem>>, vector<1x16xf32>,
          %swap3A_559 = vector.shape_cast %swap3A_558 : vector<1x16xf32> to vector<16xf32>
          %swap3A_560 = vector.shape_cast %mul3A_555 : vector<16xf32> to vector<1x16xf32>
          tpu.vector_store %arg17[%swap3A_556, %swap3A_557], %swap3A_560 {strides = array<i32>} : memref<128x128xf32, #tpu.memory_space<vmem>>, vector<1x16xf32>,
          %get3A_561 = arith.index_cast %scan3A_533 : i32 to index
          %get3A_562 = arith.constant 32 : index
          %get3A_563 = tpu.vector_load %arg17[%get3A_561, %get3A_562] {strides = array<i32>} : memref<128x128xf32, #tpu.memory_space<vmem>>, vector<1x16xf32>,
          %get3A_564 = vector.shape_cast %get3A_563 : vector<1x16xf32> to vector<16xf32>
          %mul3A_565 = vector.broadcast %squeeze3A_538 : f32 to vector<16xf32>
          %mul3A_566 = arith.mulf %get3A_564, %mul3A_565 : vector<16xf32>
          %swap3A_567 = arith.index_cast %scan3A_533 : i32 to index
          %swap3A_568 = arith.constant 32 : index
          %swap3A_569 = tpu.vector_load %arg17[%swap3A_567, %swap3A_568] {strides = array<i32>} : memref<128x128xf32, #tpu.memory_space<vmem>>, vector<1x16xf32>,
          %swap3A_570 = vector.shape_cast %swap3A_569 : vector<1x16xf32> to vector<16xf32>
          %swap3A_571 = vector.shape_cast %mul3A_566 : vector<16xf32> to vector<1x16xf32>
          tpu.vector_store %arg17[%swap3A_567, %swap3A_568], %swap3A_571 {strides = array<i32>} : memref<128x128xf32, #tpu.memory_space<vmem>>, vector<1x16xf32>,
          %get3A_572 = arith.index_cast %scan3A_533 : i32 to index
          %get3A_573 = arith.constant 48 : index
          %get3A_574 = tpu.vector_load %arg17[%get3A_572, %get3A_573] {strides = array<i32>} : memref<128x128xf32, #tpu.memory_space<vmem>>, vector<1x16xf32>,
          %get3A_575 = vector.shape_cast %get3A_574 : vector<1x16xf32> to vector<16xf32>
          %mul3A_576 = vector.broadcast %squeeze3A_538 : f32 to vector<16xf32>
          %mul3A_577 = arith.mulf %get3A_575, %mul3A_576 : vector<16xf32>
          %swap3A_578 = arith.index_cast %scan3A_533 : i32 to index
          %swap3A_579 = arith.constant 48 : index
          %swap3A_580 = tpu.vector_load %arg17[%swap3A_578, %swap3A_579] {strides = array<i32>} : memref<128x128xf32, #tpu.memory_space<vmem>>, vector<1x16xf32>,
          %swap3A_581 = vector.shape_cast %swap3A_580 : vector<1x16xf32> to vector<16xf32>
          %swap3A_582 = vector.shape_cast %mul3A_577 : vector<16xf32> to vector<1x16xf32>
          tpu.vector_store %arg17[%swap3A_578, %swap3A_579], %swap3A_582 {strides = array<i32>} : memref<128x128xf32, #tpu.memory_space<vmem>>, vector<1x16xf32>,
          %get3A_583 = arith.index_cast %scan3A_533 : i32 to index
          %get3A_584 = arith.constant 64 : index
          %get3A_585 = tpu.vector_load %arg17[%get3A_583, %get3A_584] {strides = array<i32>} : memref<128x128xf32, #tpu.memory_space<vmem>>, vector<1x16xf32>,
          %get3A_586 = vector.shape_cast %get3A_585 : vector<1x16xf32> to vector<16xf32>
          %mul3A_587 = vector.broadcast %squeeze3A_538 : f32 to vector<16xf32>
          %mul3A_588 = arith.mulf %get3A_586, %mul3A_587 : vector<16xf32>
          %swap3A_589 = arith.index_cast %scan3A_533 : i32 to index
          %swap3A_590 = arith.constant 64 : index
          %swap3A_591 = tpu.vector_load %arg17[%swap3A_589, %swap3A_590] {strides = array<i32>} : memref<128x128xf32, #tpu.memory_space<vmem>>, vector<1x16xf32>,
          %swap3A_592 = vector.shape_cast %swap3A_591 : vector<1x16xf32> to vector<16xf32>
          %swap3A_593 = vector.shape_cast %mul3A_588 : vector<16xf32> to vector<1x16xf32>
          tpu.vector_store %arg17[%swap3A_589, %swap3A_590], %swap3A_593 {strides = array<i32>} : memref<128x128xf32, #tpu.memory_space<vmem>>, vector<1x16xf32>,
          %get3A_594 = arith.index_cast %scan3A_533 : i32 to index
          %get3A_595 = arith.constant 80 : index
          %get3A_596 = tpu.vector_load %arg17[%get3A_594, %get3A_595] {strides = array<i32>} : memref<128x128xf32, #tpu.memory_space<vmem>>, vector<1x16xf32>,
          %get3A_597 = vector.shape_cast %get3A_596 : vector<1x16xf32> to vector<16xf32>
          %mul3A_598 = vector.broadcast %squeeze3A_538 : f32 to vector<16xf32>
          %mul3A_599 = arith.mulf %get3A_597, %mul3A_598 : vector<16xf32>
          %swap3A_600 = arith.index_cast %scan3A_533 : i32 to index
          %swap3A_601 = arith.constant 80 : index
          %swap3A_602 = tpu.vector_load %arg17[%swap3A_600, %swap3A_601] {strides = array<i32>} : memref<128x128xf32, #tpu.memory_space<vmem>>, vector<1x16xf32>,
          %swap3A_603 = vector.shape_cast %swap3A_602 : vector<1x16xf32> to vector<16xf32>
          %swap3A_604 = vector.shape_cast %mul3A_599 : vector<16xf32> to vector<1x16xf32>
          tpu.vector_store %arg17[%swap3A_600, %swap3A_601], %swap3A_604 {strides = array<i32>} : memref<128x128xf32, #tpu.memory_space<vmem>>, vector<1x16xf32>,
          %get3A_605 = arith.index_cast %scan3A_533 : i32 to index
          %get3A_606 = arith.constant 96 : index
          %get3A_607 = tpu.vector_load %arg17[%get3A_605, %get3A_606] {strides = array<i32>} : memref<128x128xf32, #tpu.memory_space<vmem>>, vector<1x16xf32>,
          %get3A_608 = vector.shape_cast %get3A_607 : vector<1x16xf32> to vector<16xf32>
          %mul3A_609 = vector.broadcast %squeeze3A_538 : f32 to vector<16xf32>
          %mul3A_610 = arith.mulf %get3A_608, %mul3A_609 : vector<16xf32>
          %swap3A_611 = arith.index_cast %scan3A_533 : i32 to index
          %swap3A_612 = arith.constant 96 : index
          %swap3A_613 = tpu.vector_load %arg17[%swap3A_611, %swap3A_612] {strides = array<i32>} : memref<128x128xf32, #tpu.memory_space<vmem>>, vector<1x16xf32>,
          %swap3A_614 = vector.shape_cast %swap3A_613 : vector<1x16xf32> to vector<16xf32>
          %swap3A_615 = vector.shape_cast %mul3A_610 : vector<16xf32> to vector<1x16xf32>
          tpu.vector_store %arg17[%swap3A_611, %swap3A_612], %swap3A_615 {strides = array<i32>} : memref<128x128xf32, #tpu.memory_space<vmem>>, vector<1x16xf32>,
          %get3A_616 = arith.index_cast %scan3A_533 : i32 to index
          %get3A_617 = arith.constant 112 : index
          %get3A_618 = tpu.vector_load %arg17[%get3A_616, %get3A_617] {strides = array<i32>} : memref<128x128xf32, #tpu.memory_space<vmem>>, vector<1x16xf32>,
          %get3A_619 = vector.shape_cast %get3A_618 : vector<1x16xf32> to vector<16xf32>
          %mul3A_620 = vector.broadcast %squeeze3A_538 : f32 to vector<16xf32>
          %mul3A_621 = arith.mulf %get3A_619, %mul3A_620 : vector<16xf32>
          %swap3A_622 = arith.index_cast %scan3A_533 : i32 to index
          %swap3A_623 = arith.constant 112 : index
          %swap3A_624 = tpu.vector_load %arg17[%swap3A_622, %swap3A_623] {strides = array<i32>} : memref<128x128xf32, #tpu.memory_space<vmem>>, vector<1x16xf32>,
          %swap3A_625 = vector.shape_cast %swap3A_624 : vector<1x16xf32> to vector<16xf32>
          %swap3A_626 = vector.shape_cast %mul3A_621 : vector<16xf32> to vector<1x16xf32>
          tpu.vector_store %arg17[%swap3A_622, %swap3A_623], %swap3A_626 {strides = array<i32>} : memref<128x128xf32, #tpu.memory_space<vmem>>, vector<1x16xf32>,
        }
        %scan3A_532 = arith.constant 128 : i32
      } else {
      }
      %dma_start3A_521 = arith.constant 0 : i32
      %dma_start3A_522 = arith.constant 0 : i32
      %dma_start3A_523 = tpu.memref_slice %arg8[%dma_start3A_521, %dma_start3A_522] : memref<10112x128xf32, #tpu.memory_space<vmem_shared>> -> memref<10112x128xf32, #tpu.memory_space<vmem_shared>>
      tpu.enqueue_indirect_dma source(%arg17 : memref<128x128xf32, #tpu.memory_space<vmem>>) target(%dma_start3A_523 : memref<10112x128xf32, #tpu.memory_space<vmem_shared>>) offsets(%arg11 : memref<128xi32, #tpu.memory_space<vmem>>) semaphore(%arg21 : memref<!tpu.dma_semaphore, #tpu.memory_space<semaphore_mem>>) {add = true}
    }
    %scan3A_155 = arith.constant 80 : i32
    %dma_wait3A = arith.constant 0 : i32
    %dma_wait3A_156 = arith.constant 0 : i32
    %dma_wait3A_157 = tpu.memref_slice %arg5[%dma_wait3A, %dma_wait3A_156] : memref<10112x128xf32, #tpu.memory_space<hbm>> -> memref<10112x128xf32, #tpu.memory_space<hbm>>
    tpu.wait_indirect_dma semaphore(%arg18 : memref<!tpu.dma_semaphore, #tpu.memory_space<semaphore_mem>>) src(%dma_wait3A_157 : memref<10112x128xf32, #tpu.memory_space<hbm>>) dst(%arg16 : memref<128x128xf32, #tpu.memory_space<vmem>>)
    %dma_wait3A_158 = arith.constant 0 : i32
    %dma_wait3A_159 = arith.constant 0 : i32
    %dma_wait3A_160 = tpu.memref_slice %arg8[%dma_wait3A_158, %dma_wait3A_159] : memref<10112x128xf32, #tpu.memory_space<vmem_shared>> -> memref<10112x128xf32, #tpu.memory_space<vmem_shared>>
    tpu.wait_indirect_dma semaphore(%arg21 : memref<!tpu.dma_semaphore, #tpu.memory_space<semaphore_mem>>) src(%arg17 : memref<128x128xf32, #tpu.memory_space<vmem>>) dst(%dma_wait3A_160 : memref<10112x128xf32, #tpu.memory_space<vmem_shared>>)
    %barrier3A_161 = arith.constant 0 : index
    tpu.barrier barrier_id(%barrier3A_161)
    "tpu.region"() ({
      %run_scoped3A = tpu.sem_alloc : memref<!tpu.dma_semaphore, #tpu.memory_space<semaphore_mem>>
      %dma_start3A_162 = arith.constant 0 : i32
      %dma_start3A_163 = tpu.memref_slice %arg7[%arg0, %mul3A_2, %dma_start3A_162] : memref<2x10112x128xf32, #tpu.memory_space<hbm>> -> memref<1x632x128xf32, #tpu.memory_space<hbm>>
      %dma_start3A_164 = tpu.memref_squeeze %dma_start3A_163 : memref<1x632x128xf32, #tpu.memory_space<hbm>> -> memref<632x128xf32, #tpu.memory_space<hbm>>
      %dma_start3A_165 = arith.constant 0 : i32
      %dma_start3A_166 = tpu.memref_slice %arg8[%mul3A_2, %dma_start3A_165] : memref<10112x128xf32, #tpu.memory_space<vmem_shared>> -> memref<632x128xf32, #tpu.memory_space<vmem_shared>>
      tpu.enqueue_dma source(%dma_start3A_166 : memref<632x128xf32, #tpu.memory_space<vmem_shared>>) target(%dma_start3A_164 : memref<632x128xf32, #tpu.memory_space<hbm>>) target_semaphore(%run_scoped3A : memref<!tpu.dma_semaphore, #tpu.memory_space<semaphore_mem>>)
      %dma_wait3A_167 = arith.constant 0 : i32
      %dma_wait3A_168 = tpu.memref_slice %arg7[%arg0, %mul3A_2, %dma_wait3A_167] : memref<2x10112x128xf32, #tpu.memory_space<hbm>> -> memref<1x632x128xf32, #tpu.memory_space<hbm>>
      %dma_wait3A_169 = tpu.memref_squeeze %dma_wait3A_168 : memref<1x632x128xf32, #tpu.memory_space<hbm>> -> memref<632x128xf32, #tpu.memory_space<hbm>>
      %dma_wait3A_170 = arith.constant 0 : i32
      %dma_wait3A_171 = tpu.memref_slice %arg8[%mul3A_2, %dma_wait3A_170] : memref<10112x128xf32, #tpu.memory_space<vmem_shared>> -> memref<632x128xf32, #tpu.memory_space<vmem_shared>>
      tpu.wait_dma2 semaphore(%run_scoped3A : memref<!tpu.dma_semaphore, #tpu.memory_space<semaphore_mem>>) src(%dma_wait3A_171 : memref<632x128xf32, #tpu.memory_space<vmem_shared>>) dst(%dma_wait3A_169 : memref<632x128xf32, #tpu.memory_space<hbm>>)
      tpu.yield
    }) : () -> ()
    return
  }
}

module attributes {stable_mosaic.version = 14 : i64} {
  func.func @_mm_kern(%arg0: i32, %arg1: memref<1000x128xf32, #tpu.memory_space<vmem>>, %arg2: memref<128x128xf32, #tpu.memory_space<vmem>>, %arg3: memref<1x128xf32, #tpu.memory_space<vmem>>, %arg4: memref<1000x128xf32, #tpu.memory_space<vmem>>) attributes {dimension_semantics = [#tpu.dimension_semantics<parallel>], iteration_bounds = array<i64: 10>, scalar_prefetch = 0 : i64, scratch_operands = 0 : i64, tpu.core_type = #tpu.core_type<tc>, window_params = [{transform_indices = @transform_0, window_bounds = array<i64: 1000, 128>}, {pipeline_mode = #tpu.pipeline_mode<synchronous>, transform_indices = @transform_1, window_bounds = array<i64: 128, 128>}, {pipeline_mode = #tpu.pipeline_mode<synchronous>, transform_indices = @transform_2, window_bounds = array<i64: 1, 128>}, {transform_indices = @transform_3, window_bounds = array<i64: 1000, 128>}]} {
    %get3A = arith.constant 0 : index
    %get3A_0 = arith.constant 0 : index
    %get3A_1 = vector.load %arg1[%get3A, %get3A_0] : memref<1000x128xf32, #tpu.memory_space<vmem>>, vector<1000x128xf32>
    %get3A_2 = arith.constant 0 : index
    %get3A_3 = arith.constant 0 : index
    %get3A_4 = vector.load %arg2[%get3A_2, %get3A_3] : memref<128x128xf32, #tpu.memory_space<vmem>>, vector<128x128xf32>
    %dot_general3A = arith.constant dense<0.000000e+00> : vector<1000x128xf32>
    %dot_general3A_5 = tpu.matmul %get3A_1, %get3A_4, %dot_general3A {dimension_numbers = #tpu.dot_dimension_numbers<[1], [0], [0], [1], [0, 0, 1, 1], [], []>, transpose_lhs_hint = false} : vector<1000x128xf32>, vector<128x128xf32>, vector<1000x128xf32> -> vector<1000x128xf32>
    %get3A_6 = arith.constant 0 : index
    %get3A_7 = arith.constant 0 : index
    %get3A_8 = vector.load %arg3[%get3A_6, %get3A_7] : memref<1x128xf32, #tpu.memory_space<vmem>>, vector<1x128xf32>
    %add3A = vector.broadcast %get3A_8 : vector<1x128xf32> to vector<1000x128xf32>
    %add3A_9 = arith.addf %dot_general3A_5, %add3A : vector<1000x128xf32>
    %swap3A = arith.constant 0 : index
    %swap3A_10 = arith.constant 0 : index
    %swap3A_11 = vector.load %arg4[%swap3A, %swap3A_10] : memref<1000x128xf32, #tpu.memory_space<vmem>>, vector<1000x128xf32>
    tpu.vector_store %arg4[%swap3A, %swap3A_10], %add3A_9 {strides = array<i32>} : memref<1000x128xf32, #tpu.memory_space<vmem>>, vector<1000x128xf32>,
    return
  }
  func.func @transform_0(%arg0: i32) -> (i32, i32) {
    %c0_i32 = arith.constant 0 : i32
    %c0_i32_0 = arith.constant 0 : i32
    return %arg0, %c0_i32 : i32, i32
  }
  func.func @transform_1(%arg0: i32) -> (i32, i32) {
    %c0_i32 = arith.constant 0 : i32
    %c0_i32_0 = arith.constant 0 : i32
    %c0_i32_1 = arith.constant 0 : i32
    return %c0_i32, %c0_i32_0 : i32, i32
  }
  func.func @transform_2(%arg0: i32) -> (i32, i32) {
    %c0_i32 = arith.constant 0 : i32
    %c0_i32_0 = arith.constant 0 : i32
    %c0_i32_1 = arith.constant 0 : i32
    return %c0_i32, %c0_i32_0 : i32, i32
  }
  func.func @transform_3(%arg0: i32) -> (i32, i32) {
    %c0_i32 = arith.constant 0 : i32
    %c0_i32_0 = arith.constant 0 : i32
    return %arg0, %c0_i32 : i32, i32
  }
}

module attributes {stable_mosaic.version = 14 : i64} {
  func.func @_mm_kern(%arg0: i32, %arg1: memref<1000x128xf32, #tpu.memory_space<vmem>>, %arg2: memref<128x64xf32, #tpu.memory_space<vmem>>, %arg3: memref<1x64xf32, #tpu.memory_space<vmem>>, %arg4: memref<1000x64xf32, #tpu.memory_space<vmem>>) attributes {dimension_semantics = [#tpu.dimension_semantics<parallel>], iteration_bounds = array<i64: 10>, scalar_prefetch = 0 : i64, scratch_operands = 0 : i64, tpu.core_type = #tpu.core_type<tc>, window_params = [{transform_indices = @transform_0, window_bounds = array<i64: 1000, 128>}, {pipeline_mode = #tpu.pipeline_mode<synchronous>, transform_indices = @transform_1, window_bounds = array<i64: 128, 64>}, {pipeline_mode = #tpu.pipeline_mode<synchronous>, transform_indices = @transform_2, window_bounds = array<i64: 1, 64>}, {transform_indices = @transform_3, window_bounds = array<i64: 1000, 64>}]} {
    %get3A = arith.constant 0 : index
    %get3A_0 = arith.constant 0 : index
    %get3A_1 = vector.load %arg1[%get3A, %get3A_0] : memref<1000x128xf32, #tpu.memory_space<vmem>>, vector<1000x128xf32>
    %get3A_2 = arith.constant 0 : index
    %get3A_3 = arith.constant 0 : index
    %get3A_4 = vector.load %arg2[%get3A_2, %get3A_3] : memref<128x64xf32, #tpu.memory_space<vmem>>, vector<128x64xf32>
    %dot_general3A = arith.constant dense<0.000000e+00> : vector<1000x64xf32>
    %dot_general3A_5 = tpu.matmul %get3A_1, %get3A_4, %dot_general3A {dimension_numbers = #tpu.dot_dimension_numbers<[1], [0], [0], [1], [0, 0, 1, 1], [], []>, transpose_lhs_hint = false} : vector<1000x128xf32>, vector<128x64xf32>, vector<1000x64xf32> -> vector<1000x64xf32>
    %get3A_6 = arith.constant 0 : index
    %get3A_7 = arith.constant 0 : index
    %get3A_8 = vector.load %arg3[%get3A_6, %get3A_7] : memref<1x64xf32, #tpu.memory_space<vmem>>, vector<1x64xf32>
    %add3A = vector.broadcast %get3A_8 : vector<1x64xf32> to vector<1000x64xf32>
    %add3A_9 = arith.addf %dot_general3A_5, %add3A : vector<1000x64xf32>
    %swap3A = arith.constant 0 : index
    %swap3A_10 = arith.constant 0 : index
    %swap3A_11 = vector.load %arg4[%swap3A, %swap3A_10] : memref<1000x64xf32, #tpu.memory_space<vmem>>, vector<1000x64xf32>
    tpu.vector_store %arg4[%swap3A, %swap3A_10], %add3A_9 {strides = array<i32>} : memref<1000x64xf32, #tpu.memory_space<vmem>>, vector<1000x64xf32>,
    return
  }
  func.func @transform_0(%arg0: i32) -> (i32, i32) {
    %c0_i32 = arith.constant 0 : i32
    %c0_i32_0 = arith.constant 0 : i32
    return %arg0, %c0_i32 : i32, i32
  }
  func.func @transform_1(%arg0: i32) -> (i32, i32) {
    %c0_i32 = arith.constant 0 : i32
    %c0_i32_0 = arith.constant 0 : i32
    %c0_i32_1 = arith.constant 0 : i32
    return %c0_i32, %c0_i32_0 : i32, i32
  }
  func.func @transform_2(%arg0: i32) -> (i32, i32) {
    %c0_i32 = arith.constant 0 : i32
    %c0_i32_0 = arith.constant 0 : i32
    %c0_i32_1 = arith.constant 0 : i32
    return %c0_i32, %c0_i32_0 : i32, i32
  }
  func.func @transform_3(%arg0: i32) -> (i32, i32) {
    %c0_i32 = arith.constant 0 : i32
    %c0_i32_0 = arith.constant 0 : i32
    return %arg0, %c0_i32 : i32, i32
  }
}

module attributes {stable_mosaic.version = 14 : i64} {
  func.func @_mm_kern(%arg0: i32, %arg1: memref<200x10000xf32, #tpu.memory_space<vmem>>, %arg2: memref<10000x64xf32, #tpu.memory_space<vmem>>, %arg3: memref<1x64xf32, #tpu.memory_space<vmem>>, %arg4: memref<200x64xf32, #tpu.memory_space<vmem>>) attributes {dimension_semantics = [#tpu.dimension_semantics<parallel>], iteration_bounds = array<i64: 50>, scalar_prefetch = 0 : i64, scratch_operands = 0 : i64, tpu.core_type = #tpu.core_type<tc>, window_params = [{transform_indices = @transform_0, window_bounds = array<i64: 200, 10000>}, {pipeline_mode = #tpu.pipeline_mode<synchronous>, transform_indices = @transform_1, window_bounds = array<i64: 10000, 64>}, {pipeline_mode = #tpu.pipeline_mode<synchronous>, transform_indices = @transform_2, window_bounds = array<i64: 1, 64>}, {transform_indices = @transform_3, window_bounds = array<i64: 200, 64>}]} {
    %get3A = arith.constant 0 : index
    %get3A_0 = arith.constant 0 : index
    %get3A_1 = vector.load %arg1[%get3A, %get3A_0] : memref<200x10000xf32, #tpu.memory_space<vmem>>, vector<200x10000xf32>
    %get3A_2 = arith.constant 0 : index
    %get3A_3 = arith.constant 0 : index
    %get3A_4 = vector.load %arg2[%get3A_2, %get3A_3] : memref<10000x64xf32, #tpu.memory_space<vmem>>, vector<10000x64xf32>
    %dot_general3A = arith.constant dense<0.000000e+00> : vector<200x64xf32>
    %dot_general3A_5 = tpu.matmul %get3A_1, %get3A_4, %dot_general3A {dimension_numbers = #tpu.dot_dimension_numbers<[1], [0], [0], [1], [0, 0, 1, 1], [], []>, transpose_lhs_hint = false} : vector<200x10000xf32>, vector<10000x64xf32>, vector<200x64xf32> -> vector<200x64xf32>
    %get3A_6 = arith.constant 0 : index
    %get3A_7 = arith.constant 0 : index
    %get3A_8 = vector.load %arg3[%get3A_6, %get3A_7] : memref<1x64xf32, #tpu.memory_space<vmem>>, vector<1x64xf32>
    %add3A = vector.broadcast %get3A_8 : vector<1x64xf32> to vector<200x64xf32>
    %add3A_9 = arith.addf %dot_general3A_5, %add3A : vector<200x64xf32>
    %max3A = arith.constant 0.000000e+00 : f32
    %max3A_10 = vector.broadcast %max3A : f32 to vector<200x64xf32>
    %max3A_11 = arith.maximumf %add3A_9, %max3A_10 : vector<200x64xf32>
    %swap3A = arith.constant 0 : index
    %swap3A_12 = arith.constant 0 : index
    %swap3A_13 = vector.load %arg4[%swap3A, %swap3A_12] : memref<200x64xf32, #tpu.memory_space<vmem>>, vector<200x64xf32>
    tpu.vector_store %arg4[%swap3A, %swap3A_12], %max3A_11 {strides = array<i32>} : memref<200x64xf32, #tpu.memory_space<vmem>>, vector<200x64xf32>,
    return
  }
  func.func @transform_0(%arg0: i32) -> (i32, i32) {
    %c0_i32 = arith.constant 0 : i32
    %c0_i32_0 = arith.constant 0 : i32
    return %arg0, %c0_i32 : i32, i32
  }
  func.func @transform_1(%arg0: i32) -> (i32, i32) {
    %c0_i32 = arith.constant 0 : i32
    %c0_i32_0 = arith.constant 0 : i32
    %c0_i32_1 = arith.constant 0 : i32
    return %c0_i32, %c0_i32_0 : i32, i32
  }
  func.func @transform_2(%arg0: i32) -> (i32, i32) {
    %c0_i32 = arith.constant 0 : i32
    %c0_i32_0 = arith.constant 0 : i32
    %c0_i32_1 = arith.constant 0 : i32
    return %c0_i32, %c0_i32_0 : i32, i32
  }
  func.func @transform_3(%arg0: i32) -> (i32, i32) {
    %c0_i32 = arith.constant 0 : i32
    %c0_i32_0 = arith.constant 0 : i32
    return %arg0, %c0_i32 : i32, i32
  }
}

module attributes {stable_mosaic.version = 14 : i64} {
  func.func @_mm_kern(%arg0: i32, %arg1: memref<1000x64xf32, #tpu.memory_space<vmem>>, %arg2: memref<64x64xf32, #tpu.memory_space<vmem>>, %arg3: memref<1x64xf32, #tpu.memory_space<vmem>>, %arg4: memref<1000x64xf32, #tpu.memory_space<vmem>>) attributes {dimension_semantics = [#tpu.dimension_semantics<parallel>], iteration_bounds = array<i64: 10>, scalar_prefetch = 0 : i64, scratch_operands = 0 : i64, tpu.core_type = #tpu.core_type<tc>, window_params = [{transform_indices = @transform_0, window_bounds = array<i64: 1000, 64>}, {pipeline_mode = #tpu.pipeline_mode<synchronous>, transform_indices = @transform_1, window_bounds = array<i64: 64, 64>}, {pipeline_mode = #tpu.pipeline_mode<synchronous>, transform_indices = @transform_2, window_bounds = array<i64: 1, 64>}, {transform_indices = @transform_3, window_bounds = array<i64: 1000, 64>}]} {
    %get3A = arith.constant 0 : index
    %get3A_0 = arith.constant 0 : index
    %get3A_1 = vector.load %arg1[%get3A, %get3A_0] : memref<1000x64xf32, #tpu.memory_space<vmem>>, vector<1000x64xf32>
    %get3A_2 = arith.constant 0 : index
    %get3A_3 = arith.constant 0 : index
    %get3A_4 = vector.load %arg2[%get3A_2, %get3A_3] : memref<64x64xf32, #tpu.memory_space<vmem>>, vector<64x64xf32>
    %dot_general3A = arith.constant dense<0.000000e+00> : vector<1000x64xf32>
    %dot_general3A_5 = tpu.matmul %get3A_1, %get3A_4, %dot_general3A {dimension_numbers = #tpu.dot_dimension_numbers<[1], [0], [0], [1], [0, 0, 1, 1], [], []>, transpose_lhs_hint = false} : vector<1000x64xf32>, vector<64x64xf32>, vector<1000x64xf32> -> vector<1000x64xf32>
    %get3A_6 = arith.constant 0 : index
    %get3A_7 = arith.constant 0 : index
    %get3A_8 = vector.load %arg3[%get3A_6, %get3A_7] : memref<1x64xf32, #tpu.memory_space<vmem>>, vector<1x64xf32>
    %add3A = vector.broadcast %get3A_8 : vector<1x64xf32> to vector<1000x64xf32>
    %add3A_9 = arith.addf %dot_general3A_5, %add3A : vector<1000x64xf32>
    %swap3A = arith.constant 0 : index
    %swap3A_10 = arith.constant 0 : index
    %swap3A_11 = vector.load %arg4[%swap3A, %swap3A_10] : memref<1000x64xf32, #tpu.memory_space<vmem>>, vector<1000x64xf32>
    tpu.vector_store %arg4[%swap3A, %swap3A_10], %add3A_9 {strides = array<i32>} : memref<1000x64xf32, #tpu.memory_space<vmem>>, vector<1000x64xf32>,
    return
  }
  func.func @transform_0(%arg0: i32) -> (i32, i32) {
    %c0_i32 = arith.constant 0 : i32
    %c0_i32_0 = arith.constant 0 : i32
    return %arg0, %c0_i32 : i32, i32
  }
  func.func @transform_1(%arg0: i32) -> (i32, i32) {
    %c0_i32 = arith.constant 0 : i32
    %c0_i32_0 = arith.constant 0 : i32
    %c0_i32_1 = arith.constant 0 : i32
    return %c0_i32, %c0_i32_0 : i32, i32
  }
  func.func @transform_2(%arg0: i32) -> (i32, i32) {
    %c0_i32 = arith.constant 0 : i32
    %c0_i32_0 = arith.constant 0 : i32
    %c0_i32_1 = arith.constant 0 : i32
    return %c0_i32, %c0_i32_0 : i32, i32
  }
  func.func @transform_3(%arg0: i32) -> (i32, i32) {
    %c0_i32 = arith.constant 0 : i32
    %c0_i32_0 = arith.constant 0 : i32
    return %arg0, %c0_i32 : i32, i32
  }
}

module attributes {stable_mosaic.version = 14 : i64} {
  func.func @_gen_kern(%arg0: i32, %arg1: memref<400x64xf32, #tpu.memory_space<vmem>>, %arg2: memref<400x64xf32, #tpu.memory_space<vmem>>, %arg3: memref<64x256xf32, #tpu.memory_space<vmem>>, %arg4: memref<1x256xf32, #tpu.memory_space<vmem>>, %arg5: memref<256x2048xf32, #tpu.memory_space<vmem>>, %arg6: memref<1x2048xf32, #tpu.memory_space<vmem>>, %arg7: memref<2048x640xf32, #tpu.memory_space<vmem>>, %arg8: memref<1x640xf32, #tpu.memory_space<vmem>>, %arg9: memref<64x1xf32, #tpu.memory_space<vmem>>, %arg10: memref<1x1xf32, #tpu.memory_space<vmem>>, %arg11: memref<400x640xf32, #tpu.memory_space<vmem>>, %arg12: memref<400x1xf32, #tpu.memory_space<vmem>>, %arg13: memref<400x256xf32, #tpu.memory_space<vmem>>, %arg14: memref<400x2048xf32, #tpu.memory_space<vmem>>) attributes {dimension_semantics = [#tpu.dimension_semantics<parallel>], iteration_bounds = array<i64: 25>, scalar_prefetch = 0 : i64, scratch_operands = 2 : i64, tpu.core_type = #tpu.core_type<tc>, window_params = [{transform_indices = @transform_0, window_bounds = array<i64: 400, 64>}, {transform_indices = @transform_1, window_bounds = array<i64: 400, 64>}, {pipeline_mode = #tpu.pipeline_mode<synchronous>, transform_indices = @transform_2, window_bounds = array<i64: 64, 256>}, {pipeline_mode = #tpu.pipeline_mode<synchronous>, transform_indices = @transform_3, window_bounds = array<i64: 1, 256>}, {pipeline_mode = #tpu.pipeline_mode<synchronous>, transform_indices = @transform_4, window_bounds = array<i64: 256, 2048>}, {pipeline_mode = #tpu.pipeline_mode<synchronous>, transform_indices = @transform_5, window_bounds = array<i64: 1, 2048>}, {pipeline_mode = #tpu.pipeline_mode<synchronous>, transform_indices = @transform_6, window_bounds = array<i64: 2048, 640>}, {pipeline_mode = #tpu.pipeline_mode<synchronous>, transform_indices = @transform_7, window_bounds = array<i64: 1, 640>}, {pipeline_mode = #tpu.pipeline_mode<synchronous>, transform_indices = @transform_8, window_bounds = array<i64: 64, 1>}, {pipeline_mode = #tpu.pipeline_mode<synchronous>, transform_indices = @transform_9, window_bounds = array<i64: 1, 1>}, {transform_indices = @transform_10, window_bounds = array<i64: 400, 640>}, {transform_indices = @transform_11, window_bounds = array<i64: 400, 1>}]} {
    %get3A = arith.constant 0 : index
    %get3A_0 = arith.constant 0 : index
    %get3A_1 = vector.load %arg1[%get3A, %get3A_0] : memref<400x64xf32, #tpu.memory_space<vmem>>, vector<400x64xf32>
    %get3A_2 = arith.constant 0 : index
    %get3A_3 = arith.constant 0 : index
    %get3A_4 = vector.load %arg9[%get3A_2, %get3A_3] : memref<64x1xf32, #tpu.memory_space<vmem>>, vector<64x1xf32>
    %dot_general3A = arith.constant dense<0.000000e+00> : vector<400x1xf32>
    %dot_general3A_5 = tpu.matmul %get3A_1, %get3A_4, %dot_general3A {dimension_numbers = #tpu.dot_dimension_numbers<[1], [0], [0], [1], [0, 0, 1, 1], [], []>, transpose_lhs_hint = false} : vector<400x64xf32>, vector<64x1xf32>, vector<400x1xf32> -> vector<400x1xf32>
    %get3A_6 = arith.constant 0 : index
    %get3A_7 = arith.constant 0 : index
    %get3A_8 = vector.load %arg10[%get3A_6, %get3A_7] : memref<1x1xf32, #tpu.memory_space<vmem>>, vector<1x1xf32>
    %get3A_9 = vector.extract %get3A_8[0, 0] : f32 from vector<1x1xf32>
    %add3A = vector.broadcast %get3A_9 : f32 to vector<400x1xf32>
    %add3A_10 = arith.addf %dot_general3A_5, %add3A : vector<400x1xf32>
    %max3A = arith.constant 0.000000e+00 : f32
    %max3A_11 = vector.broadcast %max3A : f32 to vector<400x1xf32>
    %max3A_12 = arith.maximumf %add3A_10, %max3A_11 : vector<400x1xf32>
    %swap3A = arith.constant 0 : index
    %swap3A_13 = arith.constant 0 : index
    %swap3A_14 = vector.load %arg12[%swap3A, %swap3A_13] : memref<400x1xf32, #tpu.memory_space<vmem>>, vector<400x1xf32>
    tpu.vector_store %arg12[%swap3A, %swap3A_13], %max3A_12 {strides = array<i32>} : memref<400x1xf32, #tpu.memory_space<vmem>>, vector<400x1xf32>,
    %get3A_15 = arith.constant 0 : index
    %get3A_16 = arith.constant 0 : index
    %get3A_17 = vector.load %arg2[%get3A_15, %get3A_16] : memref<400x64xf32, #tpu.memory_space<vmem>>, vector<400x64xf32>
    %add3A_18 = arith.addf %get3A_1, %get3A_17 : vector<400x64xf32>
    %get3A_19 = arith.constant 0 : index
    %get3A_20 = arith.constant 0 : index
    %get3A_21 = vector.load %arg3[%get3A_19, %get3A_20] : memref<64x256xf32, #tpu.memory_space<vmem>>, vector<64x256xf32>
    %dot_general3A_22 = arith.constant dense<0.000000e+00> : vector<400x256xf32>
    %dot_general3A_23 = tpu.matmul %add3A_18, %get3A_21, %dot_general3A_22 {dimension_numbers = #tpu.dot_dimension_numbers<[1], [0], [0], [1], [0, 0, 1, 1], [], []>, transpose_lhs_hint = false} : vector<400x64xf32>, vector<64x256xf32>, vector<400x256xf32> -> vector<400x256xf32>
    %get3A_24 = arith.constant 0 : index
    %get3A_25 = arith.constant 0 : index
    %get3A_26 = vector.load %arg4[%get3A_24, %get3A_25] : memref<1x256xf32, #tpu.memory_space<vmem>>, vector<1x256xf32>
    %add3A_27 = vector.broadcast %get3A_26 : vector<1x256xf32> to vector<400x256xf32>
    %add3A_28 = arith.addf %dot_general3A_23, %add3A_27 : vector<400x256xf32>
    %max3A_29 = arith.constant 0.000000e+00 : f32
    %max3A_30 = vector.broadcast %max3A_29 : f32 to vector<400x256xf32>
    %max3A_31 = arith.maximumf %add3A_28, %max3A_30 : vector<400x256xf32>
    %swap3A_32 = arith.constant 0 : index
    %swap3A_33 = arith.constant 0 : index
    %swap3A_34 = vector.load %arg13[%swap3A_32, %swap3A_33] : memref<400x256xf32, #tpu.memory_space<vmem>>, vector<400x256xf32>
    tpu.vector_store %arg13[%swap3A_32, %swap3A_33], %max3A_31 {strides = array<i32>} : memref<400x256xf32, #tpu.memory_space<vmem>>, vector<400x256xf32>,
    %get3A_35 = arith.constant 0 : index
    %get3A_36 = arith.constant 0 : index
    %get3A_37 = vector.load %arg13[%get3A_35, %get3A_36] : memref<400x256xf32, #tpu.memory_space<vmem>>, vector<400x256xf32>
    %get3A_38 = arith.constant 0 : index
    %get3A_39 = arith.constant 0 : index
    %get3A_40 = vector.load %arg5[%get3A_38, %get3A_39] : memref<256x2048xf32, #tpu.memory_space<vmem>>, vector<256x2048xf32>
    %dot_general3A_41 = arith.constant dense<0.000000e+00> : vector<400x2048xf32>
    %dot_general3A_42 = tpu.matmul %get3A_37, %get3A_40, %dot_general3A_41 {dimension_numbers = #tpu.dot_dimension_numbers<[1], [0], [0], [1], [0, 0, 1, 1], [], []>, transpose_lhs_hint = false} : vector<400x256xf32>, vector<256x2048xf32>, vector<400x2048xf32> -> vector<400x2048xf32>
    %get3A_43 = arith.constant 0 : index
    %get3A_44 = arith.constant 0 : index
    %get3A_45 = vector.load %arg6[%get3A_43, %get3A_44] : memref<1x2048xf32, #tpu.memory_space<vmem>>, vector<1x2048xf32>
    %add3A_46 = vector.broadcast %get3A_45 : vector<1x2048xf32> to vector<400x2048xf32>
    %add3A_47 = arith.addf %dot_general3A_42, %add3A_46 : vector<400x2048xf32>
    %max3A_48 = arith.constant 0.000000e+00 : f32
    %max3A_49 = vector.broadcast %max3A_48 : f32 to vector<400x2048xf32>
    %max3A_50 = arith.maximumf %add3A_47, %max3A_49 : vector<400x2048xf32>
    %swap3A_51 = arith.constant 0 : index
    %swap3A_52 = arith.constant 0 : index
    %swap3A_53 = vector.load %arg14[%swap3A_51, %swap3A_52] : memref<400x2048xf32, #tpu.memory_space<vmem>>, vector<400x2048xf32>
    tpu.vector_store %arg14[%swap3A_51, %swap3A_52], %max3A_50 {strides = array<i32>} : memref<400x2048xf32, #tpu.memory_space<vmem>>, vector<400x2048xf32>,
    %get3A_54 = arith.constant 0 : index
    %get3A_55 = arith.constant 0 : index
    %get3A_56 = vector.load %arg14[%get3A_54, %get3A_55] : memref<400x2048xf32, #tpu.memory_space<vmem>>, vector<400x2048xf32>
    %get3A_57 = arith.constant 0 : index
    %get3A_58 = arith.constant 0 : index
    %get3A_59 = vector.load %arg7[%get3A_57, %get3A_58] : memref<2048x640xf32, #tpu.memory_space<vmem>>, vector<2048x640xf32>
    %dot_general3A_60 = arith.constant dense<0.000000e+00> : vector<400x640xf32>
    %dot_general3A_61 = tpu.matmul %get3A_56, %get3A_59, %dot_general3A_60 {dimension_numbers = #tpu.dot_dimension_numbers<[1], [0], [0], [1], [0, 0, 1, 1], [], []>, transpose_lhs_hint = false} : vector<400x2048xf32>, vector<2048x640xf32>, vector<400x640xf32> -> vector<400x640xf32>
    %get3A_62 = arith.constant 0 : index
    %get3A_63 = arith.constant 0 : index
    %get3A_64 = vector.load %arg8[%get3A_62, %get3A_63] : memref<1x640xf32, #tpu.memory_space<vmem>>, vector<1x640xf32>
    %add3A_65 = vector.broadcast %get3A_64 : vector<1x640xf32> to vector<400x640xf32>
    %add3A_66 = arith.addf %dot_general3A_61, %add3A_65 : vector<400x640xf32>
    %tanh3A = math.tanh %add3A_66 : vector<400x640xf32>
    %swap3A_67 = arith.constant 0 : index
    %swap3A_68 = arith.constant 0 : index
    %swap3A_69 = vector.load %arg11[%swap3A_67, %swap3A_68] : memref<400x640xf32, #tpu.memory_space<vmem>>, vector<400x640xf32>
    tpu.vector_store %arg11[%swap3A_67, %swap3A_68], %tanh3A {strides = array<i32>} : memref<400x640xf32, #tpu.memory_space<vmem>>, vector<400x640xf32>,
    return
  }
  func.func @transform_0(%arg0: i32) -> (i32, i32) {
    %c0_i32 = arith.constant 0 : i32
    %c0_i32_0 = arith.constant 0 : i32
    return %arg0, %c0_i32 : i32, i32
  }
  func.func @transform_1(%arg0: i32) -> (i32, i32) {
    %c0_i32 = arith.constant 0 : i32
    %c0_i32_0 = arith.constant 0 : i32
    return %arg0, %c0_i32 : i32, i32
  }
  func.func @transform_2(%arg0: i32) -> (i32, i32) {
    %c0_i32 = arith.constant 0 : i32
    %c0_i32_0 = arith.constant 0 : i32
    %c0_i32_1 = arith.constant 0 : i32
    return %c0_i32, %c0_i32_0 : i32, i32
  }
  func.func @transform_3(%arg0: i32) -> (i32, i32) {
    %c0_i32 = arith.constant 0 : i32
    %c0_i32_0 = arith.constant 0 : i32
    %c0_i32_1 = arith.constant 0 : i32
    return %c0_i32, %c0_i32_0 : i32, i32
  }
  func.func @transform_4(%arg0: i32) -> (i32, i32) {
    %c0_i32 = arith.constant 0 : i32
    %c0_i32_0 = arith.constant 0 : i32
    %c0_i32_1 = arith.constant 0 : i32
    return %c0_i32, %c0_i32_0 : i32, i32
  }
  func.func @transform_5(%arg0: i32) -> (i32, i32) {
    %c0_i32 = arith.constant 0 : i32
    %c0_i32_0 = arith.constant 0 : i32
    %c0_i32_1 = arith.constant 0 : i32
    return %c0_i32, %c0_i32_0 : i32, i32
  }
  func.func @transform_6(%arg0: i32) -> (i32, i32) {
    %c0_i32 = arith.constant 0 : i32
    %c0_i32_0 = arith.constant 0 : i32
    %c0_i32_1 = arith.constant 0 : i32
    return %c0_i32, %c0_i32_0 : i32, i32
  }
  func.func @transform_7(%arg0: i32) -> (i32, i32) {
    %c0_i32 = arith.constant 0 : i32
    %c0_i32_0 = arith.constant 0 : i32
    %c0_i32_1 = arith.constant 0 : i32
    return %c0_i32, %c0_i32_0 : i32, i32
  }
  func.func @transform_8(%arg0: i32) -> (i32, i32) {
    %c0_i32 = arith.constant 0 : i32
    %c0_i32_0 = arith.constant 0 : i32
    %c0_i32_1 = arith.constant 0 : i32
    return %c0_i32, %c0_i32_0 : i32, i32
  }
  func.func @transform_9(%arg0: i32) -> (i32, i32) {
    %c0_i32 = arith.constant 0 : i32
    %c0_i32_0 = arith.constant 0 : i32
    %c0_i32_1 = arith.constant 0 : i32
    return %c0_i32, %c0_i32_0 : i32, i32
  }
  func.func @transform_10(%arg0: i32) -> (i32, i32) {
    %c0_i32 = arith.constant 0 : i32
    %c0_i32_0 = arith.constant 0 : i32
    return %arg0, %c0_i32 : i32, i32
  }
  func.func @transform_11(%arg0: i32) -> (i32, i32) {
    %c0_i32 = arith.constant 0 : i32
    %c0_i32_0 = arith.constant 0 : i32
    return %arg0, %c0_i32 : i32, i32
  }
}

module attributes {stable_mosaic.version = 14 : i64} {
  func.func @_mm_kern(%arg0: i32, %arg1: memref<1000x128xf32, #tpu.memory_space<vmem>>, %arg2: memref<128x64xf32, #tpu.memory_space<vmem>>, %arg3: memref<1x64xf32, #tpu.memory_space<vmem>>, %arg4: memref<1000x64xf32, #tpu.memory_space<vmem>>) attributes {dimension_semantics = [#tpu.dimension_semantics<parallel>], iteration_bounds = array<i64: 50>, scalar_prefetch = 0 : i64, scratch_operands = 0 : i64, tpu.core_type = #tpu.core_type<tc>, window_params = [{transform_indices = @transform_0, window_bounds = array<i64: 1000, 128>}, {pipeline_mode = #tpu.pipeline_mode<synchronous>, transform_indices = @transform_1, window_bounds = array<i64: 128, 64>}, {pipeline_mode = #tpu.pipeline_mode<synchronous>, transform_indices = @transform_2, window_bounds = array<i64: 1, 64>}, {transform_indices = @transform_3, window_bounds = array<i64: 1000, 64>}]} {
    %get3A = arith.constant 0 : index
    %get3A_0 = arith.constant 0 : index
    %get3A_1 = vector.load %arg1[%get3A, %get3A_0] : memref<1000x128xf32, #tpu.memory_space<vmem>>, vector<1000x128xf32>
    %get3A_2 = arith.constant 0 : index
    %get3A_3 = arith.constant 0 : index
    %get3A_4 = vector.load %arg2[%get3A_2, %get3A_3] : memref<128x64xf32, #tpu.memory_space<vmem>>, vector<128x64xf32>
    %dot_general3A = arith.constant dense<0.000000e+00> : vector<1000x64xf32>
    %dot_general3A_5 = tpu.matmul %get3A_1, %get3A_4, %dot_general3A {dimension_numbers = #tpu.dot_dimension_numbers<[1], [0], [0], [1], [0, 0, 1, 1], [], []>, transpose_lhs_hint = false} : vector<1000x128xf32>, vector<128x64xf32>, vector<1000x64xf32> -> vector<1000x64xf32>
    %get3A_6 = arith.constant 0 : index
    %get3A_7 = arith.constant 0 : index
    %get3A_8 = vector.load %arg3[%get3A_6, %get3A_7] : memref<1x64xf32, #tpu.memory_space<vmem>>, vector<1x64xf32>
    %add3A = vector.broadcast %get3A_8 : vector<1x64xf32> to vector<1000x64xf32>
    %add3A_9 = arith.addf %dot_general3A_5, %add3A : vector<1000x64xf32>
    %swap3A = arith.constant 0 : index
    %swap3A_10 = arith.constant 0 : index
    %swap3A_11 = vector.load %arg4[%swap3A, %swap3A_10] : memref<1000x64xf32, #tpu.memory_space<vmem>>, vector<1000x64xf32>
    tpu.vector_store %arg4[%swap3A, %swap3A_10], %add3A_9 {strides = array<i32>} : memref<1000x64xf32, #tpu.memory_space<vmem>>, vector<1000x64xf32>,
    return
  }
  func.func @transform_0(%arg0: i32) -> (i32, i32) {
    %c0_i32 = arith.constant 0 : i32
    %c0_i32_0 = arith.constant 0 : i32
    return %arg0, %c0_i32 : i32, i32
  }
  func.func @transform_1(%arg0: i32) -> (i32, i32) {
    %c0_i32 = arith.constant 0 : i32
    %c0_i32_0 = arith.constant 0 : i32
    %c0_i32_1 = arith.constant 0 : i32
    return %c0_i32, %c0_i32_0 : i32, i32
  }
  func.func @transform_2(%arg0: i32) -> (i32, i32) {
    %c0_i32 = arith.constant 0 : i32
    %c0_i32_0 = arith.constant 0 : i32
    %c0_i32_1 = arith.constant 0 : i32
    return %c0_i32, %c0_i32_0 : i32, i32
  }
  func.func @transform_3(%arg0: i32) -> (i32, i32) {
    %c0_i32 = arith.constant 0 : i32
    %c0_i32_0 = arith.constant 0 : i32
    return %arg0, %c0_i32 : i32, i32
  }
}

module attributes {stable_mosaic.version = 14 : i64} {
  func.func @_mm_kern(%arg0: i32, %arg1: memref<1000x64xf32, #tpu.memory_space<vmem>>, %arg2: memref<64x128xf32, #tpu.memory_space<vmem>>, %arg3: memref<1x128xf32, #tpu.memory_space<vmem>>, %arg4: memref<1000x128xf32, #tpu.memory_space<vmem>>) attributes {dimension_semantics = [#tpu.dimension_semantics<parallel>], iteration_bounds = array<i64: 10>, scalar_prefetch = 0 : i64, scratch_operands = 0 : i64, tpu.core_type = #tpu.core_type<tc>, window_params = [{transform_indices = @transform_0, window_bounds = array<i64: 1000, 64>}, {pipeline_mode = #tpu.pipeline_mode<synchronous>, transform_indices = @transform_1, window_bounds = array<i64: 64, 128>}, {pipeline_mode = #tpu.pipeline_mode<synchronous>, transform_indices = @transform_2, window_bounds = array<i64: 1, 128>}, {transform_indices = @transform_3, window_bounds = array<i64: 1000, 128>}]} {
    %get3A = arith.constant 0 : index
    %get3A_0 = arith.constant 0 : index
    %get3A_1 = vector.load %arg1[%get3A, %get3A_0] : memref<1000x64xf32, #tpu.memory_space<vmem>>, vector<1000x64xf32>
    %get3A_2 = arith.constant 0 : index
    %get3A_3 = arith.constant 0 : index
    %get3A_4 = vector.load %arg2[%get3A_2, %get3A_3] : memref<64x128xf32, #tpu.memory_space<vmem>>, vector<64x128xf32>
    %dot_general3A = arith.constant dense<0.000000e+00> : vector<1000x128xf32>
    %dot_general3A_5 = tpu.matmul %get3A_1, %get3A_4, %dot_general3A {dimension_numbers = #tpu.dot_dimension_numbers<[1], [0], [0], [1], [0, 0, 1, 1], [], []>, transpose_lhs_hint = false} : vector<1000x64xf32>, vector<64x128xf32>, vector<1000x128xf32> -> vector<1000x128xf32>
    %get3A_6 = arith.constant 0 : index
    %get3A_7 = arith.constant 0 : index
    %get3A_8 = vector.load %arg3[%get3A_6, %get3A_7] : memref<1x128xf32, #tpu.memory_space<vmem>>, vector<1x128xf32>
    %add3A = vector.broadcast %get3A_8 : vector<1x128xf32> to vector<1000x128xf32>
    %add3A_9 = arith.addf %dot_general3A_5, %add3A : vector<1000x128xf32>
    %swap3A = arith.constant 0 : index
    %swap3A_10 = arith.constant 0 : index
    %swap3A_11 = vector.load %arg4[%swap3A, %swap3A_10] : memref<1000x128xf32, #tpu.memory_space<vmem>>, vector<1000x128xf32>
    tpu.vector_store %arg4[%swap3A, %swap3A_10], %add3A_9 {strides = array<i32>} : memref<1000x128xf32, #tpu.memory_space<vmem>>, vector<1000x128xf32>,
    return
  }
  func.func @transform_0(%arg0: i32) -> (i32, i32) {
    %c0_i32 = arith.constant 0 : i32
    %c0_i32_0 = arith.constant 0 : i32
    return %arg0, %c0_i32 : i32, i32
  }
  func.func @transform_1(%arg0: i32) -> (i32, i32) {
    %c0_i32 = arith.constant 0 : i32
    %c0_i32_0 = arith.constant 0 : i32
    %c0_i32_1 = arith.constant 0 : i32
    return %c0_i32, %c0_i32_0 : i32, i32
  }
  func.func @transform_2(%arg0: i32) -> (i32, i32) {
    %c0_i32 = arith.constant 0 : i32
    %c0_i32_0 = arith.constant 0 : i32
    %c0_i32_1 = arith.constant 0 : i32
    return %c0_i32, %c0_i32_0 : i32, i32
  }
  func.func @transform_3(%arg0: i32) -> (i32, i32) {
    %c0_i32 = arith.constant 0 : i32
    %c0_i32_0 = arith.constant 0 : i32
    return %arg0, %c0_i32 : i32, i32
  }
}

module attributes {stable_mosaic.version = 14 : i64} {
  func.func @_mm_kern(%arg0: i32, %arg1: memref<1000x64xf32, #tpu.memory_space<vmem>>, %arg2: memref<64x40xf32, #tpu.memory_space<vmem>>, %arg3: memref<1x40xf32, #tpu.memory_space<vmem>>, %arg4: memref<1000x40xf32, #tpu.memory_space<vmem>>) attributes {dimension_semantics = [#tpu.dimension_semantics<parallel>], iteration_bounds = array<i64: 50>, scalar_prefetch = 0 : i64, scratch_operands = 0 : i64, tpu.core_type = #tpu.core_type<tc>, window_params = [{transform_indices = @transform_0, window_bounds = array<i64: 1000, 64>}, {pipeline_mode = #tpu.pipeline_mode<synchronous>, transform_indices = @transform_1, window_bounds = array<i64: 64, 40>}, {pipeline_mode = #tpu.pipeline_mode<synchronous>, transform_indices = @transform_2, window_bounds = array<i64: 1, 40>}, {transform_indices = @transform_3, window_bounds = array<i64: 1000, 40>}]} {
    %get3A = arith.constant 0 : index
    %get3A_0 = arith.constant 0 : index
    %get3A_1 = vector.load %arg1[%get3A, %get3A_0] : memref<1000x64xf32, #tpu.memory_space<vmem>>, vector<1000x64xf32>
    %get3A_2 = arith.constant 0 : index
    %get3A_3 = arith.constant 0 : index
    %get3A_4 = vector.load %arg2[%get3A_2, %get3A_3] : memref<64x40xf32, #tpu.memory_space<vmem>>, vector<64x40xf32>
    %dot_general3A = arith.constant dense<0.000000e+00> : vector<1000x40xf32>
    %dot_general3A_5 = tpu.matmul %get3A_1, %get3A_4, %dot_general3A {dimension_numbers = #tpu.dot_dimension_numbers<[1], [0], [0], [1], [0, 0, 1, 1], [], []>, transpose_lhs_hint = false} : vector<1000x64xf32>, vector<64x40xf32>, vector<1000x40xf32> -> vector<1000x40xf32>
    %get3A_6 = arith.constant 0 : index
    %get3A_7 = arith.constant 0 : index
    %get3A_8 = vector.load %arg3[%get3A_6, %get3A_7] : memref<1x40xf32, #tpu.memory_space<vmem>>, vector<1x40xf32>
    %add3A = vector.broadcast %get3A_8 : vector<1x40xf32> to vector<1000x40xf32>
    %add3A_9 = arith.addf %dot_general3A_5, %add3A : vector<1000x40xf32>
    %swap3A = arith.constant 0 : index
    %swap3A_10 = arith.constant 0 : index
    %swap3A_11 = vector.load %arg4[%swap3A, %swap3A_10] : memref<1000x40xf32, #tpu.memory_space<vmem>>, vector<1000x40xf32>
    tpu.vector_store %arg4[%swap3A, %swap3A_10], %add3A_9 {strides = array<i32>} : memref<1000x40xf32, #tpu.memory_space<vmem>>, vector<1000x40xf32>,
    return
  }
  func.func @transform_0(%arg0: i32) -> (i32, i32) {
    %c0_i32 = arith.constant 0 : i32
    %c0_i32_0 = arith.constant 0 : i32
    return %arg0, %c0_i32 : i32, i32
  }
  func.func @transform_1(%arg0: i32) -> (i32, i32) {
    %c0_i32 = arith.constant 0 : i32
    %c0_i32_0 = arith.constant 0 : i32
    %c0_i32_1 = arith.constant 0 : i32
    return %c0_i32, %c0_i32_0 : i32, i32
  }
  func.func @transform_2(%arg0: i32) -> (i32, i32) {
    %c0_i32 = arith.constant 0 : i32
    %c0_i32_0 = arith.constant 0 : i32
    %c0_i32_1 = arith.constant 0 : i32
    return %c0_i32, %c0_i32_0 : i32, i32
  }
  func.func @transform_3(%arg0: i32) -> (i32, i32) {
    %c0_i32 = arith.constant 0 : i32
    %c0_i32_0 = arith.constant 0 : i32
    return %arg0, %c0_i32 : i32, i32
  }
}

</mosaic_0001>

<sc_bundles>
// kernel: kernel.13.cloned.1.call-start
scs
__scs_entry_jumppad:
0x0: {  	(pc) =	sbr.rel $0x88, $3  }
0x1: {  	(tag) =	ssettag $0x0;
	lr =	simm.s32 $0x1  }
0x2: {  	[smem:$0x3F8E] =	sst lr;
	_ =	strace $0xD0000000  }
0x3: {  	_ = 	snop  }
0x4: {  	_ = 	snop  }
0x5: {  	_ = 	snop  }
0x6: {  	_ = 	snop  }
0x7: {  	_ = 	snop  }
__scs_overlays_trampoline_lowered:
0x8: {  	[smem:$0x3F9D] =	sst s0  }
0x9: {  	[smem:$0x3F9E] =	sst s1  }
0xa: {  	[smem:$0x3F9F] =	sst s2  }
0xb: {  	[smem:$0x3FA0] =	sst s3  }
0xc: {  	[smem:$0x3FA1] =	sst s4  }
0xd: {  	[smem:$0x3FA2] =	sst s5  }
0xe: {  	[smem:$0x3FA3] =	sst s6  }
0xf: {  	[smem:$0x3FA4] =	sst s7  }
0x10: {  	[smem:$0x3FA5] =	sst s8  }
0x11: {  	[smem:$0x3FA6] =	sst s9;
	s0 =	simm.s32 @!p0 $0x0  }
0x12: {  	s1 =	sld [smem:$0x3F8C];
	s0 =	simm.s32 @p0 $0x1  }
0x13: {  	[smem:$0x3FA7] =	sst s0;
	s0 =	simm.s32 @!p1 $0x0  }
0x14: {  	s2 =	sld [smem:$0x3F8B];
	s0 =	simm.s32 @p1 $0x1  }
0x15: {  	[smem:$0x3FA8] =	sst s0;
	s0 =	simm.s32 @!p2 $0x0  }
0x16: {  	s3 =	sld [smem:$0x3FDB];
	s0 =	simm.s32 @p2 $0x1  }
0x17: {  	s4 =	simm.s32 $0x1BF5;
	[smem:$0x3FAA] =	sst s0  }
0x18: {  	s0 =	sld [smem:$0x3F8D];
	_ =	swait.ge [sflag:s4], $0x0  }
0x19: {  	s7 =	sld [smem:$0x3F8E]  }
0x1a: {  	s8 =	sadd.s32 $0xFFFFE003, lr  }
0x1b: {  	s9 =	sadd.s32 $0xFFFFFEF7, lr;
	s5 =	simm.s32 $0xFFFFFFFF;
	p2 =	slt.u32 s8, $0xFFFFF086  }
0x1c: {  	p1 =	slt.u32 s9, $0xF7A;
	s5 =	simm.s32 @!p2 $0x0  }
0x1d: {  	s5 =	simm.s32 @p1 $0x1;
	p0 =	seq.s32 s7, s2  }
0x1e: {  	s7 =	smul.u32 @!p0 $0xF7A, s2;
	p2 =	seq.s32 @!p0 s5, $0x0  }
0x1f: {  	s9 =	smul.u32 $0xF7A, s1;
	s8 =	simm.s32 @!p0 $0x1BF5;
	p2 =	por !p2, p0  }
0x20: {  	[sflag:s8] =	ssyncset.s32 @!p0 $0xFFFFF086;
	s6 =	sadd.s32 @!p0 s3, s7;
	s7 =	simm.s32 @!p0 $0x108  }
0x21: {  	s3 =	sadd.s32 s3, s9;
	s6 =	sadd.s32 @!p0 $0x88, s6;
	s7 =	simm.s32 @p2 $0x1082  }
0x22: {  	[simem:s7], [sflag:s8] =	dma.local @!p0 [hbm:s6], $0xF7A  }
0x23: {  	s9 =	sor.u32 $0xD0000000, s2;
	s6 =	simm.s32 $0x108;
	_ =	swait.ge @!p0 [sflag:s8], $0x0  }
0x24: {  	s3 =	sadd.s32 $0x88, s3;
	s6 =	simm.s32 @!p1 $0x1082;
	[sflag:s4] =	ssyncset.s32 $0xFFFFF086  }
0x25: {  	[simem:s6], [sflag:s4] =	dma.local [hbm:s3], $0xF7A  }
0x26: {  	[smem:$0x3F8E] =	sst s1;
	(tag) =	ssettag s2;
	_ =	strace s9  }
0x27: {  	s1 =	sld [smem:$0x3F9E]  }
0x28: {  	s2 =	sld [smem:$0x3F9F]  }
0x29: {  	s4 =	sld [smem:$0x3FA1]  }
0x2a: {  	p0 =	seq.s32 s5, $0x0;
	s5 =	sld [smem:$0x3FA2]  }
0x2b: {  	s6 =	sld [smem:$0x3FA3]  }
0x2c: {  	s7 =	sld [smem:$0x3FA4]  }
0x2d: {  	s3 =	simm.s32 $0x108;
	s8 =	sld [smem:$0x3FA5]  }
0x2e: {  	s3 =	simm.s32 @!p0 $0x1082;
	s9 =	sld [smem:$0x3FA6]  }
0x2f: {  	lr =	sadd.s32 s0, s3;
	s0 =	sld [smem:$0x3F9D]  }
0x30: {  	s3 =	sld [smem:$0x3FA0]  }
0x31: {  	[smem:$0x3FA9] =	sst s10  }
0x32: {  	s10 =	sld [smem:$0x3FA7];
	_ =	sdelay $0x3  }
0x33: {  	p0 =	seq.s32 s10, $0x1;
	s10 =	sld [smem:$0x3FA9];
	_ =	sdelay $0x3  }
0x34: {  	[smem:$0x3FA9] =	sst s10  }
0x35: {  	s10 =	sld [smem:$0x3FA8];
	_ =	sdelay $0x3  }
0x36: {  	p1 =	seq.s32 s10, $0x1;
	s10 =	sld [smem:$0x3FA9];
	_ =	sdelay $0x3  }
0x37: {  	[smem:$0x3FA9] =	sst s10  }
0x38: {  	s10 =	sld [smem:$0x3FAA]  }
0x39: {  	_ = 	snop;
	(pc) =	sbr.ind lr, $3  }
0x3a: {  	_ = 	snop  }
0x3b: {  	_ = 	snop  }
0x3c: {  	p2 =	seq.s32 s10, $0x1;
	s10 =	sld [smem:$0x3FA9]  }
0x3d: {  	_ =	shalt  }
0x3e: {  	_ =	shalt  }
0x3f: {  	_ =	shalt  }
0x40: {  	_ =	shalt  }
0x41: {  	_ =	shalt  }
0x42: {  	_ =	shalt  }
0x43: {  	_ =	shalt  }
0x44: {  	_ =	shalt  }
0x45: {  	_ =	shalt  }
0x46: {  	_ =	shalt  }
0x47: {  	_ =	shalt  }
0x48: {  	_ =	shalt  }
0x49: {  	_ =	shalt  }
0x4a: {  	_ =	shalt  }
0x4b: {  	_ =	shalt  }
0x4c: {  	_ =	shalt  }
0x4d: {  	_ =	shalt  }
0x4e: {  	_ =	shalt  }
0x4f: {  	_ =	shalt  }
0x50: {  	_ =	shalt  }
0x51: {  	_ =	shalt  }
0x52: {  	_ =	shalt  }
0x53: {  	_ =	shalt  }
0x54: {  	_ =	shalt  }
0x55: {  	_ =	shalt  }
0x56: {  	_ =	shalt  }
0x57: {  	_ =	shalt  }
0x58: {  	_ =	shalt  }
0x59: {  	_ =	shalt  }
0x5a: {  	_ =	shalt  }
0x5b: {  	_ =	shalt  }
0x5c: {  	_ =	shalt  }
0x5d: {  	_ =	shalt  }
0x5e: {  	_ =	shalt  }
0x5f: {  	_ =	shalt  }
0x60: {  	_ =	shalt  }
0x61: {  	_ =	shalt  }
0x62: {  	_ =	shalt  }
0x63: {  	_ =	shalt  }
0x64: {  	_ =	shalt  }
0x65: {  	_ =	shalt  }
0x66: {  	_ =	shalt  }
0x67: {  	_ =	shalt  }
0x68: {  	_ =	shalt  }
0x69: {  	_ =	shalt  }
0x6a: {  	_ =	shalt  }
0x6b: {  	_ =	shalt  }
0x6c: {  	_ =	shalt  }
0x6d: {  	_ =	shalt  }
0x6e: {  	_ =	shalt  }
0x6f: {  	_ =	shalt  }
0x70: {  	_ =	shalt  }
0x71: {  	_ =	shalt  }
0x72: {  	_ =	shalt  }
0x73: {  	_ =	shalt  }
0x74: {  	_ =	shalt  }
0x75: {  	_ =	shalt  }
0x76: {  	_ =	shalt  }
0x77: {  	_ =	shalt  }
0x78: {  	_ =	shalt  }
0x79: {  	_ =	shalt  }
0x7a: {  	_ =	shalt  }
0x7b: {  	_ =	shalt  }
0x7c: {  	_ =	shalt  }
0x7d: {  	_ =	shalt  }
0x7e: {  	_ =	shalt  }
0x7f: {  	_ =	shalt  }
0x80: {  	_ =	shalt  }
0x81: {  	_ =	shalt  }
0x82: {  	_ =	shalt  }
0x83: {  	_ =	shalt  }
0x84: {  	_ =	shalt  }
0x85: {  	_ =	shalt  }
0x86: {  	_ =	shalt  }
0x87: {  	_ =	shalt  }
.Lfunc_end0:
.L_simem_size_0:
called_computation_lowered:
.L_overlay_start_0:
0x88: {  	s2 =	sld [smem:$0x3FD9]  }
0x89: {  	s3 =	sld [smem:$0x3FFE];
	_ =	sdelay $0x1  }
0x8a: {  	s1 =	srdreg.scid  }
0x8b: {  	s0 =	sand.u32 $0x1, s1  }
0x8c: {  	s14 =	sshll.u32 s0, $0xA;
	s2 =	sadd.s32 s3, s2  }
0x8d: {  	s2 =	sadd.s32 s2, s14  }
0x8e: {  	[smem:$0x3FB5] =	sst s2  }
0x8f: {  	_ = 	snop  }
0x90: {  	s2 =	sld [smem:$0x3FD0];
	_ =	sdelay $0x2  }
0x91: {  	s15 =	simm.s32 $0xA;
	s4 =	simm.s32 $0x10  }
0x92: {  	[smem:s4], [sflag:s15] =	dma.local [hbm:s2], $0x1  }
0x93: {  	_ =	swait.eq [sflag:s15], $0x1  }
0x94: {  	[sflag:s15] =	ssyncset.done $0x0  }
0x95: {  	[sflag:s15] =	ssyncadd.s32 $0xFFFFFFFF  }
0x96: {  	s16 =	sld [smem:$0x12];
	(tm) =	ssettm $0x1  }
0x97: {  	s17 =	sld [smem:$0x3FFB];
	_ =	sdelay $0x3  }
0x98: {  	_ =	strace s17  }
0x99: {  	s3 =	sld [smem:$0x3FFC];
	_ =	sdelay $0x3  }
0x9a: {  	_ =	strace s3  }
0x9b: {  	s3 =	sld [smem:$0x3FFD];
	_ =	sdelay $0x3  }
0x9c: {  	_ =	strace s3  }
0x9d: {  	_ =	strace $0x8FFFFFFF  }
0x9e: {  	s18 =	sld [smem:$0x3FDB];
	_ =	sdelay $0x1  }
0x9f: {  	s19 =	simm.s32 $_scs_section_size  }
0xa0: {  	s5 =	simm.s32 $_size__tile_overlayer_lowered;
	s6 =	simm.s32 $_tile_overlayer_lowered  }
0xa1: {  	s22 =	simm.s32 $0x1BFF;
	s21 =	sshll.u32 s6, $0x1;
	s3 =	sadd.s32 s19, s18  }
0xa2: {  	s7 =	simm.s32 $0x0;
	s20 =	sshll.u32 s5, $0x1;
	s5 =	sadd.s32 s21, s3  }
0xa3: {  	[timem:s7], [sflag:s22] =	dma.local [hbm:s5], s20  }
0xa4: {  	_ =	swait.ge [sflag:s22], s20  }
0xa5: {  	s4 =	ssub.s32 $0x0, s20;
	[sflag:s22] =	ssyncset.done $0x0  }
0xa6: {  	[sflag:s22] =	ssyncadd.s32 s4;
	_ =	sdelay $0x1  }
0xa7: {  	s23 =	simm.s32 $0x1B8B  }
0xa8: {  	_ =	swait.ge [sflag:s23], $0x1  }
0xa9: {  	[sflag:s23] =	ssyncset.done $0x0  }
0xaa: {  	s25 =	simm.s32 $0x1B8E;
	s24 =	sld [smem:$0x3FFE];
	[sflag:s23] =	ssyncadd.s32 $0xFFFFFFFF  }
0xab: {  	s26 =	simm.s32 $execute0_lowered;
	[smem:$0x3FD2] =	sst s25  }
0xac: {  	s5 =	sshll.u32 s26, $0x1;
	_ =	strace $0x80000046;
	[dreg:$0x1] =	wrdreg $0xFFFFFFFF  }
0xad: {  	s28 =	simm.s32 $_size_execute0_lowered;
	s3 =	sadd.s32 s3, s5;
	[dreg:$0x0] =	wrdreg $0x0  }
0xae: {  	s5 =	sshll.u32 s28, $0x1;
	[dreg:$0x2] =	wrdreg s3  }
0xaf: {  	[dreg:$0x3] =	wrdreg s5  }
0xb0: {  	[dreg:$0x4] =	wrdreg $0xC0  }
0xb1: {  	_ =	task [dreg:s7], $0x5FFFF  }
0xb2: {  	[dreg:$0x1] =	wrdreg $0xFFFFFFFF  }
0xb3: {  	[dreg:$0x0] =	wrdreg $0x60  }
0xb4: {  	[dreg:$0x2] =	wrdreg s24  }
0xb5: {  	[dreg:$0x3] =	wrdreg s16  }
0xb6: {  	[dreg:$0x4] =	wrdreg $0x0  }
0xb7: {  	[dreg:$0x5] =	wrdreg $0x9  }
0xb8: {  	_ =	task.clear_ibuf [dreg:s7], $0x6FFFF;
	_ =	strace $0x90000046  }
0xb9: {  	s29 =	simm.s32 $0x9;
	_ =	strace $0x80000048  }
0xba: {  	_ =	swait.ge [sflag:s29], $0x1  }
0xbb: {  	[sflag:s29] =	ssyncadd.s32 $0xFFFFFFFF  }
0xbc: {  	_ =	strace $0x90000048  }
0xbd: {  	_ =	sfence  }
0xbe: {  	s30 =	sld [smem:$0x0];
	_ =	sdelay $0x2  }
0xbf: {  	s31 =	sshll.u32 s1, $0xD;
	s1 =	sshrl.u32 s1, $0x2  }
0xc0: {  	s3 =	sand.u32 $0x4000, s31;
	s1 =	sadd.s32 s1, s30  }
0xc1: {  	s0 =	sor.u32 s3, s0;
	s1 =	sshll.u32 s1, $0x11  }
0xc2: {  	s0 =	sor.u32 s1, s0  }
0xc3: {  	s0 =	sadd.s32 $0x8F2B, s0  }
0xc4: {  	[sflag:s0] =	ssyncadd.remote.s32 $0x1  }
0xc5: {  	_ =	sfence.sel $0xFFFF  }
0xc6: {  	[dreg:$0x0] =	wrdreg $0xFFFFFFFF;
	(pc) =	sbr.abs _section_cstart, $3  }
0xc7: {  	[dreg:$0x1] =	wrdreg $0xFFFFFFFF  }
0xc8: {  	_ =	task.clear_ibuf [dreg:s7], $0x2FFFF;
	_ =	strace $0x9FFFFFFF  }
0xc9: {  	(tm) =	ssettm $0x7FFFFFFF  }
tec
execute0_lowered:
.L_overlay_start_1:
0x0: {  	(tag) =	ssettag $0x1  }
0x1: {  	s0 =	srdreg.scid;
	s1 =	rddreg [dreg:$0x0]  }
0x2: {  	s11 =	stileid.u32;
	s2 =	rddreg [dreg:$0x1];
	s5 =	simm.s32 $0x0  }
0x3: {  	s15 =	simm.s32 $0x5;
	s18 =	simm.s32 $0x80;
	s19 =	simm.s32 $0x14100  }
0x4: {  	s20 =	simm.s32 $0x14400;
	s21 =	simm.s32 $0x14180;
	s22 =	simm.s32 $0x18400  }
0x5: {  	s28 =	simm.s32 $0x14080;
	s29 =	simm.s32 $0x4;
	s30 =	simm.s32 $0x14200  }
0x6: {  	s31 =	simm.s32 $0x0;
	s0 =	sand.u32 $0x1, s0;
	s3 =	sshll.u32 s11, $0x1  }
0x7: {  	[smem:$0x7FF] =	sst s5;
	s9 =	smul.u32 $0x13C00, s11;
	s5 =	sadd.s32 $0x14E00, s1  }
0x8: {  	s6 =	sadd.s32 $0x28E00, s1;
	s10 =	smul.u32 $0x4F000, s11;
	s12 =	sadd.s32 $0xD600, s1  }
0x9: {  	s25 =	sshll.u32 s11, $0x6;
	s4 =	sor.u32 s0, s3;
	s8 =	smul.u32 $0x13C000, s0  }
0xa: {  	s3 =	rddreg [dreg:$0x2];
	_ =	strace $0x80000047;
	s7 =	smul.u32 $0x16, s4  }
0xb: {  	s0 =	ssub.s32 $0x2, s0;
	[dreg:$0x4] =	wrdreg s12;
	s26 =	smul.u32 $0xA00, s4  }
0xc: {  	s23 =	sshrl.u32 s0, $0x1;
	s24 =	sshrl.u32 s10, $0x2;
	s10 =	smul.u32 $0xA0, s4  }
0xd: {  	s8 =	sadd.s32 s9, s8;
	s0 =	ssub.s32 s0, s23;
	s14 =	sadd.s32 s24, s3  }
.Ltmp0:
0xe: {  	s23 =	simm.s32 $0x1;
	s24 =	simm.s32 $0x14000;
	(pc) =	sbr.rel .LBB2_1-.Ltmp0, $4  }
0xf: {  	s7 =	sadd.s32 s7, s1;
	s8 =	sshrl.u32 s8, $0x3;
	s11 =	sadd.s32 s5, s26  }
0x10: {  	s13 =	smax.u32 s0, $0x1;
	s14 =	sshrl.u32 s14, $0x3;
	s26 =	simm.s32 $0x2  }
0x11: {  	s1 =	sadd.s32 s8, s1;
	s8 =	sor.u32 $0x1C05, s25;
	s7 =	sadd.s32 $0xD200, s7  }
0x12: {  	s25 =	simm.s32 $0x3;
	[dreg:$0x5] =	wrdreg s7;
	s12 =	sadd.s32 $0x64000, s1  }
.LBB2_11:
0x13: {  	_ =	swait.ge [sflag:s23], $0x4000  }
0x14: {  	[sflag:s23] =	ssyncset.done $0x0  }
0x15: {  	[sflag:s23] =	ssyncadd.s32 $0xFFFFC000  }
0x16: {  	_ =	swait.ge [sflag:s29], $0x4000  }
0x17: {  	s31 =	sadd.s32 $0x1, s31;
	[sflag:s29] =	ssyncset.done $0x0  }
0x18: {  	p0 =	sne.s32 s31, s13;
	[sflag:s29] =	ssyncadd.s32 $0xFFFFC000  }
.Ltmp1:
0x19: {  	[bflag:$0x0] =	sbarrier.arrive $0xFFFF;
	(pc) =	sbr.rel @!p0 .LBB2_12-.Ltmp1, $4  }
0x1a: {  	[hbm:s12], [sflag:s8] =	dma.local [spmem:s14], $0x2780  }
0x1b: {  	_ =	swait.ge [sflag:s15], $0x2780  }
0x1c: {  	[sflag:s15] =	ssyncset.done $0x0  }
0x1d: {  	[sflag:s15] =	ssyncadd.s32 $0xFFFFD880  }
.LBB2_1:
0x1e: {  	s0 =	rddreg [dreg:$0x4]  }
0x1f: {  	[spmem:s14], [sflag:s8] =	dma.local [hbm:s0], $0x2780  }
0x20: {  	_ =	swait.ge [sflag:s15], $0x2780  }
0x21: {  	s16 =	simm.s32 $0x0;
	[sflag:s15] =	ssyncset.done $0x0  }
0x22: {  	s4 =	simm.s32 $0x14300;
	s1 =	rddreg [dreg:$0x5];
	[sflag:s15] =	ssyncadd.s32 $0xFFFFD880  }
0x23: {  	[tilespmem:s4], [sflag:$0x5] =	stream.linear.gather [hbm4b:s1+s16], $0xB0, $0x38;
	[tilespmem:$0x1C400] =	vst v63  }
0x24: {  	_ =	swait.ge [sflag:s15], $0xB0  }
0x25: {  	[sflag:s15] =	ssyncset.done $0x0  }
0x26: {  	[sflag:s15] =	ssyncadd.s32 $0xFFFFFF50  }
0x27: {  	s17 =	simm.s32 $0x13C00;
	[bflag:$0x0] =	sbarrier.arrive $0xFFFF  }
0x28: {  	[tilespmem:s17], [sflag:$0x5] =	stream.linear.gather [hbm4b:s11+s16], $0x400, $0x38;
	[tilespmem:$0x1C400] =	vst v63  }
0x29: {  	_ =	swait.ge [sflag:s15], $0x400  }
0x2a: {  	[sflag:s15] =	ssyncset.done $0x0  }
0x2b: {  	[sflag:s15] =	ssyncadd.s32 $0xFFFFFC00  }
0x2c: {  	v0 =	vld [tilespmem:$0x13C00];
	_ =	sdelay $0x1  }
0x2d: {  	v1 =	vld [tilespmem:$0x13C10];
	_ =	sdelay $0x1  }
0x2e: {  	v2 =	vld [tilespmem:$0x13C20]  }
0x2f: {  	v3 =	vshrl.u32 v0, $0xE  }
0x30: {  	v45 =	vld [tilespmem:$0x13C30];
	v0 =	vand.u32 $0x3FFF, v0;
	[tilespmem:$0x14000] =	vst v3  }
0x31: {  	v46 =	vshrl.u32 v1, $0xE;
	[tilespmem:$0x14100] =	vst v0  }
0x32: {  	v48 =	vld [tilespmem:$0x13C40];
	v47 =	vand.u32 $0x3FFF, v1;
	[tilespmem:$0x14010] =	vst v46  }
0x33: {  	v49 =	vshrl.u32 v2, $0xE;
	[tilespmem:$0x14110] =	vst v47  }
0x34: {  	v51 =	vld [tilespmem:$0x13C50];
	v50 =	vand.u32 $0x3FFF, v2;
	[tilespmem:$0x14020] =	vst v49  }
0x35: {  	v52 =	vshrl.u32 v45, $0xE;
	[tilespmem:$0x14120] =	vst v50  }
0x36: {  	v54 =	vld [tilespmem:$0x13C60];
	v53 =	vand.u32 $0x3FFF, v45;
	[tilespmem:$0x14030] =	vst v52  }
0x37: {  	v55 =	vshrl.u32 v48, $0xE;
	[tilespmem:$0x14130] =	vst v53  }
0x38: {  	v57 =	vld [tilespmem:$0x13C70];
	v56 =	vand.u32 $0x3FFF, v48;
	[tilespmem:$0x14040] =	vst v55  }
0x39: {  	v58 =	vshrl.u32 v51, $0xE;
	[tilespmem:$0x14140] =	vst v56  }
0x3a: {  	v59 =	vand.u32 $0x3FFF, v51;
	[tilespmem:$0x14050] =	vst v58  }
0x3b: {  	v60 =	vshrl.u32 v54, $0xE;
	[tilespmem:$0x14150] =	vst v59  }
.Ltmp2:
0x3c: {  	v61 =	vand.u32 $0x3FFF, v54;
	[tilespmem:$0x14060] =	vst v60;
	(pc) =	sbr.rel .LBB2_2-.Ltmp2, $4  }
0x3d: {  	v62 =	vshrl.u32 v57, $0xE;
	[tilespmem:$0x14160] =	vst v61  }
0x3e: {  	v63 =	vand.u32 $0x3FFF, v57;
	[tilespmem:$0x14070] =	vst v62  }
0x3f: {  	s1 =	simm.s32 $0x0;
	[tilespmem:$0x14170] =	vst v63  }
0x40: {  	[tilespmem:s20], [sflag:$0x1] =	stream.indirect.gather [hbm4b:s2+s18], $0x80, s19, s18, $0xb8;
	[tilespmem:$0x1C400] =	vst v63  }
.LBB2_10:
0x41: {  	s1 =	sadd.s32 $0x1, s1  }
0x42: {  	p0 =	sne.s32 s1, $0x50  }
.Ltmp3:
0x43: {  	_ = 	snop;
	(pc) =	sbr.rel @!p0 .LBB2_11-.Ltmp3, $2  }
0x44: {  	_ =	sdelay $0x2  }
0x45: {  	[spmem:s3] =	stream.indirect.scatter.add.f32 [tilespmem:s22], [sflag:$0x4], $0x80, s28, s18, $0xb8;
	[tilespmem:$0x1C400] =	vst v63  }
.LBB2_2:
0x46: {  	p0 =	seq.s32 s1, $0x0  }
0x47: {  	s4 =	simm.s32 @!p0 $0x4  }
0x48: {  	s0 =	sshllo.u32 s1, $0x1;
	_ =	swait.ge @!p0 [sflag:s4], $0x4000  }
0x49: {  	s7 =	sshll.u32 s0, $0x7;
	[sflag:s4] =	ssyncset.done @!p0 $0x0  }
0x4a: {  	s16 =	sand.u32 $0x380, s7;
	[sflag:s4] =	ssyncadd.s32 @!p0 $0xFFFFC000  }
0x4b: {  	v0 =	vld [tilespmem:s16+$0x13C00];
	_ =	sdelay $0x4  }
0x4c: {  	v1 =	vshrl.u32 v0, $0xE  }
0x4d: {  	v0 =	vand.u32 $0x3FFF, v0;
	[tilespmem:$0x14080] =	vst v1  }
0x4e: {  	[tilespmem:$0x14180] =	vst v0  }
0x4f: {  	v0 =	vld [tilespmem:s16+$0x13C10];
	_ =	sdelay $0x4  }
0x50: {  	v56 =	vshrl.u32 v0, $0xE  }
0x51: {  	v0 =	vand.u32 $0x3FFF, v0;
	[tilespmem:$0x14090] =	vst v56  }
0x52: {  	[tilespmem:$0x14190] =	vst v0  }
0x53: {  	v0 =	vld [tilespmem:s16+$0x13C20];
	_ =	sdelay $0x4  }
0x54: {  	v57 =	vshrl.u32 v0, $0xE  }
0x55: {  	v0 =	vand.u32 $0x3FFF, v0;
	[tilespmem:$0x140A0] =	vst v57  }
0x56: {  	[tilespmem:$0x141A0] =	vst v0  }
0x57: {  	v0 =	vld [tilespmem:s16+$0x13C30];
	_ =	sdelay $0x4  }
0x58: {  	v58 =	vshrl.u32 v0, $0xE  }
0x59: {  	v0 =	vand.u32 $0x3FFF, v0;
	[tilespmem:$0x140B0] =	vst v58  }
0x5a: {  	[tilespmem:$0x141B0] =	vst v0  }
0x5b: {  	v0 =	vld [tilespmem:s16+$0x13C40];
	_ =	sdelay $0x4  }
0x5c: {  	v59 =	vshrl.u32 v0, $0xE  }
0x5d: {  	v0 =	vand.u32 $0x3FFF, v0;
	[tilespmem:$0x140C0] =	vst v59  }
0x5e: {  	[tilespmem:$0x141C0] =	vst v0  }
0x5f: {  	v0 =	vld [tilespmem:s16+$0x13C50];
	_ =	sdelay $0x4  }
0x60: {  	v60 =	vshrl.u32 v0, $0xE  }
0x61: {  	v0 =	vand.u32 $0x3FFF, v0;
	[tilespmem:$0x140D0] =	vst v60  }
0x62: {  	[tilespmem:$0x141D0] =	vst v0  }
0x63: {  	v0 =	vld [tilespmem:s16+$0x13C60];
	_ =	sdelay $0x4  }
0x64: {  	v61 =	vshrl.u32 v0, $0xE  }
0x65: {  	v0 =	vand.u32 $0x3FFF, v0;
	[tilespmem:$0x140E0] =	vst v61  }
0x66: {  	[tilespmem:$0x141E0] =	vst v0  }
0x67: {  	v0 =	vld [tilespmem:s16+$0x13C70];
	_ =	sdelay $0x4  }
0x68: {  	v62 =	vshrl.u32 v0, $0xE  }
0x69: {  	v0 =	vand.u32 $0x3FFF, v0;
	[tilespmem:$0x140F0] =	vst v62  }
0x6a: {  	[tilespmem:$0x141F0] =	vst v0  }
0x6b: {  	[tilespmem:s22], [sflag:$0x2] =	stream.indirect.gather [hbm4b:s2+s18], $0x80, s21, s18, $0xb8;
	[tilespmem:$0x1C400] =	vst v63  }
0x6c: {  	_ =	swait.ge [sflag:s23], $0x4000  }
0x6d: {  	[sflag:s23] =	ssyncset.done $0x0  }
0x6e: {  	s16 =	sshll.u32 s1, $0x1;
	[sflag:s23] =	ssyncadd.s32 $0xFFFFC000  }
0x6f: {  	v63 =	vld [tilespmem:s16+$0x14300];
	_ =	sdelay $0x4  }
0x70: {  	(v2sf) =	vpush v63, $0x0;
	_ =	sdelay $0xe  }
0x71: {  	s17 =	spop (v2sf)  }
0x72: {  	p0 =	seq.s32 s17, $0x0  }
.Ltmp4:
0x73: {  	_ = 	snop;
	(pc) =	sbr.rel @p0 .LBB2_6-.Ltmp4, $1  }
0x74: {  	_ =	sdelay $0x3  }
0x75: {  	s4 =	sadd.s32 s10, s16  }
0x76: {  	s4 =	sshll.u32 s4, $0x4  }
0x77: {  	s7 =	simm.s32 $0x0;
	s4 =	sadd.s32 s6, s4  }
0x78: {  	[tilespmem:s30], [sflag:$0x5] =	stream.linear.gather [hbm4b:s4+s7], $0x80, $0x38;
	[tilespmem:$0x1C400] =	vst v63  }
0x79: {  	_ =	swait.ge [sflag:s15], $0x80  }
0x7a: {  	[sflag:s15] =	ssyncset.done $0x0  }
0x7b: {  	s17 =	simm.s32 $0x14440;
	[sflag:s15] =	ssyncadd.s32 $0xFFFFFF80  }
0x7c: {  	v4 =	vld [tilespmem:s17+$0x30]  }
0x7d: {  	v7 =	vld [tilespmem:s17+$0x10]  }
0x7e: {  	s9 =	simm.s32 $0x0;
	v5 =	vld [tilespmem:s17+$0xFFFFFFC0]  }
0x7f: {  	v1 =	vld.msk [tilespmem:s9+$0x14200 ss:$0x0], $0xffff  }
0x80: {  	v9 =	vld [tilespmem:s17+$0xFFFFFFE0]  }
0x81: {  	v0 =	vld [tilespmem:s17+$0xFFFFFFF0]  }
0x82: {  	v2 =	vld [tilespmem:s17+$0x20]  }
0x83: {  	v3 =	vld [tilespmem:s17+$0xFFFFFFD0]  }
0x84: {  	v8 =	vmul.f32 v4, v1;
	v4 =	vld [tilespmem:s17+$0x0]  }
0x85: {  	v6 =	vmul.f32 v1, v5  }
0x86: {  	s4 =	simm.s32 $0x4;
	s7 =	simm.s32 $0x14440;
	v5 =	vmul.f32 v9, v1;
	v7 =	vmul.f32 v7, v1  }
.LBB2_4:
0x87: {  	p0 =	sne.s32 s4, $0x1FC  }
0x88: {  	v3 =	vmul.f32 v3, v1;
	v2 =	vmul.f32 v2, v1;
	[tilespmem:s17+$0x30] =	vst v8;
	s7 =	sadd.s32 $0x80, s7;
	s9 =	smov.u32 s4;
	s4 =	sadd.s32 $0x4, s4  }
0x89: {  	[tilespmem:s17+$0xFFFFFFC0] =	vst v6;
	v6 =	vmul.f32 v0, v1;
	v1 =	vmul.f32 v4, v1  }
0x8a: {  	[tilespmem:s17+$0x10] =	vst v7  }
0x8b: {  	[tilespmem:s17+$0xFFFFFFE0] =	vst v5  }
0x8c: {  	v0 =	vld [tilespmem:s7+$0xFFFFFFF0];
	[tilespmem:s17+$0xFFFFFFF0] =	vst v6  }
0x8d: {  	v5 =	vld [tilespmem:s7+$0x30];
	[tilespmem:s17+$0x0] =	vst v1  }
0x8e: {  	v7 =	vld [tilespmem:s7+$0x10];
	[tilespmem:s17+$0x20] =	vst v2  }
0x8f: {  	s9 =	sshra.s32 s9, $0x2;
	v6 =	vld [tilespmem:s7+$0xFFFFFFC0];
	[tilespmem:s17+$0xFFFFFFD0] =	vst v3;
	s17 =	smov.u32 s7  }
0x90: {  	v1 =	vld.msk [tilespmem:s9+$0x14200 ss:$0x0], $0xffff  }
0x91: {  	v9 =	vld [tilespmem:s7+$0xFFFFFFE0]  }
0x92: {  	v2 =	vld [tilespmem:s7+$0x20]  }
.Ltmp5:
0x93: {  	v3 =	vld [tilespmem:s7+$0xFFFFFFD0];
	(pc) =	sbr.rel @p0 .LBB2_4-.Ltmp5, $3  }
0x94: {  	v4 =	vld [tilespmem:s7+$0x0];
	_ =	sdelay $0x1  }
0x95: {  	v6 =	vmul.f32 v1, v6;
	v8 =	vmul.f32 v5, v1  }
0x96: {  	v7 =	vmul.f32 v7, v1;
	v5 =	vmul.f32 v9, v1  }
0x97: {  	[tilespmem:s17+$0x30] =	vst v8  }
0x98: {  	[tilespmem:s17+$0xFFFFFFC0] =	vst v6  }
0x99: {  	v0 =	vmul.f32 v0, v1;
	[tilespmem:s17+$0x10] =	vst v7  }
0x9a: {  	v2 =	vmul.f32 v2, v1;
	[tilespmem:s17+$0xFFFFFFE0] =	vst v5  }
0x9b: {  	v63 =	vmul.f32 v3, v1;
	[tilespmem:s17+$0xFFFFFFF0] =	vst v0  }
0x9c: {  	v4 =	vmul.f32 v4, v1;
	[tilespmem:s17+$0x20] =	vst v2  }
0x9d: {  	[tilespmem:s17+$0xFFFFFFD0] =	vst v63  }
0x9e: {  	[tilespmem:s17+$0x0] =	vst v4  }
.LBB2_6:
0x9f: {  	[spmem:s3] =	stream.indirect.scatter.add.f32 [tilespmem:s20], [sflag:$0x3], $0x80, s24, s18, $0xb8;
	[tilespmem:$0x1C400] =	vst v63  }
0xa0: {  	s4 =	sadd.s32 $0x2, s16  }
0xa1: {  	p0 =	seq.s32 s4, $0xA0  }
0xa2: {  	s4 =	simm.s32 @p0 $0x0  }
0xa3: {  	s7 =	sand.u32 $0x6, s4  }
0xa4: {  	p0 =	sne.s32 s7, $0x0  }
0xa5: {  	s4 =	sadd.s32 @!p0 s10, s4  }
0xa6: {  	s4 =	sshll.u32 @!p0 s4, $0x4  }
0xa7: {  	s4 =	sand.u32 @!p0 $0xFFFFF80, s4  }
0xa8: {  	s9 =	simm.s32 @!p0 $0x0;
	s17 =	simm.s32 @!p0 $0x13C00;
	s4 =	sadd.s32 @!p0 s5, s4  }
0xa9: {  	[tilespmem:s17], [sflag:$0x5] =	stream.linear.gather @!p0 [hbm4b:s4+s9], $0x400, $0x38;
	[tilespmem:$0x1C400] =	vst v63  }
0xaa: {  	s4 =	simm.s32 @!p0 $0x5  }
0xab: {  	_ =	swait.ge @!p0 [sflag:s4], $0x400  }
0xac: {  	[sflag:s4] =	ssyncset.done @!p0 $0x0  }
0xad: {  	[sflag:s4] =	ssyncadd.s32 @!p0 $0xFFFFFC00  }
0xae: {  	_ =	swait.ge [sflag:s25], $0x4000  }
0xaf: {  	[sflag:s25] =	ssyncset.done $0x0  }
0xb0: {  	s9 =	sshll.u32 s7, $0x7;
	[sflag:s25] =	ssyncadd.s32 $0xFFFFC000  }
0xb1: {  	v0 =	vld [tilespmem:s9+$0x13C00];
	_ =	sdelay $0x4  }
0xb2: {  	v1 =	vshrl.u32 v0, $0xE  }
0xb3: {  	v0 =	vand.u32 $0x3FFF, v0;
	[tilespmem:$0x14000] =	vst v1  }
0xb4: {  	[tilespmem:$0x14100] =	vst v0  }
0xb5: {  	v0 =	vld [tilespmem:s9+$0x13C10];
	_ =	sdelay $0x4  }
0xb6: {  	v56 =	vshrl.u32 v0, $0xE  }
0xb7: {  	v0 =	vand.u32 $0x3FFF, v0;
	[tilespmem:$0x14010] =	vst v56  }
0xb8: {  	[tilespmem:$0x14110] =	vst v0  }
0xb9: {  	v0 =	vld [tilespmem:s9+$0x13C20];
	_ =	sdelay $0x4  }
0xba: {  	v57 =	vshrl.u32 v0, $0xE  }
0xbb: {  	v0 =	vand.u32 $0x3FFF, v0;
	[tilespmem:$0x14020] =	vst v57  }
0xbc: {  	[tilespmem:$0x14120] =	vst v0  }
0xbd: {  	v0 =	vld [tilespmem:s9+$0x13C30];
	_ =	sdelay $0x4  }
0xbe: {  	v58 =	vshrl.u32 v0, $0xE  }
0xbf: {  	v0 =	vand.u32 $0x3FFF, v0;
	[tilespmem:$0x14030] =	vst v58  }
0xc0: {  	[tilespmem:$0x14130] =	vst v0  }
0xc1: {  	v0 =	vld [tilespmem:s9+$0x13C40];
	_ =	sdelay $0x4  }
0xc2: {  	v59 =	vshrl.u32 v0, $0xE  }
0xc3: {  	v0 =	vand.u32 $0x3FFF, v0;
	[tilespmem:$0x14040] =	vst v59  }
0xc4: {  	[tilespmem:$0x14140] =	vst v0  }
0xc5: {  	v0 =	vld [tilespmem:s9+$0x13C50];
	_ =	sdelay $0x4  }
0xc6: {  	v60 =	vshrl.u32 v0, $0xE  }
0xc7: {  	v0 =	vand.u32 $0x3FFF, v0;
	[tilespmem:$0x14050] =	vst v60  }
0xc8: {  	[tilespmem:$0x14150] =	vst v0  }
0xc9: {  	v0 =	vld [tilespmem:s9+$0x13C60];
	_ =	sdelay $0x4  }
0xca: {  	v61 =	vshrl.u32 v0, $0xE  }
0xcb: {  	v0 =	vand.u32 $0x3FFF, v0;
	[tilespmem:$0x14060] =	vst v61  }
0xcc: {  	[tilespmem:$0x14160] =	vst v0  }
0xcd: {  	v0 =	vld [tilespmem:s9+$0x13C70];
	_ =	sdelay $0x4  }
0xce: {  	v62 =	vshrl.u32 v0, $0xE  }
0xcf: {  	v0 =	vand.u32 $0x3FFF, v0;
	[tilespmem:$0x14070] =	vst v62  }
0xd0: {  	[tilespmem:$0x14170] =	vst v0  }
0xd1: {  	[tilespmem:s20], [sflag:$0x1] =	stream.indirect.gather [hbm4b:s2+s18], $0x80, s19, s18, $0xb8;
	[tilespmem:$0x1C400] =	vst v63  }
0xd2: {  	_ =	swait.ge [sflag:s26], $0x4000  }
0xd3: {  	[sflag:s26] =	ssyncset.done $0x0  }
0xd4: {  	[sflag:s26] =	ssyncadd.s32 $0xFFFFC000  }
0xd5: {  	v63 =	vld [tilespmem:s16+$0x14301];
	_ =	sdelay $0x4  }
0xd6: {  	(v2sf) =	vpush v63, $0x0;
	_ =	sdelay $0xe  }
0xd7: {  	s17 =	spop (v2sf)  }
0xd8: {  	p0 =	seq.s32 s17, $0x0  }
.Ltmp6:
0xd9: {  	_ = 	snop;
	(pc) =	sbr.rel @p0 .LBB2_10-.Ltmp6, $1  }
0xda: {  	_ =	sdelay $0x3  }
0xdb: {  	s0 =	sadd.s32 s10, s0  }
0xdc: {  	s0 =	sshll.u32 s0, $0x4  }
0xdd: {  	s0 =	sand.u32 $0x1FFFFFF0, s0  }
0xde: {  	s4 =	simm.s32 $0x0;
	s0 =	sadd.s32 s6, s0  }
0xdf: {  	[tilespmem:s30], [sflag:$0x5] =	stream.linear.gather [hbm4b:s0+s4], $0x80, $0x38;
	[tilespmem:$0x1C400] =	vst v63  }
0xe0: {  	_ =	swait.ge [sflag:s15], $0x80  }
0xe1: {  	[sflag:s15] =	ssyncset.done $0x0  }
0xe2: {  	s0 =	simm.s32 $0x18440;
	[sflag:s15] =	ssyncadd.s32 $0xFFFFFF80  }
0xe3: {  	v4 =	vld [tilespmem:s0+$0x30]  }
0xe4: {  	v7 =	vld [tilespmem:s0+$0x10]  }
0xe5: {  	s17 =	simm.s32 $0x0;
	v5 =	vld [tilespmem:s0+$0xFFFFFFC0]  }
0xe6: {  	v1 =	vld.msk [tilespmem:s17+$0x14200 ss:$0x0], $0xffff  }
0xe7: {  	v9 =	vld [tilespmem:s0+$0xFFFFFFE0]  }
0xe8: {  	v0 =	vld [tilespmem:s0+$0xFFFFFFF0]  }
0xe9: {  	v2 =	vld [tilespmem:s0+$0x20]  }
0xea: {  	v3 =	vld [tilespmem:s0+$0xFFFFFFD0]  }
0xeb: {  	v8 =	vmul.f32 v4, v1;
	v4 =	vld [tilespmem:s0+$0x0]  }
0xec: {  	v6 =	vmul.f32 v1, v5  }
0xed: {  	s7 =	simm.s32 $0x18440;
	s4 =	simm.s32 $0x4;
	v5 =	vmul.f32 v9, v1;
	v7 =	vmul.f32 v7, v1  }
.LBB2_8:
0xee: {  	p0 =	sne.s32 s4, $0x1FC  }
0xef: {  	v3 =	vmul.f32 v3, v1;
	v2 =	vmul.f32 v2, v1;
	[tilespmem:s0+$0x30] =	vst v8;
	s7 =	sadd.s32 $0x80, s7;
	s9 =	smov.u32 s4;
	s4 =	sadd.s32 $0x4, s4  }
0xf0: {  	[tilespmem:s0+$0xFFFFFFC0] =	vst v6;
	v6 =	vmul.f32 v0, v1;
	v1 =	vmul.f32 v4, v1  }
0xf1: {  	[tilespmem:s0+$0x10] =	vst v7  }
0xf2: {  	[tilespmem:s0+$0xFFFFFFE0] =	vst v5  }
0xf3: {  	v0 =	vld [tilespmem:s7+$0xFFFFFFF0];
	[tilespmem:s0+$0xFFFFFFF0] =	vst v6  }
0xf4: {  	v5 =	vld [tilespmem:s7+$0x30];
	[tilespmem:s0+$0x0] =	vst v1  }
0xf5: {  	v7 =	vld [tilespmem:s7+$0x10];
	[tilespmem:s0+$0x20] =	vst v2  }
0xf6: {  	s9 =	sshra.s32 s9, $0x2;
	v6 =	vld [tilespmem:s7+$0xFFFFFFC0];
	[tilespmem:s0+$0xFFFFFFD0] =	vst v3;
	s0 =	smov.u32 s7  }
0xf7: {  	v1 =	vld.msk [tilespmem:s9+$0x14200 ss:$0x0], $0xffff  }
0xf8: {  	v9 =	vld [tilespmem:s7+$0xFFFFFFE0]  }
0xf9: {  	v2 =	vld [tilespmem:s7+$0x20]  }
.Ltmp7:
0xfa: {  	v3 =	vld [tilespmem:s7+$0xFFFFFFD0];
	(pc) =	sbr.rel @p0 .LBB2_8-.Ltmp7, $3  }
0xfb: {  	v4 =	vld [tilespmem:s7+$0x0];
	_ =	sdelay $0x1  }
0xfc: {  	v6 =	vmul.f32 v1, v6;
	v8 =	vmul.f32 v5, v1  }
0xfd: {  	v7 =	vmul.f32 v7, v1;
	v5 =	vmul.f32 v9, v1  }
0xfe: {  	[tilespmem:s0+$0x30] =	vst v8  }
0xff: {  	[tilespmem:s0+$0xFFFFFFC0] =	vst v6  }
0x100: {  	v0 =	vmul.f32 v0, v1;
	[tilespmem:s0+$0x10] =	vst v7  }
.Ltmp8:
0x101: {  	v2 =	vmul.f32 v2, v1;
	[tilespmem:s0+$0xFFFFFFE0] =	vst v5;
	(pc) =	sbr.rel .LBB2_10-.Ltmp8, $4  }
0x102: {  	v63 =	vmul.f32 v3, v1;
	[tilespmem:s0+$0xFFFFFFF0] =	vst v0  }
0x103: {  	v4 =	vmul.f32 v4, v1;
	[tilespmem:s0+$0x20] =	vst v2  }
0x104: {  	[tilespmem:s0+$0xFFFFFFD0] =	vst v63  }
0x105: {  	[tilespmem:s0+$0x0] =	vst v4  }
.LBB2_12:
0x106: {  	_ =	sfence.sel $0x180000  }
0x107: {  	[bflag:$0x0] =	sbarrier.arrive $0xFFFF  }
0x108: {  	_ =	strace $0x90000047  }
0x109: {  	s0 =	stileid.u32;
	[bflag:$0x2] =	sbarrier.arrive $0xFFFF  }
0x10a: {  	p0 =	sne.s32 s0, $0x0;
	s0 =	rddreg [dreg:$0x3]  }
0x10b: {  	s0 =	sadd.s32 @!p0 $0x100000, s0  }
0x10c: {  	[sflag:s0] =	ssyncadd.tile.s32 @!p0 $0x1;
	_ =	shalt  }
.Lfunc_end2:
_tile_overlayer_lowered:
.L_overlay_start_2:
0x10d: {  	(tag) =	ssettag $0x2  }
0x10e: {  	s0 =	rddreg [dreg:$0x0];
	s2 =	stileid.u32  }
0x10f: {  	s1 =	rddreg [dreg:$0x1];
	p0 =	sne.s32 s2, $0x0  }
0x110: {  	s3 =	rddreg [dreg:$0x2];
	[bflag:$0x3] =	sbarrier.arrive $0xFFFF;
	s2 =	simm.s32 @!p0 $0x1C05  }
0x111: {  	[timem:s3], [sflag:s2] =	dma.local @!p0 [hbm:s0], s1  }
0x112: {  	s0 =	simm.s32 @!p0 $0x5  }
0x113: {  	_ =	swait.ge @!p0 [sflag:s0], s1  }
0x114: {  	s1 =	ssub.s32 @!p0 $0x0, s1;
	[sflag:s0] =	ssyncset.done @!p0 $0x0  }
0x115: {  	[sflag:s0] =	ssyncadd.s32 @!p0 s1  }
0x116: {  	[bflag:$0x3] =	sbarrier.arrive $0xFFFF  }
0x117: {  	_ =	shalt  }

// kernel: kernel.16.cloned.1.call-start
scs
__scs_entry_jumppad:
0x0: {  	(pc) =	sbr.rel $0x88, $3  }
0x1: {  	(tag) =	ssettag $0x0;
	lr =	simm.s32 $0x1  }
0x2: {  	[smem:$0x3F8E] =	sst lr;
	_ =	strace $0xD0000000  }
0x3: {  	_ = 	snop  }
0x4: {  	_ = 	snop  }
0x5: {  	_ = 	snop  }
0x6: {  	_ = 	snop  }
0x7: {  	_ = 	snop  }
__scs_overlays_trampoline_lowered:
0x8: {  	[smem:$0x3F9D] =	sst s0  }
0x9: {  	[smem:$0x3F9E] =	sst s1  }
0xa: {  	[smem:$0x3F9F] =	sst s2  }
0xb: {  	[smem:$0x3FA0] =	sst s3  }
0xc: {  	[smem:$0x3FA1] =	sst s4  }
0xd: {  	[smem:$0x3FA2] =	sst s5  }
0xe: {  	[smem:$0x3FA3] =	sst s6  }
0xf: {  	[smem:$0x3FA4] =	sst s7  }
0x10: {  	[smem:$0x3FA5] =	sst s8  }
0x11: {  	[smem:$0x3FA6] =	sst s9;
	s0 =	simm.s32 @!p0 $0x0  }
0x12: {  	s1 =	sld [smem:$0x3F8C];
	s0 =	simm.s32 @p0 $0x1  }
0x13: {  	[smem:$0x3FA7] =	sst s0;
	s0 =	simm.s32 @!p1 $0x0  }
0x14: {  	s2 =	sld [smem:$0x3F8B];
	s0 =	simm.s32 @p1 $0x1  }
0x15: {  	[smem:$0x3FA8] =	sst s0;
	s0 =	simm.s32 @!p2 $0x0  }
0x16: {  	s3 =	sld [smem:$0x3FDB];
	s0 =	simm.s32 @p2 $0x1  }
0x17: {  	s4 =	simm.s32 $0x1BF5;
	[smem:$0x3FAA] =	sst s0  }
0x18: {  	s0 =	sld [smem:$0x3F8D];
	_ =	swait.ge [sflag:s4], $0x0  }
0x19: {  	s7 =	sld [smem:$0x3F8E]  }
0x1a: {  	s8 =	sadd.s32 $0xFFFFE003, lr  }
0x1b: {  	s9 =	sadd.s32 $0xFFFFFEF7, lr;
	s5 =	simm.s32 $0xFFFFFFFF;
	p2 =	slt.u32 s8, $0xFFFFF086  }
0x1c: {  	p1 =	slt.u32 s9, $0xF7A;
	s5 =	simm.s32 @!p2 $0x0  }
0x1d: {  	s5 =	simm.s32 @p1 $0x1;
	p0 =	seq.s32 s7, s2  }
0x1e: {  	s7 =	smul.u32 @!p0 $0xF7A, s2;
	p2 =	seq.s32 @!p0 s5, $0x0  }
0x1f: {  	s9 =	smul.u32 $0xF7A, s1;
	s8 =	simm.s32 @!p0 $0x1BF5;
	p2 =	por !p2, p0  }
0x20: {  	[sflag:s8] =	ssyncset.s32 @!p0 $0xFFFFF086;
	s6 =	sadd.s32 @!p0 s3, s7;
	s7 =	simm.s32 @!p0 $0x108  }
0x21: {  	s3 =	sadd.s32 s3, s9;
	s6 =	sadd.s32 @!p0 $0x88, s6;
	s7 =	simm.s32 @p2 $0x1082  }
0x22: {  	[simem:s7], [sflag:s8] =	dma.local @!p0 [hbm:s6], $0xF7A  }
0x23: {  	s9 =	sor.u32 $0xD0000000, s2;
	s6 =	simm.s32 $0x108;
	_ =	swait.ge @!p0 [sflag:s8], $0x0  }
0x24: {  	s3 =	sadd.s32 $0x88, s3;
	s6 =	simm.s32 @!p1 $0x1082;
	[sflag:s4] =	ssyncset.s32 $0xFFFFF086  }
0x25: {  	[simem:s6], [sflag:s4] =	dma.local [hbm:s3], $0xF7A  }
0x26: {  	[smem:$0x3F8E] =	sst s1;
	(tag) =	ssettag s2;
	_ =	strace s9  }
0x27: {  	s1 =	sld [smem:$0x3F9E]  }
0x28: {  	s2 =	sld [smem:$0x3F9F]  }
0x29: {  	s4 =	sld [smem:$0x3FA1]  }
0x2a: {  	p0 =	seq.s32 s5, $0x0;
	s5 =	sld [smem:$0x3FA2]  }
0x2b: {  	s6 =	sld [smem:$0x3FA3]  }
0x2c: {  	s7 =	sld [smem:$0x3FA4]  }
0x2d: {  	s3 =	simm.s32 $0x108;
	s8 =	sld [smem:$0x3FA5]  }
0x2e: {  	s3 =	simm.s32 @!p0 $0x1082;
	s9 =	sld [smem:$0x3FA6]  }
0x2f: {  	lr =	sadd.s32 s0, s3;
	s0 =	sld [smem:$0x3F9D]  }
0x30: {  	s3 =	sld [smem:$0x3FA0]  }
0x31: {  	[smem:$0x3FA9] =	sst s10  }
0x32: {  	s10 =	sld [smem:$0x3FA7];
	_ =	sdelay $0x3  }
0x33: {  	p0 =	seq.s32 s10, $0x1;
	s10 =	sld [smem:$0x3FA9];
	_ =	sdelay $0x3  }
0x34: {  	[smem:$0x3FA9] =	sst s10  }
0x35: {  	s10 =	sld [smem:$0x3FA8];
	_ =	sdelay $0x3  }
0x36: {  	p1 =	seq.s32 s10, $0x1;
	s10 =	sld [smem:$0x3FA9];
	_ =	sdelay $0x3  }
0x37: {  	[smem:$0x3FA9] =	sst s10  }
0x38: {  	s10 =	sld [smem:$0x3FAA]  }
0x39: {  	_ = 	snop;
	(pc) =	sbr.ind lr, $3  }
0x3a: {  	_ = 	snop  }
0x3b: {  	_ = 	snop  }
0x3c: {  	p2 =	seq.s32 s10, $0x1;
	s10 =	sld [smem:$0x3FA9]  }
0x3d: {  	_ =	shalt  }
0x3e: {  	_ =	shalt  }
0x3f: {  	_ =	shalt  }
0x40: {  	_ =	shalt  }
0x41: {  	_ =	shalt  }
0x42: {  	_ =	shalt  }
0x43: {  	_ =	shalt  }
0x44: {  	_ =	shalt  }
0x45: {  	_ =	shalt  }
0x46: {  	_ =	shalt  }
0x47: {  	_ =	shalt  }
0x48: {  	_ =	shalt  }
0x49: {  	_ =	shalt  }
0x4a: {  	_ =	shalt  }
0x4b: {  	_ =	shalt  }
0x4c: {  	_ =	shalt  }
0x4d: {  	_ =	shalt  }
0x4e: {  	_ =	shalt  }
0x4f: {  	_ =	shalt  }
0x50: {  	_ =	shalt  }
0x51: {  	_ =	shalt  }
0x52: {  	_ =	shalt  }
0x53: {  	_ =	shalt  }
0x54: {  	_ =	shalt  }
0x55: {  	_ =	shalt  }
0x56: {  	_ =	shalt  }
0x57: {  	_ =	shalt  }
0x58: {  	_ =	shalt  }
0x59: {  	_ =	shalt  }
0x5a: {  	_ =	shalt  }
0x5b: {  	_ =	shalt  }
0x5c: {  	_ =	shalt  }
0x5d: {  	_ =	shalt  }
0x5e: {  	_ =	shalt  }
0x5f: {  	_ =	shalt  }
0x60: {  	_ =	shalt  }
0x61: {  	_ =	shalt  }
0x62: {  	_ =	shalt  }
0x63: {  	_ =	shalt  }
0x64: {  	_ =	shalt  }
0x65: {  	_ =	shalt  }
0x66: {  	_ =	shalt  }
0x67: {  	_ =	shalt  }
0x68: {  	_ =	shalt  }
0x69: {  	_ =	shalt  }
0x6a: {  	_ =	shalt  }
0x6b: {  	_ =	shalt  }
0x6c: {  	_ =	shalt  }
0x6d: {  	_ =	shalt  }
0x6e: {  	_ =	shalt  }
0x6f: {  	_ =	shalt  }
0x70: {  	_ =	shalt  }
0x71: {  	_ =	shalt  }
0x72: {  	_ =	shalt  }
0x73: {  	_ =	shalt  }
0x74: {  	_ =	shalt  }
0x75: {  	_ =	shalt  }
0x76: {  	_ =	shalt  }
0x77: {  	_ =	shalt  }
0x78: {  	_ =	shalt  }
0x79: {  	_ =	shalt  }
0x7a: {  	_ =	shalt  }
0x7b: {  	_ =	shalt  }
0x7c: {  	_ =	shalt  }
0x7d: {  	_ =	shalt  }
0x7e: {  	_ =	shalt  }
0x7f: {  	_ =	shalt  }
0x80: {  	_ =	shalt  }
0x81: {  	_ =	shalt  }
0x82: {  	_ =	shalt  }
0x83: {  	_ =	shalt  }
0x84: {  	_ =	shalt  }
0x85: {  	_ =	shalt  }
0x86: {  	_ =	shalt  }
0x87: {  	_ =	shalt  }
.Lfunc_end0:
.L_simem_size_0:
called_computation.1_lowered:
.L_overlay_start_0:
0x88: {  	s2 =	sld [smem:$0x3FD9]  }
0x89: {  	s3 =	sld [smem:$0x3FFE];
	_ =	sdelay $0x1  }
0x8a: {  	s1 =	srdreg.scid  }
0x8b: {  	s0 =	sand.u32 $0x1, s1  }
0x8c: {  	s14 =	sshll.u32 s0, $0xA;
	s2 =	sadd.s32 s3, s2  }
0x8d: {  	s2 =	sadd.s32 s2, s14  }
0x8e: {  	[smem:$0x3FB5] =	sst s2  }
0x8f: {  	_ = 	snop  }
0x90: {  	s2 =	sld [smem:$0x3FD0];
	_ =	sdelay $0x2  }
0x91: {  	s15 =	simm.s32 $0xA;
	s4 =	simm.s32 $0x10  }
0x92: {  	[smem:s4], [sflag:s15] =	dma.local [hbm:s2], $0x1  }
0x93: {  	_ =	swait.eq [sflag:s15], $0x1  }
0x94: {  	[sflag:s15] =	ssyncset.done $0x0  }
0x95: {  	[sflag:s15] =	ssyncadd.s32 $0xFFFFFFFF  }
0x96: {  	s16 =	sld [smem:$0x12];
	(tm) =	ssettm $0x1  }
0x97: {  	s17 =	sld [smem:$0x3FFB];
	_ =	sdelay $0x3  }
0x98: {  	_ =	strace s17  }
0x99: {  	s3 =	sld [smem:$0x3FFC];
	_ =	sdelay $0x3  }
0x9a: {  	_ =	strace s3  }
0x9b: {  	s3 =	sld [smem:$0x3FFD];
	_ =	sdelay $0x3  }
0x9c: {  	_ =	strace s3  }
0x9d: {  	_ =	strace $0x8FFFFFFF  }
0x9e: {  	s18 =	sld [smem:$0x3FDB];
	_ =	sdelay $0x1  }
0x9f: {  	s19 =	simm.s32 $_scs_section_size  }
0xa0: {  	s5 =	simm.s32 $_size__tile_overlayer_lowered;
	s6 =	simm.s32 $_tile_overlayer_lowered  }
0xa1: {  	s22 =	simm.s32 $0x1BFF;
	s21 =	sshll.u32 s6, $0x1;
	s3 =	sadd.s32 s19, s18  }
0xa2: {  	s7 =	simm.s32 $0x0;
	s20 =	sshll.u32 s5, $0x1;
	s5 =	sadd.s32 s21, s3  }
0xa3: {  	[timem:s7], [sflag:s22] =	dma.local [hbm:s5], s20  }
0xa4: {  	_ =	swait.ge [sflag:s22], s20  }
0xa5: {  	s4 =	ssub.s32 $0x0, s20;
	[sflag:s22] =	ssyncset.done $0x0  }
0xa6: {  	[sflag:s22] =	ssyncadd.s32 s4;
	_ =	sdelay $0x1  }
0xa7: {  	s23 =	simm.s32 $0x1B8B  }
0xa8: {  	_ =	swait.ge [sflag:s23], $0x1  }
0xa9: {  	[sflag:s23] =	ssyncset.done $0x0  }
0xaa: {  	s25 =	simm.s32 $0x1B8E;
	s24 =	sld [smem:$0x3FFE];
	[sflag:s23] =	ssyncadd.s32 $0xFFFFFFFF  }
0xab: {  	s26 =	simm.s32 $execute0_lowered;
	[smem:$0x3FD2] =	sst s25  }
0xac: {  	s5 =	sshll.u32 s26, $0x1;
	_ =	strace $0x80000049;
	[dreg:$0x1] =	wrdreg $0xFFFFFFFF  }
0xad: {  	s28 =	simm.s32 $_size_execute0_lowered;
	s3 =	sadd.s32 s3, s5;
	[dreg:$0x0] =	wrdreg $0x0  }
0xae: {  	s5 =	sshll.u32 s28, $0x1;
	[dreg:$0x2] =	wrdreg s3  }
0xaf: {  	[dreg:$0x3] =	wrdreg s5  }
0xb0: {  	[dreg:$0x4] =	wrdreg $0xC0  }
0xb1: {  	_ =	task [dreg:s7], $0x5FFFF  }
0xb2: {  	[dreg:$0x1] =	wrdreg $0xFFFFFFFF  }
0xb3: {  	[dreg:$0x0] =	wrdreg $0x60  }
0xb4: {  	[dreg:$0x2] =	wrdreg s24  }
0xb5: {  	[dreg:$0x3] =	wrdreg s16  }
0xb6: {  	[dreg:$0x4] =	wrdreg $0x0  }
0xb7: {  	[dreg:$0x5] =	wrdreg $0x9  }
0xb8: {  	_ =	task.clear_ibuf [dreg:s7], $0x6FFFF;
	_ =	strace $0x90000049  }
0xb9: {  	s29 =	simm.s32 $0x9;
	_ =	strace $0x8000004B  }
0xba: {  	_ =	swait.ge [sflag:s29], $0x1  }
0xbb: {  	[sflag:s29] =	ssyncadd.s32 $0xFFFFFFFF  }
0xbc: {  	_ =	strace $0x9000004B  }
0xbd: {  	_ =	sfence  }
0xbe: {  	s30 =	sld [smem:$0x0];
	_ =	sdelay $0x2  }
0xbf: {  	s31 =	sshll.u32 s1, $0xD;
	s1 =	sshrl.u32 s1, $0x2  }
0xc0: {  	s3 =	sand.u32 $0x4000, s31;
	s1 =	sadd.s32 s1, s30  }
0xc1: {  	s0 =	sor.u32 s3, s0;
	s1 =	sshll.u32 s1, $0x11  }
0xc2: {  	s0 =	sor.u32 s1, s0  }
0xc3: {  	s0 =	sadd.s32 $0x8F2B, s0  }
0xc4: {  	[sflag:s0] =	ssyncadd.remote.s32 $0x1  }
0xc5: {  	_ =	sfence.sel $0xFFFF  }
0xc6: {  	[dreg:$0x0] =	wrdreg $0xFFFFFFFF;
	(pc) =	sbr.abs _section_cstart, $3  }
0xc7: {  	[dreg:$0x1] =	wrdreg $0xFFFFFFFF  }
0xc8: {  	_ =	task.clear_ibuf [dreg:s7], $0x2FFFF;
	_ =	strace $0x9FFFFFFF  }
0xc9: {  	(tm) =	ssettm $0x7FFFFFFF  }
tec
execute0_lowered:
.L_overlay_start_1:
0x0: {  	(tag) =	ssettag $0x1  }
0x1: {  	s0 =	srdreg.scid;
	s1 =	rddreg [dreg:$0x0]  }
0x2: {  	s11 =	stileid.u32;
	s2 =	rddreg [dreg:$0x1];
	s5 =	simm.s32 $0x0  }
0x3: {  	s15 =	simm.s32 $0x5;
	s18 =	simm.s32 $0x80;
	s19 =	simm.s32 $0x14100  }
0x4: {  	s20 =	simm.s32 $0x14400;
	s21 =	simm.s32 $0x14180;
	s22 =	simm.s32 $0x18400  }
0x5: {  	s28 =	simm.s32 $0x14080;
	s29 =	simm.s32 $0x4;
	s30 =	simm.s32 $0x14200  }
0x6: {  	s31 =	simm.s32 $0x0;
	s0 =	sand.u32 $0x1, s0;
	s3 =	sshll.u32 s11, $0x1  }
0x7: {  	[smem:$0x7FF] =	sst s5;
	s9 =	smul.u32 $0x13C00, s11;
	s5 =	sadd.s32 $0x14E00, s1  }
0x8: {  	s6 =	sadd.s32 $0x28E00, s1;
	s10 =	smul.u32 $0x4F000, s11;
	s12 =	sadd.s32 $0xD600, s1  }
0x9: {  	s25 =	sshll.u32 s11, $0x6;
	s4 =	sor.u32 s0, s3;
	s8 =	smul.u32 $0x13C000, s0  }
0xa: {  	s3 =	rddreg [dreg:$0x2];
	_ =	strace $0x8000004A;
	s7 =	smul.u32 $0x16, s4  }
0xb: {  	s0 =	ssub.s32 $0x2, s0;
	[dreg:$0x4] =	wrdreg s12;
	s26 =	smul.u32 $0xA00, s4  }
0xc: {  	s23 =	sshrl.u32 s0, $0x1;
	s24 =	sshrl.u32 s10, $0x2;
	s10 =	smul.u32 $0xA0, s4  }
0xd: {  	s8 =	sadd.s32 s9, s8;
	s0 =	ssub.s32 s0, s23;
	s14 =	sadd.s32 s24, s3  }
.Ltmp0:
0xe: {  	s23 =	simm.s32 $0x1;
	s24 =	simm.s32 $0x14000;
	(pc) =	sbr.rel .LBB2_1-.Ltmp0, $4  }
0xf: {  	s7 =	sadd.s32 s7, s1;
	s8 =	sshrl.u32 s8, $0x3;
	s11 =	sadd.s32 s5, s26  }
0x10: {  	s13 =	smax.u32 s0, $0x1;
	s14 =	sshrl.u32 s14, $0x3;
	s26 =	simm.s32 $0x2  }
0x11: {  	s1 =	sadd.s32 s8, s1;
	s8 =	sor.u32 $0x1C05, s25;
	s7 =	sadd.s32 $0xD200, s7  }
0x12: {  	s25 =	simm.s32 $0x3;
	[dreg:$0x5] =	wrdreg s7;
	s12 =	sadd.s32 $0x3CE00, s1  }
.LBB2_11:
0x13: {  	_ =	swait.ge [sflag:s23], $0x4000  }
0x14: {  	[sflag:s23] =	ssyncset.done $0x0  }
0x15: {  	[sflag:s23] =	ssyncadd.s32 $0xFFFFC000  }
0x16: {  	_ =	swait.ge [sflag:s29], $0x4000  }
0x17: {  	s31 =	sadd.s32 $0x1, s31;
	[sflag:s29] =	ssyncset.done $0x0  }
0x18: {  	p0 =	sne.s32 s31, s13;
	[sflag:s29] =	ssyncadd.s32 $0xFFFFC000  }
.Ltmp1:
0x19: {  	[bflag:$0x0] =	sbarrier.arrive $0xFFFF;
	(pc) =	sbr.rel @!p0 .LBB2_12-.Ltmp1, $4  }
0x1a: {  	[hbm:s12], [sflag:s8] =	dma.local [spmem:s14], $0x2780  }
0x1b: {  	_ =	swait.ge [sflag:s15], $0x2780  }
0x1c: {  	[sflag:s15] =	ssyncset.done $0x0  }
0x1d: {  	[sflag:s15] =	ssyncadd.s32 $0xFFFFD880  }
.LBB2_1:
0x1e: {  	s0 =	rddreg [dreg:$0x4]  }
0x1f: {  	[spmem:s14], [sflag:s8] =	dma.local [hbm:s0], $0x2780  }
0x20: {  	_ =	swait.ge [sflag:s15], $0x2780  }
0x21: {  	s16 =	simm.s32 $0x0;
	[sflag:s15] =	ssyncset.done $0x0  }
0x22: {  	s4 =	simm.s32 $0x14300;
	s1 =	rddreg [dreg:$0x5];
	[sflag:s15] =	ssyncadd.s32 $0xFFFFD880  }
0x23: {  	[tilespmem:s4], [sflag:$0x5] =	stream.linear.gather [hbm4b:s1+s16], $0xB0, $0x38;
	[tilespmem:$0x1C400] =	vst v63  }
0x24: {  	_ =	swait.ge [sflag:s15], $0xB0  }
0x25: {  	[sflag:s15] =	ssyncset.done $0x0  }
0x26: {  	[sflag:s15] =	ssyncadd.s32 $0xFFFFFF50  }
0x27: {  	s17 =	simm.s32 $0x13C00;
	[bflag:$0x0] =	sbarrier.arrive $0xFFFF  }
0x28: {  	[tilespmem:s17], [sflag:$0x5] =	stream.linear.gather [hbm4b:s11+s16], $0x400, $0x38;
	[tilespmem:$0x1C400] =	vst v63  }
0x29: {  	_ =	swait.ge [sflag:s15], $0x400  }
0x2a: {  	[sflag:s15] =	ssyncset.done $0x0  }
0x2b: {  	[sflag:s15] =	ssyncadd.s32 $0xFFFFFC00  }
0x2c: {  	v0 =	vld [tilespmem:$0x13C00];
	_ =	sdelay $0x1  }
0x2d: {  	v1 =	vld [tilespmem:$0x13C10];
	_ =	sdelay $0x1  }
0x2e: {  	v2 =	vld [tilespmem:$0x13C20]  }
0x2f: {  	v3 =	vshrl.u32 v0, $0xE  }
0x30: {  	v45 =	vld [tilespmem:$0x13C30];
	v0 =	vand.u32 $0x3FFF, v0;
	[tilespmem:$0x14000] =	vst v3  }
0x31: {  	v46 =	vshrl.u32 v1, $0xE;
	[tilespmem:$0x14100] =	vst v0  }
0x32: {  	v48 =	vld [tilespmem:$0x13C40];
	v47 =	vand.u32 $0x3FFF, v1;
	[tilespmem:$0x14010] =	vst v46  }
0x33: {  	v49 =	vshrl.u32 v2, $0xE;
	[tilespmem:$0x14110] =	vst v47  }
0x34: {  	v51 =	vld [tilespmem:$0x13C50];
	v50 =	vand.u32 $0x3FFF, v2;
	[tilespmem:$0x14020] =	vst v49  }
0x35: {  	v52 =	vshrl.u32 v45, $0xE;
	[tilespmem:$0x14120] =	vst v50  }
0x36: {  	v54 =	vld [tilespmem:$0x13C60];
	v53 =	vand.u32 $0x3FFF, v45;
	[tilespmem:$0x14030] =	vst v52  }
0x37: {  	v55 =	vshrl.u32 v48, $0xE;
	[tilespmem:$0x14130] =	vst v53  }
0x38: {  	v57 =	vld [tilespmem:$0x13C70];
	v56 =	vand.u32 $0x3FFF, v48;
	[tilespmem:$0x14040] =	vst v55  }
0x39: {  	v58 =	vshrl.u32 v51, $0xE;
	[tilespmem:$0x14140] =	vst v56  }
0x3a: {  	v59 =	vand.u32 $0x3FFF, v51;
	[tilespmem:$0x14050] =	vst v58  }
0x3b: {  	v60 =	vshrl.u32 v54, $0xE;
	[tilespmem:$0x14150] =	vst v59  }
.Ltmp2:
0x3c: {  	v61 =	vand.u32 $0x3FFF, v54;
	[tilespmem:$0x14060] =	vst v60;
	(pc) =	sbr.rel .LBB2_2-.Ltmp2, $4  }
0x3d: {  	v62 =	vshrl.u32 v57, $0xE;
	[tilespmem:$0x14160] =	vst v61  }
0x3e: {  	v63 =	vand.u32 $0x3FFF, v57;
	[tilespmem:$0x14070] =	vst v62  }
0x3f: {  	s1 =	simm.s32 $0x0;
	[tilespmem:$0x14170] =	vst v63  }
0x40: {  	[tilespmem:s20], [sflag:$0x1] =	stream.indirect.gather [hbm4b:s2+s18], $0x80, s19, s18, $0xb8;
	[tilespmem:$0x1C400] =	vst v63  }
.LBB2_10:
0x41: {  	s1 =	sadd.s32 $0x1, s1  }
0x42: {  	p0 =	sne.s32 s1, $0x50  }
.Ltmp3:
0x43: {  	_ = 	snop;
	(pc) =	sbr.rel @!p0 .LBB2_11-.Ltmp3, $2  }
0x44: {  	_ =	sdelay $0x2  }
0x45: {  	[spmem:s3] =	stream.indirect.scatter.add.f32 [tilespmem:s22], [sflag:$0x4], $0x80, s28, s18, $0xb8;
	[tilespmem:$0x1C400] =	vst v63  }
.LBB2_2:
0x46: {  	p0 =	seq.s32 s1, $0x0  }
0x47: {  	s4 =	simm.s32 @!p0 $0x4  }
0x48: {  	s0 =	sshllo.u32 s1, $0x1;
	_ =	swait.ge @!p0 [sflag:s4], $0x4000  }
0x49: {  	s7 =	sshll.u32 s0, $0x7;
	[sflag:s4] =	ssyncset.done @!p0 $0x0  }
0x4a: {  	s16 =	sand.u32 $0x380, s7;
	[sflag:s4] =	ssyncadd.s32 @!p0 $0xFFFFC000  }
0x4b: {  	v0 =	vld [tilespmem:s16+$0x13C00];
	_ =	sdelay $0x4  }
0x4c: {  	v1 =	vshrl.u32 v0, $0xE  }
0x4d: {  	v0 =	vand.u32 $0x3FFF, v0;
	[tilespmem:$0x14080] =	vst v1  }
0x4e: {  	[tilespmem:$0x14180] =	vst v0  }
0x4f: {  	v0 =	vld [tilespmem:s16+$0x13C10];
	_ =	sdelay $0x4  }
0x50: {  	v56 =	vshrl.u32 v0, $0xE  }
0x51: {  	v0 =	vand.u32 $0x3FFF, v0;
	[tilespmem:$0x14090] =	vst v56  }
0x52: {  	[tilespmem:$0x14190] =	vst v0  }
0x53: {  	v0 =	vld [tilespmem:s16+$0x13C20];
	_ =	sdelay $0x4  }
0x54: {  	v57 =	vshrl.u32 v0, $0xE  }
0x55: {  	v0 =	vand.u32 $0x3FFF, v0;
	[tilespmem:$0x140A0] =	vst v57  }
0x56: {  	[tilespmem:$0x141A0] =	vst v0  }
0x57: {  	v0 =	vld [tilespmem:s16+$0x13C30];
	_ =	sdelay $0x4  }
0x58: {  	v58 =	vshrl.u32 v0, $0xE  }
0x59: {  	v0 =	vand.u32 $0x3FFF, v0;
	[tilespmem:$0x140B0] =	vst v58  }
0x5a: {  	[tilespmem:$0x141B0] =	vst v0  }
0x5b: {  	v0 =	vld [tilespmem:s16+$0x13C40];
	_ =	sdelay $0x4  }
0x5c: {  	v59 =	vshrl.u32 v0, $0xE  }
0x5d: {  	v0 =	vand.u32 $0x3FFF, v0;
	[tilespmem:$0x140C0] =	vst v59  }
0x5e: {  	[tilespmem:$0x141C0] =	vst v0  }
0x5f: {  	v0 =	vld [tilespmem:s16+$0x13C50];
	_ =	sdelay $0x4  }
0x60: {  	v60 =	vshrl.u32 v0, $0xE  }
0x61: {  	v0 =	vand.u32 $0x3FFF, v0;
	[tilespmem:$0x140D0] =	vst v60  }
0x62: {  	[tilespmem:$0x141D0] =	vst v0  }
0x63: {  	v0 =	vld [tilespmem:s16+$0x13C60];
	_ =	sdelay $0x4  }
0x64: {  	v61 =	vshrl.u32 v0, $0xE  }
0x65: {  	v0 =	vand.u32 $0x3FFF, v0;
	[tilespmem:$0x140E0] =	vst v61  }
0x66: {  	[tilespmem:$0x141E0] =	vst v0  }
0x67: {  	v0 =	vld [tilespmem:s16+$0x13C70];
	_ =	sdelay $0x4  }
0x68: {  	v62 =	vshrl.u32 v0, $0xE  }
0x69: {  	v0 =	vand.u32 $0x3FFF, v0;
	[tilespmem:$0x140F0] =	vst v62  }
0x6a: {  	[tilespmem:$0x141F0] =	vst v0  }
0x6b: {  	[tilespmem:s22], [sflag:$0x2] =	stream.indirect.gather [hbm4b:s2+s18], $0x80, s21, s18, $0xb8;
	[tilespmem:$0x1C400] =	vst v63  }
0x6c: {  	_ =	swait.ge [sflag:s23], $0x4000  }
0x6d: {  	[sflag:s23] =	ssyncset.done $0x0  }
0x6e: {  	s16 =	sshll.u32 s1, $0x1;
	[sflag:s23] =	ssyncadd.s32 $0xFFFFC000  }
0x6f: {  	v63 =	vld [tilespmem:s16+$0x14300];
	_ =	sdelay $0x4  }
0x70: {  	(v2sf) =	vpush v63, $0x0;
	_ =	sdelay $0xe  }
0x71: {  	s17 =	spop (v2sf)  }
0x72: {  	p0 =	seq.s32 s17, $0x0  }
.Ltmp4:
0x73: {  	_ = 	snop;
	(pc) =	sbr.rel @p0 .LBB2_6-.Ltmp4, $1  }
0x74: {  	_ =	sdelay $0x3  }
0x75: {  	s4 =	sadd.s32 s10, s16  }
0x76: {  	s4 =	sshll.u32 s4, $0x4  }
0x77: {  	s7 =	simm.s32 $0x0;
	s4 =	sadd.s32 s6, s4  }
0x78: {  	[tilespmem:s30], [sflag:$0x5] =	stream.linear.gather [hbm4b:s4+s7], $0x80, $0x38;
	[tilespmem:$0x1C400] =	vst v63  }
0x79: {  	_ =	swait.ge [sflag:s15], $0x80  }
0x7a: {  	[sflag:s15] =	ssyncset.done $0x0  }
0x7b: {  	s17 =	simm.s32 $0x14440;
	[sflag:s15] =	ssyncadd.s32 $0xFFFFFF80  }
0x7c: {  	v4 =	vld [tilespmem:s17+$0x30]  }
0x7d: {  	v7 =	vld [tilespmem:s17+$0x10]  }
0x7e: {  	s9 =	simm.s32 $0x0;
	v5 =	vld [tilespmem:s17+$0xFFFFFFC0]  }
0x7f: {  	v1 =	vld.msk [tilespmem:s9+$0x14200 ss:$0x0], $0xffff  }
0x80: {  	v9 =	vld [tilespmem:s17+$0xFFFFFFE0]  }
0x81: {  	v0 =	vld [tilespmem:s17+$0xFFFFFFF0]  }
0x82: {  	v2 =	vld [tilespmem:s17+$0x20]  }
0x83: {  	v3 =	vld [tilespmem:s17+$0xFFFFFFD0]  }
0x84: {  	v8 =	vmul.f32 v4, v1;
	v4 =	vld [tilespmem:s17+$0x0]  }
0x85: {  	v6 =	vmul.f32 v1, v5  }
0x86: {  	s4 =	simm.s32 $0x4;
	s7 =	simm.s32 $0x14440;
	v5 =	vmul.f32 v9, v1;
	v7 =	vmul.f32 v7, v1  }
.LBB2_4:
0x87: {  	p0 =	sne.s32 s4, $0x1FC  }
0x88: {  	v3 =	vmul.f32 v3, v1;
	v2 =	vmul.f32 v2, v1;
	[tilespmem:s17+$0x30] =	vst v8;
	s7 =	sadd.s32 $0x80, s7;
	s9 =	smov.u32 s4;
	s4 =	sadd.s32 $0x4, s4  }
0x89: {  	[tilespmem:s17+$0xFFFFFFC0] =	vst v6;
	v6 =	vmul.f32 v0, v1;
	v1 =	vmul.f32 v4, v1  }
0x8a: {  	[tilespmem:s17+$0x10] =	vst v7  }
0x8b: {  	[tilespmem:s17+$0xFFFFFFE0] =	vst v5  }
0x8c: {  	v0 =	vld [tilespmem:s7+$0xFFFFFFF0];
	[tilespmem:s17+$0xFFFFFFF0] =	vst v6  }
0x8d: {  	v5 =	vld [tilespmem:s7+$0x30];
	[tilespmem:s17+$0x0] =	vst v1  }
0x8e: {  	v7 =	vld [tilespmem:s7+$0x10];
	[tilespmem:s17+$0x20] =	vst v2  }
0x8f: {  	s9 =	sshra.s32 s9, $0x2;
	v6 =	vld [tilespmem:s7+$0xFFFFFFC0];
	[tilespmem:s17+$0xFFFFFFD0] =	vst v3;
	s17 =	smov.u32 s7  }
0x90: {  	v1 =	vld.msk [tilespmem:s9+$0x14200 ss:$0x0], $0xffff  }
0x91: {  	v9 =	vld [tilespmem:s7+$0xFFFFFFE0]  }
0x92: {  	v2 =	vld [tilespmem:s7+$0x20]  }
.Ltmp5:
0x93: {  	v3 =	vld [tilespmem:s7+$0xFFFFFFD0];
	(pc) =	sbr.rel @p0 .LBB2_4-.Ltmp5, $3  }
0x94: {  	v4 =	vld [tilespmem:s7+$0x0];
	_ =	sdelay $0x1  }
0x95: {  	v6 =	vmul.f32 v1, v6;
	v8 =	vmul.f32 v5, v1  }
0x96: {  	v7 =	vmul.f32 v7, v1;
	v5 =	vmul.f32 v9, v1  }
0x97: {  	[tilespmem:s17+$0x30] =	vst v8  }
0x98: {  	[tilespmem:s17+$0xFFFFFFC0] =	vst v6  }
0x99: {  	v0 =	vmul.f32 v0, v1;
	[tilespmem:s17+$0x10] =	vst v7  }
0x9a: {  	v2 =	vmul.f32 v2, v1;
	[tilespmem:s17+$0xFFFFFFE0] =	vst v5  }
0x9b: {  	v63 =	vmul.f32 v3, v1;
	[tilespmem:s17+$0xFFFFFFF0] =	vst v0  }
0x9c: {  	v4 =	vmul.f32 v4, v1;
	[tilespmem:s17+$0x20] =	vst v2  }
0x9d: {  	[tilespmem:s17+$0xFFFFFFD0] =	vst v63  }
0x9e: {  	[tilespmem:s17+$0x0] =	vst v4  }
.LBB2_6:
0x9f: {  	[spmem:s3] =	stream.indirect.scatter.add.f32 [tilespmem:s20], [sflag:$0x3], $0x80, s24, s18, $0xb8;
	[tilespmem:$0x1C400] =	vst v63  }
0xa0: {  	s4 =	sadd.s32 $0x2, s16  }
0xa1: {  	p0 =	seq.s32 s4, $0xA0  }
0xa2: {  	s4 =	simm.s32 @p0 $0x0  }
0xa3: {  	s7 =	sand.u32 $0x6, s4  }
0xa4: {  	p0 =	sne.s32 s7, $0x0  }
0xa5: {  	s4 =	sadd.s32 @!p0 s10, s4  }
0xa6: {  	s4 =	sshll.u32 @!p0 s4, $0x4  }
0xa7: {  	s4 =	sand.u32 @!p0 $0xFFFFF80, s4  }
0xa8: {  	s9 =	simm.s32 @!p0 $0x0;
	s17 =	simm.s32 @!p0 $0x13C00;
	s4 =	sadd.s32 @!p0 s5, s4  }
0xa9: {  	[tilespmem:s17], [sflag:$0x5] =	stream.linear.gather @!p0 [hbm4b:s4+s9], $0x400, $0x38;
	[tilespmem:$0x1C400] =	vst v63  }
0xaa: {  	s4 =	simm.s32 @!p0 $0x5  }
0xab: {  	_ =	swait.ge @!p0 [sflag:s4], $0x400  }
0xac: {  	[sflag:s4] =	ssyncset.done @!p0 $0x0  }
0xad: {  	[sflag:s4] =	ssyncadd.s32 @!p0 $0xFFFFFC00  }
0xae: {  	_ =	swait.ge [sflag:s25], $0x4000  }
0xaf: {  	[sflag:s25] =	ssyncset.done $0x0  }
0xb0: {  	s9 =	sshll.u32 s7, $0x7;
	[sflag:s25] =	ssyncadd.s32 $0xFFFFC000  }
0xb1: {  	v0 =	vld [tilespmem:s9+$0x13C00];
	_ =	sdelay $0x4  }
0xb2: {  	v1 =	vshrl.u32 v0, $0xE  }
0xb3: {  	v0 =	vand.u32 $0x3FFF, v0;
	[tilespmem:$0x14000] =	vst v1  }
0xb4: {  	[tilespmem:$0x14100] =	vst v0  }
0xb5: {  	v0 =	vld [tilespmem:s9+$0x13C10];
	_ =	sdelay $0x4  }
0xb6: {  	v56 =	vshrl.u32 v0, $0xE  }
0xb7: {  	v0 =	vand.u32 $0x3FFF, v0;
	[tilespmem:$0x14010] =	vst v56  }
0xb8: {  	[tilespmem:$0x14110] =	vst v0  }
0xb9: {  	v0 =	vld [tilespmem:s9+$0x13C20];
	_ =	sdelay $0x4  }
0xba: {  	v57 =	vshrl.u32 v0, $0xE  }
0xbb: {  	v0 =	vand.u32 $0x3FFF, v0;
	[tilespmem:$0x14020] =	vst v57  }
0xbc: {  	[tilespmem:$0x14120] =	vst v0  }
0xbd: {  	v0 =	vld [tilespmem:s9+$0x13C30];
	_ =	sdelay $0x4  }
0xbe: {  	v58 =	vshrl.u32 v0, $0xE  }
0xbf: {  	v0 =	vand.u32 $0x3FFF, v0;
	[tilespmem:$0x14030] =	vst v58  }
0xc0: {  	[tilespmem:$0x14130] =	vst v0  }
0xc1: {  	v0 =	vld [tilespmem:s9+$0x13C40];
	_ =	sdelay $0x4  }
0xc2: {  	v59 =	vshrl.u32 v0, $0xE  }
0xc3: {  	v0 =	vand.u32 $0x3FFF, v0;
	[tilespmem:$0x14040] =	vst v59  }
0xc4: {  	[tilespmem:$0x14140] =	vst v0  }
0xc5: {  	v0 =	vld [tilespmem:s9+$0x13C50];
	_ =	sdelay $0x4  }
0xc6: {  	v60 =	vshrl.u32 v0, $0xE  }
0xc7: {  	v0 =	vand.u32 $0x3FFF, v0;
	[tilespmem:$0x14050] =	vst v60  }
0xc8: {  	[tilespmem:$0x14150] =	vst v0  }
0xc9: {  	v0 =	vld [tilespmem:s9+$0x13C60];
	_ =	sdelay $0x4  }
0xca: {  	v61 =	vshrl.u32 v0, $0xE  }
0xcb: {  	v0 =	vand.u32 $0x3FFF, v0;
	[tilespmem:$0x14060] =	vst v61  }
0xcc: {  	[tilespmem:$0x14160] =	vst v0  }
0xcd: {  	v0 =	vld [tilespmem:s9+$0x13C70];
	_ =	sdelay $0x4  }
0xce: {  	v62 =	vshrl.u32 v0, $0xE  }
0xcf: {  	v0 =	vand.u32 $0x3FFF, v0;
	[tilespmem:$0x14070] =	vst v62  }
0xd0: {  	[tilespmem:$0x14170] =	vst v0  }
0xd1: {  	[tilespmem:s20], [sflag:$0x1] =	stream.indirect.gather [hbm4b:s2+s18], $0x80, s19, s18, $0xb8;
	[tilespmem:$0x1C400] =	vst v63  }
0xd2: {  	_ =	swait.ge [sflag:s26], $0x4000  }
0xd3: {  	[sflag:s26] =	ssyncset.done $0x0  }
0xd4: {  	[sflag:s26] =	ssyncadd.s32 $0xFFFFC000  }
0xd5: {  	v63 =	vld [tilespmem:s16+$0x14301];
	_ =	sdelay $0x4  }
0xd6: {  	(v2sf) =	vpush v63, $0x0;
	_ =	sdelay $0xe  }
0xd7: {  	s17 =	spop (v2sf)  }
0xd8: {  	p0 =	seq.s32 s17, $0x0  }
.Ltmp6:
0xd9: {  	_ = 	snop;
	(pc) =	sbr.rel @p0 .LBB2_10-.Ltmp6, $1  }
0xda: {  	_ =	sdelay $0x3  }
0xdb: {  	s0 =	sadd.s32 s10, s0  }
0xdc: {  	s0 =	sshll.u32 s0, $0x4  }
0xdd: {  	s0 =	sand.u32 $0x1FFFFFF0, s0  }
0xde: {  	s4 =	simm.s32 $0x0;
	s0 =	sadd.s32 s6, s0  }
0xdf: {  	[tilespmem:s30], [sflag:$0x5] =	stream.linear.gather [hbm4b:s0+s4], $0x80, $0x38;
	[tilespmem:$0x1C400] =	vst v63  }
0xe0: {  	_ =	swait.ge [sflag:s15], $0x80  }
0xe1: {  	[sflag:s15] =	ssyncset.done $0x0  }
0xe2: {  	s0 =	simm.s32 $0x18440;
	[sflag:s15] =	ssyncadd.s32 $0xFFFFFF80  }
0xe3: {  	v4 =	vld [tilespmem:s0+$0x30]  }
0xe4: {  	v7 =	vld [tilespmem:s0+$0x10]  }
0xe5: {  	s17 =	simm.s32 $0x0;
	v5 =	vld [tilespmem:s0+$0xFFFFFFC0]  }
0xe6: {  	v1 =	vld.msk [tilespmem:s17+$0x14200 ss:$0x0], $0xffff  }
0xe7: {  	v9 =	vld [tilespmem:s0+$0xFFFFFFE0]  }
0xe8: {  	v0 =	vld [tilespmem:s0+$0xFFFFFFF0]  }
0xe9: {  	v2 =	vld [tilespmem:s0+$0x20]  }
0xea: {  	v3 =	vld [tilespmem:s0+$0xFFFFFFD0]  }
0xeb: {  	v8 =	vmul.f32 v4, v1;
	v4 =	vld [tilespmem:s0+$0x0]  }
0xec: {  	v6 =	vmul.f32 v1, v5  }
0xed: {  	s7 =	simm.s32 $0x18440;
	s4 =	simm.s32 $0x4;
	v5 =	vmul.f32 v9, v1;
	v7 =	vmul.f32 v7, v1  }
.LBB2_8:
0xee: {  	p0 =	sne.s32 s4, $0x1FC  }
0xef: {  	v3 =	vmul.f32 v3, v1;
	v2 =	vmul.f32 v2, v1;
	[tilespmem:s0+$0x30] =	vst v8;
	s7 =	sadd.s32 $0x80, s7;
	s9 =	smov.u32 s4;
	s4 =	sadd.s32 $0x4, s4  }
0xf0: {  	[tilespmem:s0+$0xFFFFFFC0] =	vst v6;
	v6 =	vmul.f32 v0, v1;
	v1 =	vmul.f32 v4, v1  }
0xf1: {  	[tilespmem:s0+$0x10] =	vst v7  }
0xf2: {  	[tilespmem:s0+$0xFFFFFFE0] =	vst v5  }
0xf3: {  	v0 =	vld [tilespmem:s7+$0xFFFFFFF0];
	[tilespmem:s0+$0xFFFFFFF0] =	vst v6  }
0xf4: {  	v5 =	vld [tilespmem:s7+$0x30];
	[tilespmem:s0+$0x0] =	vst v1  }
0xf5: {  	v7 =	vld [tilespmem:s7+$0x10];
	[tilespmem:s0+$0x20] =	vst v2  }
0xf6: {  	s9 =	sshra.s32 s9, $0x2;
	v6 =	vld [tilespmem:s7+$0xFFFFFFC0];
	[tilespmem:s0+$0xFFFFFFD0] =	vst v3;
	s0 =	smov.u32 s7  }
0xf7: {  	v1 =	vld.msk [tilespmem:s9+$0x14200 ss:$0x0], $0xffff  }
0xf8: {  	v9 =	vld [tilespmem:s7+$0xFFFFFFE0]  }
0xf9: {  	v2 =	vld [tilespmem:s7+$0x20]  }
.Ltmp7:
0xfa: {  	v3 =	vld [tilespmem:s7+$0xFFFFFFD0];
	(pc) =	sbr.rel @p0 .LBB2_8-.Ltmp7, $3  }
0xfb: {  	v4 =	vld [tilespmem:s7+$0x0];
	_ =	sdelay $0x1  }
0xfc: {  	v6 =	vmul.f32 v1, v6;
	v8 =	vmul.f32 v5, v1  }
0xfd: {  	v7 =	vmul.f32 v7, v1;
	v5 =	vmul.f32 v9, v1  }
0xfe: {  	[tilespmem:s0+$0x30] =	vst v8  }
0xff: {  	[tilespmem:s0+$0xFFFFFFC0] =	vst v6  }
0x100: {  	v0 =	vmul.f32 v0, v1;
	[tilespmem:s0+$0x10] =	vst v7  }
.Ltmp8:
0x101: {  	v2 =	vmul.f32 v2, v1;
	[tilespmem:s0+$0xFFFFFFE0] =	vst v5;
	(pc) =	sbr.rel .LBB2_10-.Ltmp8, $4  }
0x102: {  	v63 =	vmul.f32 v3, v1;
	[tilespmem:s0+$0xFFFFFFF0] =	vst v0  }
0x103: {  	v4 =	vmul.f32 v4, v1;
	[tilespmem:s0+$0x20] =	vst v2  }
0x104: {  	[tilespmem:s0+$0xFFFFFFD0] =	vst v63  }
0x105: {  	[tilespmem:s0+$0x0] =	vst v4  }
.LBB2_12:
0x106: {  	_ =	sfence.sel $0x180000  }
0x107: {  	[bflag:$0x0] =	sbarrier.arrive $0xFFFF  }
0x108: {  	_ =	strace $0x9000004A  }
0x109: {  	s0 =	stileid.u32;
	[bflag:$0x2] =	sbarrier.arrive $0xFFFF  }
0x10a: {  	p0 =	sne.s32 s0, $0x0;
	s0 =	rddreg [dreg:$0x3]  }
0x10b: {  	s0 =	sadd.s32 @!p0 $0x100000, s0  }
0x10c: {  	[sflag:s0] =	ssyncadd.tile.s32 @!p0 $0x1;
	_ =	shalt  }
.Lfunc_end2:
_tile_overlayer_lowered:
.L_overlay_start_2:
0x10d: {  	(tag) =	ssettag $0x2  }
0x10e: {  	s0 =	rddreg [dreg:$0x0];
	s2 =	stileid.u32  }
0x10f: {  	s1 =	rddreg [dreg:$0x1];
	p0 =	sne.s32 s2, $0x0  }
0x110: {  	s3 =	rddreg [dreg:$0x2];
	[bflag:$0x3] =	sbarrier.arrive $0xFFFF;
	s2 =	simm.s32 @!p0 $0x1C05  }
0x111: {  	[timem:s3], [sflag:s2] =	dma.local @!p0 [hbm:s0], s1  }
0x112: {  	s0 =	simm.s32 @!p0 $0x5  }
0x113: {  	_ =	swait.ge @!p0 [sflag:s0], s1  }
0x114: {  	s1 =	ssub.s32 @!p0 $0x0, s1;
	[sflag:s0] =	ssyncset.done @!p0 $0x0  }
0x115: {  	[sflag:s0] =	ssyncadd.s32 @!p0 s1  }
0x116: {  	[bflag:$0x3] =	sbarrier.arrive $0xFFFF  }
0x117: {  	_ =	shalt  }

</sc_bundles>
